<compile_context>
chip_gen: v7x
topology: tpu7x:2x2x1
jax: 0.10.2.dev20260603
libtpu: 0.0.44.dev20260713+nightly
codegen_flags: <defaults>
</compile_context>

<pallas_src>
import functools

import jax
import jax.numpy as jnp
from jax import lax
from jax.experimental import pallas as pl
from jax.experimental.pallas import tpu as pltpu
from jax.experimental.pallas import tpu_sc as plsc

GRID = 129
SA = 129 * 17 * 2 * 8 * 128
SH = 17 * 2 * 8 * 128
SKT = 2 * 8 * 128
SLT = 8 * 128
NC = 2
NS = 16
NW = NC * NS
CH = 8192
LANES = 16
BLK = 128
NBUF = 2


def _gather_body(pk_hbm, tab_hbm, out_hbm, pk_v, idx_v, o_v, sin, sg, sout):
    wid = lax.axis_index("s") * NC + lax.axis_index("c")
    b_per_w = out_hbm.shape[0] // NW
    n_chunks = b_per_w // CH
    base = wid * b_per_w

    def start_in(c):
        p = c % NBUF
        off = base + c * CH
        pltpu.make_async_copy(pk_hbm.at[pl.ds(off, CH)], pk_v[p], sin[p]).start()

    def wait_in(c):
        p = c % NBUF
        off = base + c * CH
        pltpu.make_async_copy(pk_hbm.at[pl.ds(off, CH)], pk_v[p], sin[p]).wait()

    def compute_idx(c):
        p = c % NBUF

        def vec_body(i, carry):
            s = pl.ds(i * LANES, LANES)
            w = pk_v[p][s]
            h = w & 255
            k = (w >> 8) & 255
            l = (w >> 16) & 255
            a = w >> 24
            idx_v[p][s] = (
                a * SA + h * SH
                + (k >> 3) * SKT + (l >> 7) * SLT
                + (k & 7) * 128 + (l & 127)
            )
            return carry

        lax.fori_loop(0, CH // LANES, vec_body, 0, unroll=8)

    def start_gather(c):
        p = c % NBUF
        pltpu.make_async_copy(tab_hbm.at[idx_v[p]], o_v[c], sg[p]).start()

    def wait_gather(c):
        p = c % NBUF
        pltpu.make_async_copy(tab_hbm.at[idx_v[p]], o_v[c], sg[p]).wait()

    def start_out(c):
        off = base + c * CH
        pltpu.make_async_copy(o_v[c], out_hbm.at[pl.ds(off, CH)], sout).start()

    def wait_out(c):
        off = base + c * CH
        pltpu.make_async_copy(o_v[c], out_hbm.at[pl.ds(off, CH)], sout).wait()

    for c in range(min(NBUF, n_chunks)):
        start_in(c)
    for c in range(n_chunks):
        if c >= NBUF:
            wait_gather(c - NBUF)
            start_out(c - NBUF)
        wait_in(c)
        compute_idx(c)
        start_gather(c)
        if c + NBUF < n_chunks:
            start_in(c + NBUF)
    for c in range(max(n_chunks - NBUF, 0), n_chunks):
        wait_gather(c)
        start_out(c)
    for c in range(n_chunks):
        wait_out(c)


def kernel(asu_id, hkl, miller_id):
    B = asu_id.shape[0]
    asu32 = asu_id.astype(jnp.int32)
    hkl32 = hkl.astype(jnp.int32)
    pk = (
        hkl32[:, 0]
        + hkl32[:, 1] * 256
        + hkl32[:, 2] * 65536
        + asu32 * 16777216
    )
    padded = jnp.pad(miller_id, ((0, 0), (0, 0), (0, 7), (0, 127)))
    tab = (
        padded.reshape(2, GRID, 17, 8, 2, 128)
        .transpose(0, 1, 2, 4, 3, 5)
        .reshape(-1)
    )
    n_chunks = B // NW // CH

    mesh = plsc.VectorSubcoreMesh(core_axis_name="c", subcore_axis_name="s")
    run = functools.partial(
        pl.kernel,
        mesh=mesh,
        out_type=jax.ShapeDtypeStruct((B,), jnp.int32),
        scratch_types=[
            [pltpu.VMEM((CH,), jnp.int32)] * NBUF,
            [pltpu.VMEM((CH,), jnp.int32)] * NBUF,
            [pltpu.VMEM((CH,), jnp.int32)] * n_chunks,
            [pltpu.SemaphoreType.DMA] * NBUF,
            [pltpu.SemaphoreType.DMA] * NBUF,
            pltpu.SemaphoreType.DMA,
        ],
    )(_gather_body)
    return run(pk, tab)

# --- scband reference (transcript-rebuilt; emitter-appended) ---
"""Pipeline reference for scband-reciprocal-asucollection-90890097918083 (READ-ONLY COPY).

The authoritative reference and input builder live on the scoring server;
editing this copy changes nothing except your own understanding.
"""

import jax, jax.numpy as jnp
import numpy as np

N_ASUS = 2
HMAX = 64
GRID = 2 * HMAX + 1  # 129
B = 1048576
ASU_SIZE = 2097152  # total number of unique Miller indices across ASUs (id range)


def setup_inputs(seed: int = 0) -> dict:
    key = jax.random.key(seed)
    k1, k2, k3 = jax.random.split(key, 3)
    # miller_id is the precomputed integer voxel grid built in __init__ from the
    # reciprocal ASUs: miller_id[asu, h, k, l] -> flat miller index (int32).
    miller_id = jax.random.randint(k1, (N_ASUS, GRID, GRID, GRID), 0, ASU_SIZE, dtype=jnp.int32)
    asu_id = jax.random.randint(k2, (B,), 0, N_ASUS, dtype=jnp.int64)
    hkl = jax.random.randint(k3, (B, 3), 0, GRID, dtype=jnp.int64)
    return {"asu_id": asu_id, "hkl": hkl, "miller_id": miller_id}


def reference(asu_id, hkl, miller_id):
    # Faithful translation of ReciprocalASUCollection.forward:
    #   h, k, l = hkl[..., 0], hkl[..., 1], hkl[..., 2]
    #   return self.miller_id[asu_id, h, k, l]
    h = hkl[..., 0]
    k = hkl[..., 1]
    l = hkl[..., 2]
    return miller_id[asu_id, h, k, l]

if __name__ == "__main__":
    import jax
    _d = setup_inputs()
    print(jax.jit(kernel)(*tuple(_d.values())))

</pallas_src>

<mosaic_0001>
#map = affine_map<(d0, d1) -> (0)>
module attributes {stable_mosaic.version = 14 : i64} {
  func.func @_gather_body(%arg0: i32, %arg1: i32, %arg2: memref<1048576xi32, #tpu.memory_space<hbm>>, %arg3: memref<8982528xi32, #tpu.memory_space<hbm>>, %arg4: memref<1048576xi32, #tpu.memory_space<hbm>>, %arg5: memref<8192xi32, #tpu.memory_space<vmem>>, %arg6: memref<8192xi32, #tpu.memory_space<vmem>>, %arg7: memref<8192xi32, #tpu.memory_space<vmem>>, %arg8: memref<8192xi32, #tpu.memory_space<vmem>>, %arg9: memref<8192xi32, #tpu.memory_space<vmem>>, %arg10: memref<8192xi32, #tpu.memory_space<vmem>>, %arg11: memref<8192xi32, #tpu.memory_space<vmem>>, %arg12: memref<8192xi32, #tpu.memory_space<vmem>>, %arg13: memref<!tpu.dma_semaphore, #tpu.memory_space<semaphore_mem>>, %arg14: memref<!tpu.dma_semaphore, #tpu.memory_space<semaphore_mem>>, %arg15: memref<!tpu.dma_semaphore, #tpu.memory_space<semaphore_mem>>, %arg16: memref<!tpu.dma_semaphore, #tpu.memory_space<semaphore_mem>>, %arg17: memref<!tpu.dma_semaphore, #tpu.memory_space<semaphore_mem>>) attributes {dimension_semantics = [#tpu.dimension_semantics<core_parallel>, #tpu.dimension_semantics<subcore_parallel>], iteration_bounds = array<i64: 2, 16>, scalar_prefetch = 0 : i64, scratch_operands = 13 : i64, tpu.core_type = #tpu.core_type<sc_vector_subcore>, window_params = [{transform_indices = #map}, {transform_indices = #map}, {transform_indices = #map}]} {
    %mul3A = arith.constant 2 : i32
    %mul3A_0 = arith.muli %arg1, %mul3A : i32
    %add3A = arith.addi %mul3A_0, %arg0 : i32
    %mul3A_1 = arith.constant 32768 : i32
    %mul3A_2 = arith.muli %add3A, %mul3A_1 : i32
    %add3A_3 = arith.constant 0 : i32
    %add3A_4 = arith.addi %mul3A_2, %add3A_3 : i32
    %dma_start3A = tpu.memref_slice %arg2[%add3A_4] : memref<1048576xi32, #tpu.memory_space<hbm>> -> memref<8192xi32, #tpu.memory_space<hbm>>
    %dma_start3A_5 = tpu.memref_slice %arg2[%add3A_4] : memref<1048576xi32, #tpu.memory_space<hbm>> -> memref<8192xi32, #tpu.memory_space<hbm>>
    tpu.enqueue_dma source(%dma_start3A_5 : memref<8192xi32, #tpu.memory_space<hbm>>) target(%arg5 : memref<8192xi32, #tpu.memory_space<vmem>>) target_semaphore(%arg13 : memref<!tpu.dma_semaphore, #tpu.memory_space<semaphore_mem>>)
    %add3A_6 = arith.constant 8192 : i32
    %add3A_7 = arith.addi %mul3A_2, %add3A_6 : i32
    %dma_start3A_8 = tpu.memref_slice %arg2[%add3A_7] : memref<1048576xi32, #tpu.memory_space<hbm>> -> memref<8192xi32, #tpu.memory_space<hbm>>
    %dma_start3A_9 = tpu.memref_slice %arg2[%add3A_7] : memref<1048576xi32, #tpu.memory_space<hbm>> -> memref<8192xi32, #tpu.memory_space<hbm>>
    tpu.enqueue_dma source(%dma_start3A_9 : memref<8192xi32, #tpu.memory_space<hbm>>) target(%arg6 : memref<8192xi32, #tpu.memory_space<vmem>>) target_semaphore(%arg14 : memref<!tpu.dma_semaphore, #tpu.memory_space<semaphore_mem>>)
    %add3A_10 = arith.constant 0 : i32
    %add3A_11 = arith.addi %mul3A_2, %add3A_10 : i32
    %dma_wait3A = tpu.memref_slice %arg2[%add3A_11] : memref<1048576xi32, #tpu.memory_space<hbm>> -> memref<8192xi32, #tpu.memory_space<hbm>>
    %dma_wait3A_12 = tpu.memref_slice %arg2[%add3A_11] : memref<1048576xi32, #tpu.memory_space<hbm>> -> memref<8192xi32, #tpu.memory_space<hbm>>
    tpu.wait_dma2 semaphore(%arg13 : memref<!tpu.dma_semaphore, #tpu.memory_space<semaphore_mem>>) src(%dma_wait3A_12 : memref<8192xi32, #tpu.memory_space<hbm>>) dst(%arg5 : memref<8192xi32, #tpu.memory_space<vmem>>)
    %scan3A = arith.constant 0 : i32
    %scan3A_13 = arith.constant 0 : i32
    %scan3A_14 = arith.constant 512 : i32
    %scan3A_15 = arith.addi %scan3A_13, %scan3A_14 : i32
    %scan3A_16 = arith.constant 8 : i32
    scf.for %scan3A_104 = %scan3A_13 to %scan3A_15 step %scan3A_16  : i32 {
      %mul3A_105 = arith.constant 16 : i32
      %mul3A_106 = arith.muli %scan3A_104, %mul3A_105 : i32
      %get3A = arith.index_cast %mul3A_106 : i32 to index
      %get3A_107 = tpu.vector_load %arg5[%get3A] {strides = array<i32>} : memref<8192xi32, #tpu.memory_space<vmem>>, vector<16xi32>,
      %get3A_108 = vector.shape_cast %get3A_107 : vector<16xi32> to vector<16xi32>
      %and3A = arith.constant 255 : i32
      %and3A_109 = vector.broadcast %and3A : i32 to vector<16xi32>
      %and3A_110 = arith.andi %get3A_108, %and3A_109 : vector<16xi32>
      %shift_right_arithmetic3A = arith.constant 8 : i32
      %shift_right_arithmetic3A_111 = vector.broadcast %shift_right_arithmetic3A : i32 to vector<16xi32>
      %shift_right_arithmetic3A_112 = arith.shrsi %get3A_108, %shift_right_arithmetic3A_111 : vector<16xi32>
      %and3A_113 = arith.constant 255 : i32
      %and3A_114 = vector.broadcast %and3A_113 : i32 to vector<16xi32>
      %and3A_115 = arith.andi %shift_right_arithmetic3A_112, %and3A_114 : vector<16xi32>
      %shift_right_arithmetic3A_116 = arith.constant 16 : i32
      %shift_right_arithmetic3A_117 = vector.broadcast %shift_right_arithmetic3A_116 : i32 to vector<16xi32>
      %shift_right_arithmetic3A_118 = arith.shrsi %get3A_108, %shift_right_arithmetic3A_117 : vector<16xi32>
      %and3A_119 = arith.constant 255 : i32
      %and3A_120 = vector.broadcast %and3A_119 : i32 to vector<16xi32>
      %and3A_121 = arith.andi %shift_right_arithmetic3A_118, %and3A_120 : vector<16xi32>
      %shift_right_arithmetic3A_122 = arith.constant 24 : i32
      %shift_right_arithmetic3A_123 = vector.broadcast %shift_right_arithmetic3A_122 : i32 to vector<16xi32>
      %shift_right_arithmetic3A_124 = arith.shrsi %get3A_108, %shift_right_arithmetic3A_123 : vector<16xi32>
      %mul3A_125 = arith.constant 4491264 : i32
      %mul3A_126 = vector.broadcast %mul3A_125 : i32 to vector<16xi32>
      %mul3A_127 = arith.muli %shift_right_arithmetic3A_124, %mul3A_126 : vector<16xi32>
      %mul3A_128 = arith.constant 34816 : i32
      %mul3A_129 = vector.broadcast %mul3A_128 : i32 to vector<16xi32>
      %mul3A_130 = arith.muli %and3A_110, %mul3A_129 : vector<16xi32>
      %add3A_131 = arith.addi %mul3A_127, %mul3A_130 : vector<16xi32>
      %shift_right_arithmetic3A_132 = arith.constant 3 : i32
      %shift_right_arithmetic3A_133 = vector.broadcast %shift_right_arithmetic3A_132 : i32 to vector<16xi32>
      %shift_right_arithmetic3A_134 = arith.shrsi %and3A_115, %shift_right_arithmetic3A_133 : vector<16xi32>
      %mul3A_135 = arith.constant 2048 : i32
      %mul3A_136 = vector.broadcast %mul3A_135 : i32 to vector<16xi32>
      %mul3A_137 = arith.muli %shift_right_arithmetic3A_134, %mul3A_136 : vector<16xi32>
      %add3A_138 = arith.addi %add3A_131, %mul3A_137 : vector<16xi32>
      %shift_right_arithmetic3A_139 = arith.constant 7 : i32
      %shift_right_arithmetic3A_140 = vector.broadcast %shift_right_arithmetic3A_139 : i32 to vector<16xi32>
      %shift_right_arithmetic3A_141 = arith.shrsi %and3A_121, %shift_right_arithmetic3A_140 : vector<16xi32>
      %mul3A_142 = arith.constant 1024 : i32
      %mul3A_143 = vector.broadcast %mul3A_142 : i32 to vector<16xi32>
      %mul3A_144 = arith.muli %shift_right_arithmetic3A_141, %mul3A_143 : vector<16xi32>
      %add3A_145 = arith.addi %add3A_138, %mul3A_144 : vector<16xi32>
      %and3A_146 = arith.constant 7 : i32
      %and3A_147 = vector.broadcast %and3A_146 : i32 to vector<16xi32>
      %and3A_148 = arith.andi %and3A_115, %and3A_147 : vector<16xi32>
      %mul3A_149 = arith.constant 128 : i32
      %mul3A_150 = vector.broadcast %mul3A_149 : i32 to vector<16xi32>
      %mul3A_151 = arith.muli %and3A_148, %mul3A_150 : vector<16xi32>
      %add3A_152 = arith.addi %add3A_145, %mul3A_151 : vector<16xi32>
      %and3A_153 = arith.constant 127 : i32
      %and3A_154 = vector.broadcast %and3A_153 : i32 to vector<16xi32>
      %and3A_155 = arith.andi %and3A_121, %and3A_154 : vector<16xi32>
      %add3A_156 = arith.addi %add3A_152, %and3A_155 : vector<16xi32>
      %swap3A = arith.index_cast %mul3A_106 : i32 to index
      %swap3A_157 = tpu.vector_load %arg7[%swap3A] {strides = array<i32>} : memref<8192xi32, #tpu.memory_space<vmem>>, vector<16xi32>,
      %swap3A_158 = vector.shape_cast %swap3A_157 : vector<16xi32> to vector<16xi32>
      %swap3A_159 = vector.shape_cast %add3A_156 : vector<16xi32> to vector<16xi32>
      tpu.vector_store %arg7[%swap3A], %swap3A_159 {strides = array<i32>} : memref<8192xi32, #tpu.memory_space<vmem>>, vector<16xi32>,
      %scan3A_160 = arith.constant 1 : i32
      %scan3A_161 = arith.addi %scan3A_104, %scan3A_160 : i32
      %mul3A_162 = arith.constant 16 : i32
      %mul3A_163 = arith.muli %scan3A_161, %mul3A_162 : i32
      %get3A_164 = arith.index_cast %mul3A_163 : i32 to index
      %get3A_165 = tpu.vector_load %arg5[%get3A_164] {strides = array<i32>} : memref<8192xi32, #tpu.memory_space<vmem>>, vector<16xi32>,
      %get3A_166 = vector.shape_cast %get3A_165 : vector<16xi32> to vector<16xi32>
      %and3A_167 = arith.constant 255 : i32
      %and3A_168 = vector.broadcast %and3A_167 : i32 to vector<16xi32>
      %and3A_169 = arith.andi %get3A_166, %and3A_168 : vector<16xi32>
      %shift_right_arithmetic3A_170 = arith.constant 8 : i32
      %shift_right_arithmetic3A_171 = vector.broadcast %shift_right_arithmetic3A_170 : i32 to vector<16xi32>
      %shift_right_arithmetic3A_172 = arith.shrsi %get3A_166, %shift_right_arithmetic3A_171 : vector<16xi32>
      %and3A_173 = arith.constant 255 : i32
      %and3A_174 = vector.broadcast %and3A_173 : i32 to vector<16xi32>
      %and3A_175 = arith.andi %shift_right_arithmetic3A_172, %and3A_174 : vector<16xi32>
      %shift_right_arithmetic3A_176 = arith.constant 16 : i32
      %shift_right_arithmetic3A_177 = vector.broadcast %shift_right_arithmetic3A_176 : i32 to vector<16xi32>
      %shift_right_arithmetic3A_178 = arith.shrsi %get3A_166, %shift_right_arithmetic3A_177 : vector<16xi32>
      %and3A_179 = arith.constant 255 : i32
      %and3A_180 = vector.broadcast %and3A_179 : i32 to vector<16xi32>
      %and3A_181 = arith.andi %shift_right_arithmetic3A_178, %and3A_180 : vector<16xi32>
      %shift_right_arithmetic3A_182 = arith.constant 24 : i32
      %shift_right_arithmetic3A_183 = vector.broadcast %shift_right_arithmetic3A_182 : i32 to vector<16xi32>
      %shift_right_arithmetic3A_184 = arith.shrsi %get3A_166, %shift_right_arithmetic3A_183 : vector<16xi32>
      %mul3A_185 = arith.constant 4491264 : i32
      %mul3A_186 = vector.broadcast %mul3A_185 : i32 to vector<16xi32>
      %mul3A_187 = arith.muli %shift_right_arithmetic3A_184, %mul3A_186 : vector<16xi32>
      %mul3A_188 = arith.constant 34816 : i32
      %mul3A_189 = vector.broadcast %mul3A_188 : i32 to vector<16xi32>
      %mul3A_190 = arith.muli %and3A_169, %mul3A_189 : vector<16xi32>
      %add3A_191 = arith.addi %mul3A_187, %mul3A_190 : vector<16xi32>
      %shift_right_arithmetic3A_192 = arith.constant 3 : i32
      %shift_right_arithmetic3A_193 = vector.broadcast %shift_right_arithmetic3A_192 : i32 to vector<16xi32>
      %shift_right_arithmetic3A_194 = arith.shrsi %and3A_175, %shift_right_arithmetic3A_193 : vector<16xi32>
      %mul3A_195 = arith.constant 2048 : i32
      %mul3A_196 = vector.broadcast %mul3A_195 : i32 to vector<16xi32>
      %mul3A_197 = arith.muli %shift_right_arithmetic3A_194, %mul3A_196 : vector<16xi32>
      %add3A_198 = arith.addi %add3A_191, %mul3A_197 : vector<16xi32>
      %shift_right_arithmetic3A_199 = arith.constant 7 : i32
      %shift_right_arithmetic3A_200 = vector.broadcast %shift_right_arithmetic3A_199 : i32 to vector<16xi32>
      %shift_right_arithmetic3A_201 = arith.shrsi %and3A_181, %shift_right_arithmetic3A_200 : vector<16xi32>
      %mul3A_202 = arith.constant 1024 : i32
      %mul3A_203 = vector.broadcast %mul3A_202 : i32 to vector<16xi32>
      %mul3A_204 = arith.muli %shift_right_arithmetic3A_201, %mul3A_203 : vector<16xi32>
      %add3A_205 = arith.addi %add3A_198, %mul3A_204 : vector<16xi32>
      %and3A_206 = arith.constant 7 : i32
      %and3A_207 = vector.broadcast %and3A_206 : i32 to vector<16xi32>
      %and3A_208 = arith.andi %and3A_175, %and3A_207 : vector<16xi32>
      %mul3A_209 = arith.constant 128 : i32
      %mul3A_210 = vector.broadcast %mul3A_209 : i32 to vector<16xi32>
      %mul3A_211 = arith.muli %and3A_208, %mul3A_210 : vector<16xi32>
      %add3A_212 = arith.addi %add3A_205, %mul3A_211 : vector<16xi32>
      %and3A_213 = arith.constant 127 : i32
      %and3A_214 = vector.broadcast %and3A_213 : i32 to vector<16xi32>
      %and3A_215 = arith.andi %and3A_181, %and3A_214 : vector<16xi32>
      %add3A_216 = arith.addi %add3A_212, %and3A_215 : vector<16xi32>
      %swap3A_217 = arith.index_cast %mul3A_163 : i32 to index
      %swap3A_218 = tpu.vector_load %arg7[%swap3A_217] {strides = array<i32>} : memref<8192xi32, #tpu.memory_space<vmem>>, vector<16xi32>,
      %swap3A_219 = vector.shape_cast %swap3A_218 : vector<16xi32> to vector<16xi32>
      %swap3A_220 = vector.shape_cast %add3A_216 : vector<16xi32> to vector<16xi32>
      tpu.vector_store %arg7[%swap3A_217], %swap3A_220 {strides = array<i32>} : memref<8192xi32, #tpu.memory_space<vmem>>, vector<16xi32>,
      %scan3A_221 = arith.constant 2 : i32
      %scan3A_222 = arith.addi %scan3A_104, %scan3A_221 : i32
      %mul3A_223 = arith.constant 16 : i32
      %mul3A_224 = arith.muli %scan3A_222, %mul3A_223 : i32
      %get3A_225 = arith.index_cast %mul3A_224 : i32 to index
      %get3A_226 = tpu.vector_load %arg5[%get3A_225] {strides = array<i32>} : memref<8192xi32, #tpu.memory_space<vmem>>, vector<16xi32>,
      %get3A_227 = vector.shape_cast %get3A_226 : vector<16xi32> to vector<16xi32>
      %and3A_228 = arith.constant 255 : i32
      %and3A_229 = vector.broadcast %and3A_228 : i32 to vector<16xi32>
      %and3A_230 = arith.andi %get3A_227, %and3A_229 : vector<16xi32>
      %shift_right_arithmetic3A_231 = arith.constant 8 : i32
      %shift_right_arithmetic3A_232 = vector.broadcast %shift_right_arithmetic3A_231 : i32 to vector<16xi32>
      %shift_right_arithmetic3A_233 = arith.shrsi %get3A_227, %shift_right_arithmetic3A_232 : vector<16xi32>
      %and3A_234 = arith.constant 255 : i32
      %and3A_235 = vector.broadcast %and3A_234 : i32 to vector<16xi32>
      %and3A_236 = arith.andi %shift_right_arithmetic3A_233, %and3A_235 : vector<16xi32>
      %shift_right_arithmetic3A_237 = arith.constant 16 : i32
      %shift_right_arithmetic3A_238 = vector.broadcast %shift_right_arithmetic3A_237 : i32 to vector<16xi32>
      %shift_right_arithmetic3A_239 = arith.shrsi %get3A_227, %shift_right_arithmetic3A_238 : vector<16xi32>
      %and3A_240 = arith.constant 255 : i32
      %and3A_241 = vector.broadcast %and3A_240 : i32 to vector<16xi32>
      %and3A_242 = arith.andi %shift_right_arithmetic3A_239, %and3A_241 : vector<16xi32>
      %shift_right_arithmetic3A_243 = arith.constant 24 : i32
      %shift_right_arithmetic3A_244 = vector.broadcast %shift_right_arithmetic3A_243 : i32 to vector<16xi32>
      %shift_right_arithmetic3A_245 = arith.shrsi %get3A_227, %shift_right_arithmetic3A_244 : vector<16xi32>
      %mul3A_246 = arith.constant 4491264 : i32
      %mul3A_247 = vector.broadcast %mul3A_246 : i32 to vector<16xi32>
      %mul3A_248 = arith.muli %shift_right_arithmetic3A_245, %mul3A_247 : vector<16xi32>
      %mul3A_249 = arith.constant 34816 : i32
      %mul3A_250 = vector.broadcast %mul3A_249 : i32 to vector<16xi32>
      %mul3A_251 = arith.muli %and3A_230, %mul3A_250 : vector<16xi32>
      %add3A_252 = arith.addi %mul3A_248, %mul3A_251 : vector<16xi32>
      %shift_right_arithmetic3A_253 = arith.constant 3 : i32
      %shift_right_arithmetic3A_254 = vector.broadcast %shift_right_arithmetic3A_253 : i32 to vector<16xi32>
      %shift_right_arithmetic3A_255 = arith.shrsi %and3A_236, %shift_right_arithmetic3A_254 : vector<16xi32>
      %mul3A_256 = arith.constant 2048 : i32
      %mul3A_257 = vector.broadcast %mul3A_256 : i32 to vector<16xi32>
      %mul3A_258 = arith.muli %shift_right_arithmetic3A_255, %mul3A_257 : vector<16xi32>
      %add3A_259 = arith.addi %add3A_252, %mul3A_258 : vector<16xi32>
      %shift_right_arithmetic3A_260 = arith.constant 7 : i32
      %shift_right_arithmetic3A_261 = vector.broadcast %shift_right_arithmetic3A_260 : i32 to vector<16xi32>
      %shift_right_arithmetic3A_262 = arith.shrsi %and3A_242, %shift_right_arithmetic3A_261 : vector<16xi32>
      %mul3A_263 = arith.constant 1024 : i32
      %mul3A_264 = vector.broadcast %mul3A_263 : i32 to vector<16xi32>
      %mul3A_265 = arith.muli %shift_right_arithmetic3A_262, %mul3A_264 : vector<16xi32>
      %add3A_266 = arith.addi %add3A_259, %mul3A_265 : vector<16xi32>
      %and3A_267 = arith.constant 7 : i32
      %and3A_268 = vector.broadcast %and3A_267 : i32 to vector<16xi32>
      %and3A_269 = arith.andi %and3A_236, %and3A_268 : vector<16xi32>
      %mul3A_270 = arith.constant 128 : i32
      %mul3A_271 = vector.broadcast %mul3A_270 : i32 to vector<16xi32>
      %mul3A_272 = arith.muli %and3A_269, %mul3A_271 : vector<16xi32>
      %add3A_273 = arith.addi %add3A_266, %mul3A_272 : vector<16xi32>
      %and3A_274 = arith.constant 127 : i32
      %and3A_275 = vector.broadcast %and3A_274 : i32 to vector<16xi32>
      %and3A_276 = arith.andi %and3A_242, %and3A_275 : vector<16xi32>
      %add3A_277 = arith.addi %add3A_273, %and3A_276 : vector<16xi32>
      %swap3A_278 = arith.index_cast %mul3A_224 : i32 to index
      %swap3A_279 = tpu.vector_load %arg7[%swap3A_278] {strides = array<i32>} : memref<8192xi32, #tpu.memory_space<vmem>>, vector<16xi32>,
      %swap3A_280 = vector.shape_cast %swap3A_279 : vector<16xi32> to vector<16xi32>
      %swap3A_281 = vector.shape_cast %add3A_277 : vector<16xi32> to vector<16xi32>
      tpu.vector_store %arg7[%swap3A_278], %swap3A_281 {strides = array<i32>} : memref<8192xi32, #tpu.memory_space<vmem>>, vector<16xi32>,
      %scan3A_282 = arith.constant 3 : i32
      %scan3A_283 = arith.addi %scan3A_104, %scan3A_282 : i32
      %mul3A_284 = arith.constant 16 : i32
      %mul3A_285 = arith.muli %scan3A_283, %mul3A_284 : i32
      %get3A_286 = arith.index_cast %mul3A_285 : i32 to index
      %get3A_287 = tpu.vector_load %arg5[%get3A_286] {strides = array<i32>} : memref<8192xi32, #tpu.memory_space<vmem>>, vector<16xi32>,
      %get3A_288 = vector.shape_cast %get3A_287 : vector<16xi32> to vector<16xi32>
      %and3A_289 = arith.constant 255 : i32
      %and3A_290 = vector.broadcast %and3A_289 : i32 to vector<16xi32>
      %and3A_291 = arith.andi %get3A_288, %and3A_290 : vector<16xi32>
      %shift_right_arithmetic3A_292 = arith.constant 8 : i32
      %shift_right_arithmetic3A_293 = vector.broadcast %shift_right_arithmetic3A_292 : i32 to vector<16xi32>
      %shift_right_arithmetic3A_294 = arith.shrsi %get3A_288, %shift_right_arithmetic3A_293 : vector<16xi32>
      %and3A_295 = arith.constant 255 : i32
      %and3A_296 = vector.broadcast %and3A_295 : i32 to vector<16xi32>
      %and3A_297 = arith.andi %shift_right_arithmetic3A_294, %and3A_296 : vector<16xi32>
      %shift_right_arithmetic3A_298 = arith.constant 16 : i32
      %shift_right_arithmetic3A_299 = vector.broadcast %shift_right_arithmetic3A_298 : i32 to vector<16xi32>
      %shift_right_arithmetic3A_300 = arith.shrsi %get3A_288, %shift_right_arithmetic3A_299 : vector<16xi32>
      %and3A_301 = arith.constant 255 : i32
      %and3A_302 = vector.broadcast %and3A_301 : i32 to vector<16xi32>
      %and3A_303 = arith.andi %shift_right_arithmetic3A_300, %and3A_302 : vector<16xi32>
      %shift_right_arithmetic3A_304 = arith.constant 24 : i32
      %shift_right_arithmetic3A_305 = vector.broadcast %shift_right_arithmetic3A_304 : i32 to vector<16xi32>
      %shift_right_arithmetic3A_306 = arith.shrsi %get3A_288, %shift_right_arithmetic3A_305 : vector<16xi32>
      %mul3A_307 = arith.constant 4491264 : i32
      %mul3A_308 = vector.broadcast %mul3A_307 : i32 to vector<16xi32>
      %mul3A_309 = arith.muli %shift_right_arithmetic3A_306, %mul3A_308 : vector<16xi32>
      %mul3A_310 = arith.constant 34816 : i32
      %mul3A_311 = vector.broadcast %mul3A_310 : i32 to vector<16xi32>
      %mul3A_312 = arith.muli %and3A_291, %mul3A_311 : vector<16xi32>
      %add3A_313 = arith.addi %mul3A_309, %mul3A_312 : vector<16xi32>
      %shift_right_arithmetic3A_314 = arith.constant 3 : i32
      %shift_right_arithmetic3A_315 = vector.broadcast %shift_right_arithmetic3A_314 : i32 to vector<16xi32>
      %shift_right_arithmetic3A_316 = arith.shrsi %and3A_297, %shift_right_arithmetic3A_315 : vector<16xi32>
      %mul3A_317 = arith.constant 2048 : i32
      %mul3A_318 = vector.broadcast %mul3A_317 : i32 to vector<16xi32>
      %mul3A_319 = arith.muli %shift_right_arithmetic3A_316, %mul3A_318 : vector<16xi32>
      %add3A_320 = arith.addi %add3A_313, %mul3A_319 : vector<16xi32>
      %shift_right_arithmetic3A_321 = arith.constant 7 : i32
      %shift_right_arithmetic3A_322 = vector.broadcast %shift_right_arithmetic3A_321 : i32 to vector<16xi32>
      %shift_right_arithmetic3A_323 = arith.shrsi %and3A_303, %shift_right_arithmetic3A_322 : vector<16xi32>
      %mul3A_324 = arith.constant 1024 : i32
      %mul3A_325 = vector.broadcast %mul3A_324 : i32 to vector<16xi32>
      %mul3A_326 = arith.muli %shift_right_arithmetic3A_323, %mul3A_325 : vector<16xi32>
      %add3A_327 = arith.addi %add3A_320, %mul3A_326 : vector<16xi32>
      %and3A_328 = arith.constant 7 : i32
      %and3A_329 = vector.broadcast %and3A_328 : i32 to vector<16xi32>
      %and3A_330 = arith.andi %and3A_297, %and3A_329 : vector<16xi32>
      %mul3A_331 = arith.constant 128 : i32
      %mul3A_332 = vector.broadcast %mul3A_331 : i32 to vector<16xi32>
      %mul3A_333 = arith.muli %and3A_330, %mul3A_332 : vector<16xi32>
      %add3A_334 = arith.addi %add3A_327, %mul3A_333 : vector<16xi32>
      %and3A_335 = arith.constant 127 : i32
      %and3A_336 = vector.broadcast %and3A_335 : i32 to vector<16xi32>
      %and3A_337 = arith.andi %and3A_303, %and3A_336 : vector<16xi32>
      %add3A_338 = arith.addi %add3A_334, %and3A_337 : vector<16xi32>
      %swap3A_339 = arith.index_cast %mul3A_285 : i32 to index
      %swap3A_340 = tpu.vector_load %arg7[%swap3A_339] {strides = array<i32>} : memref<8192xi32, #tpu.memory_space<vmem>>, vector<16xi32>,
      %swap3A_341 = vector.shape_cast %swap3A_340 : vector<16xi32> to vector<16xi32>
      %swap3A_342 = vector.shape_cast %add3A_338 : vector<16xi32> to vector<16xi32>
      tpu.vector_store %arg7[%swap3A_339], %swap3A_342 {strides = array<i32>} : memref<8192xi32, #tpu.memory_space<vmem>>, vector<16xi32>,
      %scan3A_343 = arith.constant 4 : i32
      %scan3A_344 = arith.addi %scan3A_104, %scan3A_343 : i32
      %mul3A_345 = arith.constant 16 : i32
      %mul3A_346 = arith.muli %scan3A_344, %mul3A_345 : i32
      %get3A_347 = arith.index_cast %mul3A_346 : i32 to index
      %get3A_348 = tpu.vector_load %arg5[%get3A_347] {strides = array<i32>} : memref<8192xi32, #tpu.memory_space<vmem>>, vector<16xi32>,
      %get3A_349 = vector.shape_cast %get3A_348 : vector<16xi32> to vector<16xi32>
      %and3A_350 = arith.constant 255 : i32
      %and3A_351 = vector.broadcast %and3A_350 : i32 to vector<16xi32>
      %and3A_352 = arith.andi %get3A_349, %and3A_351 : vector<16xi32>
      %shift_right_arithmetic3A_353 = arith.constant 8 : i32
      %shift_right_arithmetic3A_354 = vector.broadcast %shift_right_arithmetic3A_353 : i32 to vector<16xi32>
      %shift_right_arithmetic3A_355 = arith.shrsi %get3A_349, %shift_right_arithmetic3A_354 : vector<16xi32>
      %and3A_356 = arith.constant 255 : i32
      %and3A_357 = vector.broadcast %and3A_356 : i32 to vector<16xi32>
      %and3A_358 = arith.andi %shift_right_arithmetic3A_355, %and3A_357 : vector<16xi32>
      %shift_right_arithmetic3A_359 = arith.constant 16 : i32
      %shift_right_arithmetic3A_360 = vector.broadcast %shift_right_arithmetic3A_359 : i32 to vector<16xi32>
      %shift_right_arithmetic3A_361 = arith.shrsi %get3A_349, %shift_right_arithmetic3A_360 : vector<16xi32>
      %and3A_362 = arith.constant 255 : i32
      %and3A_363 = vector.broadcast %and3A_362 : i32 to vector<16xi32>
      %and3A_364 = arith.andi %shift_right_arithmetic3A_361, %and3A_363 : vector<16xi32>
      %shift_right_arithmetic3A_365 = arith.constant 24 : i32
      %shift_right_arithmetic3A_366 = vector.broadcast %shift_right_arithmetic3A_365 : i32 to vector<16xi32>
      %shift_right_arithmetic3A_367 = arith.shrsi %get3A_349, %shift_right_arithmetic3A_366 : vector<16xi32>
      %mul3A_368 = arith.constant 4491264 : i32
      %mul3A_369 = vector.broadcast %mul3A_368 : i32 to vector<16xi32>
      %mul3A_370 = arith.muli %shift_right_arithmetic3A_367, %mul3A_369 : vector<16xi32>
      %mul3A_371 = arith.constant 34816 : i32
      %mul3A_372 = vector.broadcast %mul3A_371 : i32 to vector<16xi32>
      %mul3A_373 = arith.muli %and3A_352, %mul3A_372 : vector<16xi32>
      %add3A_374 = arith.addi %mul3A_370, %mul3A_373 : vector<16xi32>
      %shift_right_arithmetic3A_375 = arith.constant 3 : i32
      %shift_right_arithmetic3A_376 = vector.broadcast %shift_right_arithmetic3A_375 : i32 to vector<16xi32>
      %shift_right_arithmetic3A_377 = arith.shrsi %and3A_358, %shift_right_arithmetic3A_376 : vector<16xi32>
      %mul3A_378 = arith.constant 2048 : i32
      %mul3A_379 = vector.broadcast %mul3A_378 : i32 to vector<16xi32>
      %mul3A_380 = arith.muli %shift_right_arithmetic3A_377, %mul3A_379 : vector<16xi32>
      %add3A_381 = arith.addi %add3A_374, %mul3A_380 : vector<16xi32>
      %shift_right_arithmetic3A_382 = arith.constant 7 : i32
      %shift_right_arithmetic3A_383 = vector.broadcast %shift_right_arithmetic3A_382 : i32 to vector<16xi32>
      %shift_right_arithmetic3A_384 = arith.shrsi %and3A_364, %shift_right_arithmetic3A_383 : vector<16xi32>
      %mul3A_385 = arith.constant 1024 : i32
      %mul3A_386 = vector.broadcast %mul3A_385 : i32 to vector<16xi32>
      %mul3A_387 = arith.muli %shift_right_arithmetic3A_384, %mul3A_386 : vector<16xi32>
      %add3A_388 = arith.addi %add3A_381, %mul3A_387 : vector<16xi32>
      %and3A_389 = arith.constant 7 : i32
      %and3A_390 = vector.broadcast %and3A_389 : i32 to vector<16xi32>
      %and3A_391 = arith.andi %and3A_358, %and3A_390 : vector<16xi32>
      %mul3A_392 = arith.constant 128 : i32
      %mul3A_393 = vector.broadcast %mul3A_392 : i32 to vector<16xi32>
      %mul3A_394 = arith.muli %and3A_391, %mul3A_393 : vector<16xi32>
      %add3A_395 = arith.addi %add3A_388, %mul3A_394 : vector<16xi32>
      %and3A_396 = arith.constant 127 : i32
      %and3A_397 = vector.broadcast %and3A_396 : i32 to vector<16xi32>
      %and3A_398 = arith.andi %and3A_364, %and3A_397 : vector<16xi32>
      %add3A_399 = arith.addi %add3A_395, %and3A_398 : vector<16xi32>
      %swap3A_400 = arith.index_cast %mul3A_346 : i32 to index
      %swap3A_401 = tpu.vector_load %arg7[%swap3A_400] {strides = array<i32>} : memref<8192xi32, #tpu.memory_space<vmem>>, vector<16xi32>,
      %swap3A_402 = vector.shape_cast %swap3A_401 : vector<16xi32> to vector<16xi32>
      %swap3A_403 = vector.shape_cast %add3A_399 : vector<16xi32> to vector<16xi32>
      tpu.vector_store %arg7[%swap3A_400], %swap3A_403 {strides = array<i32>} : memref<8192xi32, #tpu.memory_space<vmem>>, vector<16xi32>,
      %scan3A_404 = arith.constant 5 : i32
      %scan3A_405 = arith.addi %scan3A_104, %scan3A_404 : i32
      %mul3A_406 = arith.constant 16 : i32
      %mul3A_407 = arith.muli %scan3A_405, %mul3A_406 : i32
      %get3A_408 = arith.index_cast %mul3A_407 : i32 to index
      %get3A_409 = tpu.vector_load %arg5[%get3A_408] {strides = array<i32>} : memref<8192xi32, #tpu.memory_space<vmem>>, vector<16xi32>,
      %get3A_410 = vector.shape_cast %get3A_409 : vector<16xi32> to vector<16xi32>
      %and3A_411 = arith.constant 255 : i32
      %and3A_412 = vector.broadcast %and3A_411 : i32 to vector<16xi32>
      %and3A_413 = arith.andi %get3A_410, %and3A_412 : vector<16xi32>
      %shift_right_arithmetic3A_414 = arith.constant 8 : i32
      %shift_right_arithmetic3A_415 = vector.broadcast %shift_right_arithmetic3A_414 : i32 to vector<16xi32>
      %shift_right_arithmetic3A_416 = arith.shrsi %get3A_410, %shift_right_arithmetic3A_415 : vector<16xi32>
      %and3A_417 = arith.constant 255 : i32
      %and3A_418 = vector.broadcast %and3A_417 : i32 to vector<16xi32>
      %and3A_419 = arith.andi %shift_right_arithmetic3A_416, %and3A_418 : vector<16xi32>
      %shift_right_arithmetic3A_420 = arith.constant 16 : i32
      %shift_right_arithmetic3A_421 = vector.broadcast %shift_right_arithmetic3A_420 : i32 to vector<16xi32>
      %shift_right_arithmetic3A_422 = arith.shrsi %get3A_410, %shift_right_arithmetic3A_421 : vector<16xi32>
      %and3A_423 = arith.constant 255 : i32
      %and3A_424 = vector.broadcast %and3A_423 : i32 to vector<16xi32>
      %and3A_425 = arith.andi %shift_right_arithmetic3A_422, %and3A_424 : vector<16xi32>
      %shift_right_arithmetic3A_426 = arith.constant 24 : i32
      %shift_right_arithmetic3A_427 = vector.broadcast %shift_right_arithmetic3A_426 : i32 to vector<16xi32>
      %shift_right_arithmetic3A_428 = arith.shrsi %get3A_410, %shift_right_arithmetic3A_427 : vector<16xi32>
      %mul3A_429 = arith.constant 4491264 : i32
      %mul3A_430 = vector.broadcast %mul3A_429 : i32 to vector<16xi32>
      %mul3A_431 = arith.muli %shift_right_arithmetic3A_428, %mul3A_430 : vector<16xi32>
      %mul3A_432 = arith.constant 34816 : i32
      %mul3A_433 = vector.broadcast %mul3A_432 : i32 to vector<16xi32>
      %mul3A_434 = arith.muli %and3A_413, %mul3A_433 : vector<16xi32>
      %add3A_435 = arith.addi %mul3A_431, %mul3A_434 : vector<16xi32>
      %shift_right_arithmetic3A_436 = arith.constant 3 : i32
      %shift_right_arithmetic3A_437 = vector.broadcast %shift_right_arithmetic3A_436 : i32 to vector<16xi32>
      %shift_right_arithmetic3A_438 = arith.shrsi %and3A_419, %shift_right_arithmetic3A_437 : vector<16xi32>
      %mul3A_439 = arith.constant 2048 : i32
      %mul3A_440 = vector.broadcast %mul3A_439 : i32 to vector<16xi32>
      %mul3A_441 = arith.muli %shift_right_arithmetic3A_438, %mul3A_440 : vector<16xi32>
      %add3A_442 = arith.addi %add3A_435, %mul3A_441 : vector<16xi32>
      %shift_right_arithmetic3A_443 = arith.constant 7 : i32
      %shift_right_arithmetic3A_444 = vector.broadcast %shift_right_arithmetic3A_443 : i32 to vector<16xi32>
      %shift_right_arithmetic3A_445 = arith.shrsi %and3A_425, %shift_right_arithmetic3A_444 : vector<16xi32>
      %mul3A_446 = arith.constant 1024 : i32
      %mul3A_447 = vector.broadcast %mul3A_446 : i32 to vector<16xi32>
      %mul3A_448 = arith.muli %shift_right_arithmetic3A_445, %mul3A_447 : vector<16xi32>
      %add3A_449 = arith.addi %add3A_442, %mul3A_448 : vector<16xi32>
      %and3A_450 = arith.constant 7 : i32
      %and3A_451 = vector.broadcast %and3A_450 : i32 to vector<16xi32>
      %and3A_452 = arith.andi %and3A_419, %and3A_451 : vector<16xi32>
      %mul3A_453 = arith.constant 128 : i32
      %mul3A_454 = vector.broadcast %mul3A_453 : i32 to vector<16xi32>
      %mul3A_455 = arith.muli %and3A_452, %mul3A_454 : vector<16xi32>
      %add3A_456 = arith.addi %add3A_449, %mul3A_455 : vector<16xi32>
      %and3A_457 = arith.constant 127 : i32
      %and3A_458 = vector.broadcast %and3A_457 : i32 to vector<16xi32>
      %and3A_459 = arith.andi %and3A_425, %and3A_458 : vector<16xi32>
      %add3A_460 = arith.addi %add3A_456, %and3A_459 : vector<16xi32>
      %swap3A_461 = arith.index_cast %mul3A_407 : i32 to index
      %swap3A_462 = tpu.vector_load %arg7[%swap3A_461] {strides = array<i32>} : memref<8192xi32, #tpu.memory_space<vmem>>, vector<16xi32>,
      %swap3A_463 = vector.shape_cast %swap3A_462 : vector<16xi32> to vector<16xi32>
      %swap3A_464 = vector.shape_cast %add3A_460 : vector<16xi32> to vector<16xi32>
      tpu.vector_store %arg7[%swap3A_461], %swap3A_464 {strides = array<i32>} : memref<8192xi32, #tpu.memory_space<vmem>>, vector<16xi32>,
      %scan3A_465 = arith.constant 6 : i32
      %scan3A_466 = arith.addi %scan3A_104, %scan3A_465 : i32
      %mul3A_467 = arith.constant 16 : i32
      %mul3A_468 = arith.muli %scan3A_466, %mul3A_467 : i32
      %get3A_469 = arith.index_cast %mul3A_468 : i32 to index
      %get3A_470 = tpu.vector_load %arg5[%get3A_469] {strides = array<i32>} : memref<8192xi32, #tpu.memory_space<vmem>>, vector<16xi32>,
      %get3A_471 = vector.shape_cast %get3A_470 : vector<16xi32> to vector<16xi32>
      %and3A_472 = arith.constant 255 : i32
      %and3A_473 = vector.broadcast %and3A_472 : i32 to vector<16xi32>
      %and3A_474 = arith.andi %get3A_471, %and3A_473 : vector<16xi32>
      %shift_right_arithmetic3A_475 = arith.constant 8 : i32
      %shift_right_arithmetic3A_476 = vector.broadcast %shift_right_arithmetic3A_475 : i32 to vector<16xi32>
      %shift_right_arithmetic3A_477 = arith.shrsi %get3A_471, %shift_right_arithmetic3A_476 : vector<16xi32>
      %and3A_478 = arith.constant 255 : i32
      %and3A_479 = vector.broadcast %and3A_478 : i32 to vector<16xi32>
      %and3A_480 = arith.andi %shift_right_arithmetic3A_477, %and3A_479 : vector<16xi32>
      %shift_right_arithmetic3A_481 = arith.constant 16 : i32
      %shift_right_arithmetic3A_482 = vector.broadcast %shift_right_arithmetic3A_481 : i32 to vector<16xi32>
      %shift_right_arithmetic3A_483 = arith.shrsi %get3A_471, %shift_right_arithmetic3A_482 : vector<16xi32>
      %and3A_484 = arith.constant 255 : i32
      %and3A_485 = vector.broadcast %and3A_484 : i32 to vector<16xi32>
      %and3A_486 = arith.andi %shift_right_arithmetic3A_483, %and3A_485 : vector<16xi32>
      %shift_right_arithmetic3A_487 = arith.constant 24 : i32
      %shift_right_arithmetic3A_488 = vector.broadcast %shift_right_arithmetic3A_487 : i32 to vector<16xi32>
      %shift_right_arithmetic3A_489 = arith.shrsi %get3A_471, %shift_right_arithmetic3A_488 : vector<16xi32>
      %mul3A_490 = arith.constant 4491264 : i32
      %mul3A_491 = vector.broadcast %mul3A_490 : i32 to vector<16xi32>
      %mul3A_492 = arith.muli %shift_right_arithmetic3A_489, %mul3A_491 : vector<16xi32>
      %mul3A_493 = arith.constant 34816 : i32
      %mul3A_494 = vector.broadcast %mul3A_493 : i32 to vector<16xi32>
      %mul3A_495 = arith.muli %and3A_474, %mul3A_494 : vector<16xi32>
      %add3A_496 = arith.addi %mul3A_492, %mul3A_495 : vector<16xi32>
      %shift_right_arithmetic3A_497 = arith.constant 3 : i32
      %shift_right_arithmetic3A_498 = vector.broadcast %shift_right_arithmetic3A_497 : i32 to vector<16xi32>
      %shift_right_arithmetic3A_499 = arith.shrsi %and3A_480, %shift_right_arithmetic3A_498 : vector<16xi32>
      %mul3A_500 = arith.constant 2048 : i32
      %mul3A_501 = vector.broadcast %mul3A_500 : i32 to vector<16xi32>
      %mul3A_502 = arith.muli %shift_right_arithmetic3A_499, %mul3A_501 : vector<16xi32>
      %add3A_503 = arith.addi %add3A_496, %mul3A_502 : vector<16xi32>
      %shift_right_arithmetic3A_504 = arith.constant 7 : i32
      %shift_right_arithmetic3A_505 = vector.broadcast %shift_right_arithmetic3A_504 : i32 to vector<16xi32>
      %shift_right_arithmetic3A_506 = arith.shrsi %and3A_486, %shift_right_arithmetic3A_505 : vector<16xi32>
      %mul3A_507 = arith.constant 1024 : i32
      %mul3A_508 = vector.broadcast %mul3A_507 : i32 to vector<16xi32>
      %mul3A_509 = arith.muli %shift_right_arithmetic3A_506, %mul3A_508 : vector<16xi32>
      %add3A_510 = arith.addi %add3A_503, %mul3A_509 : vector<16xi32>
      %and3A_511 = arith.constant 7 : i32
      %and3A_512 = vector.broadcast %and3A_511 : i32 to vector<16xi32>
      %and3A_513 = arith.andi %and3A_480, %and3A_512 : vector<16xi32>
      %mul3A_514 = arith.constant 128 : i32
      %mul3A_515 = vector.broadcast %mul3A_514 : i32 to vector<16xi32>
      %mul3A_516 = arith.muli %and3A_513, %mul3A_515 : vector<16xi32>
      %add3A_517 = arith.addi %add3A_510, %mul3A_516 : vector<16xi32>
      %and3A_518 = arith.constant 127 : i32
      %and3A_519 = vector.broadcast %and3A_518 : i32 to vector<16xi32>
      %and3A_520 = arith.andi %and3A_486, %and3A_519 : vector<16xi32>
      %add3A_521 = arith.addi %add3A_517, %and3A_520 : vector<16xi32>
      %swap3A_522 = arith.index_cast %mul3A_468 : i32 to index
      %swap3A_523 = tpu.vector_load %arg7[%swap3A_522] {strides = array<i32>} : memref<8192xi32, #tpu.memory_space<vmem>>, vector<16xi32>,
      %swap3A_524 = vector.shape_cast %swap3A_523 : vector<16xi32> to vector<16xi32>
      %swap3A_525 = vector.shape_cast %add3A_521 : vector<16xi32> to vector<16xi32>
      tpu.vector_store %arg7[%swap3A_522], %swap3A_525 {strides = array<i32>} : memref<8192xi32, #tpu.memory_space<vmem>>, vector<16xi32>,
      %scan3A_526 = arith.constant 7 : i32
      %scan3A_527 = arith.addi %scan3A_104, %scan3A_526 : i32
      %mul3A_528 = arith.constant 16 : i32
      %mul3A_529 = arith.muli %scan3A_527, %mul3A_528 : i32
      %get3A_530 = arith.index_cast %mul3A_529 : i32 to index
      %get3A_531 = tpu.vector_load %arg5[%get3A_530] {strides = array<i32>} : memref<8192xi32, #tpu.memory_space<vmem>>, vector<16xi32>,
      %get3A_532 = vector.shape_cast %get3A_531 : vector<16xi32> to vector<16xi32>
      %and3A_533 = arith.constant 255 : i32
      %and3A_534 = vector.broadcast %and3A_533 : i32 to vector<16xi32>
      %and3A_535 = arith.andi %get3A_532, %and3A_534 : vector<16xi32>
      %shift_right_arithmetic3A_536 = arith.constant 8 : i32
      %shift_right_arithmetic3A_537 = vector.broadcast %shift_right_arithmetic3A_536 : i32 to vector<16xi32>
      %shift_right_arithmetic3A_538 = arith.shrsi %get3A_532, %shift_right_arithmetic3A_537 : vector<16xi32>
      %and3A_539 = arith.constant 255 : i32
      %and3A_540 = vector.broadcast %and3A_539 : i32 to vector<16xi32>
      %and3A_541 = arith.andi %shift_right_arithmetic3A_538, %and3A_540 : vector<16xi32>
      %shift_right_arithmetic3A_542 = arith.constant 16 : i32
      %shift_right_arithmetic3A_543 = vector.broadcast %shift_right_arithmetic3A_542 : i32 to vector<16xi32>
      %shift_right_arithmetic3A_544 = arith.shrsi %get3A_532, %shift_right_arithmetic3A_543 : vector<16xi32>
      %and3A_545 = arith.constant 255 : i32
      %and3A_546 = vector.broadcast %and3A_545 : i32 to vector<16xi32>
      %and3A_547 = arith.andi %shift_right_arithmetic3A_544, %and3A_546 : vector<16xi32>
      %shift_right_arithmetic3A_548 = arith.constant 24 : i32
      %shift_right_arithmetic3A_549 = vector.broadcast %shift_right_arithmetic3A_548 : i32 to vector<16xi32>
      %shift_right_arithmetic3A_550 = arith.shrsi %get3A_532, %shift_right_arithmetic3A_549 : vector<16xi32>
      %mul3A_551 = arith.constant 4491264 : i32
      %mul3A_552 = vector.broadcast %mul3A_551 : i32 to vector<16xi32>
      %mul3A_553 = arith.muli %shift_right_arithmetic3A_550, %mul3A_552 : vector<16xi32>
      %mul3A_554 = arith.constant 34816 : i32
      %mul3A_555 = vector.broadcast %mul3A_554 : i32 to vector<16xi32>
      %mul3A_556 = arith.muli %and3A_535, %mul3A_555 : vector<16xi32>
      %add3A_557 = arith.addi %mul3A_553, %mul3A_556 : vector<16xi32>
      %shift_right_arithmetic3A_558 = arith.constant 3 : i32
      %shift_right_arithmetic3A_559 = vector.broadcast %shift_right_arithmetic3A_558 : i32 to vector<16xi32>
      %shift_right_arithmetic3A_560 = arith.shrsi %and3A_541, %shift_right_arithmetic3A_559 : vector<16xi32>
      %mul3A_561 = arith.constant 2048 : i32
      %mul3A_562 = vector.broadcast %mul3A_561 : i32 to vector<16xi32>
      %mul3A_563 = arith.muli %shift_right_arithmetic3A_560, %mul3A_562 : vector<16xi32>
      %add3A_564 = arith.addi %add3A_557, %mul3A_563 : vector<16xi32>
      %shift_right_arithmetic3A_565 = arith.constant 7 : i32
      %shift_right_arithmetic3A_566 = vector.broadcast %shift_right_arithmetic3A_565 : i32 to vector<16xi32>
      %shift_right_arithmetic3A_567 = arith.shrsi %and3A_547, %shift_right_arithmetic3A_566 : vector<16xi32>
      %mul3A_568 = arith.constant 1024 : i32
      %mul3A_569 = vector.broadcast %mul3A_568 : i32 to vector<16xi32>
      %mul3A_570 = arith.muli %shift_right_arithmetic3A_567, %mul3A_569 : vector<16xi32>
      %add3A_571 = arith.addi %add3A_564, %mul3A_570 : vector<16xi32>
      %and3A_572 = arith.constant 7 : i32
      %and3A_573 = vector.broadcast %and3A_572 : i32 to vector<16xi32>
      %and3A_574 = arith.andi %and3A_541, %and3A_573 : vector<16xi32>
      %mul3A_575 = arith.constant 128 : i32
      %mul3A_576 = vector.broadcast %mul3A_575 : i32 to vector<16xi32>
      %mul3A_577 = arith.muli %and3A_574, %mul3A_576 : vector<16xi32>
      %add3A_578 = arith.addi %add3A_571, %mul3A_577 : vector<16xi32>
      %and3A_579 = arith.constant 127 : i32
      %and3A_580 = vector.broadcast %and3A_579 : i32 to vector<16xi32>
      %and3A_581 = arith.andi %and3A_547, %and3A_580 : vector<16xi32>
      %add3A_582 = arith.addi %add3A_578, %and3A_581 : vector<16xi32>
      %swap3A_583 = arith.index_cast %mul3A_529 : i32 to index
      %swap3A_584 = tpu.vector_load %arg7[%swap3A_583] {strides = array<i32>} : memref<8192xi32, #tpu.memory_space<vmem>>, vector<16xi32>,
      %swap3A_585 = vector.shape_cast %swap3A_584 : vector<16xi32> to vector<16xi32>
      %swap3A_586 = vector.shape_cast %add3A_582 : vector<16xi32> to vector<16xi32>
      tpu.vector_store %arg7[%swap3A_583], %swap3A_586 {strides = array<i32>} : memref<8192xi32, #tpu.memory_space<vmem>>, vector<16xi32>,
    }
    %scan3A_17 = arith.constant 512 : i32
    %dma_start3A_18 = arith.constant 0 : i32
    %dma_start3A_19 = tpu.memref_slice %arg3[%dma_start3A_18] : memref<8982528xi32, #tpu.memory_space<hbm>> -> memref<8982528xi32, #tpu.memory_space<hbm>>
    tpu.enqueue_indirect_dma source(%dma_start3A_19 : memref<8982528xi32, #tpu.memory_space<hbm>>) target(%arg9 : memref<8192xi32, #tpu.memory_space<vmem>>) offsets(%arg7 : memref<8192xi32, #tpu.memory_space<vmem>>) semaphore(%arg15 : memref<!tpu.dma_semaphore, #tpu.memory_space<semaphore_mem>>)
    %add3A_20 = arith.constant 16384 : i32
    %add3A_21 = arith.addi %mul3A_2, %add3A_20 : i32
    %dma_start3A_22 = tpu.memref_slice %arg2[%add3A_21] : memref<1048576xi32, #tpu.memory_space<hbm>> -> memref<8192xi32, #tpu.memory_space<hbm>>
    %dma_start3A_23 = tpu.memref_slice %arg2[%add3A_21] : memref<1048576xi32, #tpu.memory_space<hbm>> -> memref<8192xi32, #tpu.memory_space<hbm>>
    tpu.enqueue_dma source(%dma_start3A_23 : memref<8192xi32, #tpu.memory_space<hbm>>) target(%arg5 : memref<8192xi32, #tpu.memory_space<vmem>>) target_semaphore(%arg13 : memref<!tpu.dma_semaphore, #tpu.memory_space<semaphore_mem>>)
    %add3A_24 = arith.constant 8192 : i32
    %add3A_25 = arith.addi %mul3A_2, %add3A_24 : i32
    %dma_wait3A_26 = tpu.memref_slice %arg2[%add3A_25] : memref<1048576xi32, #tpu.memory_space<hbm>> -> memref<8192xi32, #tpu.memory_space<hbm>>
    %dma_wait3A_27 = tpu.memref_slice %arg2[%add3A_25] : memref<1048576xi32, #tpu.memory_space<hbm>> -> memref<8192xi32, #tpu.memory_space<hbm>>
    tpu.wait_dma2 semaphore(%arg14 : memref<!tpu.dma_semaphore, #tpu.memory_space<semaphore_mem>>) src(%dma_wait3A_27 : memref<8192xi32, #tpu.memory_space<hbm>>) dst(%arg6 : memref<8192xi32, #tpu.memory_space<vmem>>)
    %scan3A_28 = arith.constant 0 : i32
    %scan3A_29 = arith.constant 0 : i32
    %scan3A_30 = arith.constant 512 : i32
    %scan3A_31 = arith.addi %scan3A_29, %scan3A_30 : i32
    %scan3A_32 = arith.constant 8 : i32
    scf.for %scan3A_104 = %scan3A_29 to %scan3A_31 step %scan3A_32  : i32 {
      %mul3A_105 = arith.constant 16 : i32
      %mul3A_106 = arith.muli %scan3A_104, %mul3A_105 : i32
      %get3A = arith.index_cast %mul3A_106 : i32 to index
      %get3A_107 = tpu.vector_load %arg6[%get3A] {strides = array<i32>} : memref<8192xi32, #tpu.memory_space<vmem>>, vector<16xi32>,
      %get3A_108 = vector.shape_cast %get3A_107 : vector<16xi32> to vector<16xi32>
      %and3A = arith.constant 255 : i32
      %and3A_109 = vector.broadcast %and3A : i32 to vector<16xi32>
      %and3A_110 = arith.andi %get3A_108, %and3A_109 : vector<16xi32>
      %shift_right_arithmetic3A = arith.constant 8 : i32
      %shift_right_arithmetic3A_111 = vector.broadcast %shift_right_arithmetic3A : i32 to vector<16xi32>
      %shift_right_arithmetic3A_112 = arith.shrsi %get3A_108, %shift_right_arithmetic3A_111 : vector<16xi32>
      %and3A_113 = arith.constant 255 : i32
      %and3A_114 = vector.broadcast %and3A_113 : i32 to vector<16xi32>
      %and3A_115 = arith.andi %shift_right_arithmetic3A_112, %and3A_114 : vector<16xi32>
      %shift_right_arithmetic3A_116 = arith.constant 16 : i32
      %shift_right_arithmetic3A_117 = vector.broadcast %shift_right_arithmetic3A_116 : i32 to vector<16xi32>
      %shift_right_arithmetic3A_118 = arith.shrsi %get3A_108, %shift_right_arithmetic3A_117 : vector<16xi32>
      %and3A_119 = arith.constant 255 : i32
      %and3A_120 = vector.broadcast %and3A_119 : i32 to vector<16xi32>
      %and3A_121 = arith.andi %shift_right_arithmetic3A_118, %and3A_120 : vector<16xi32>
      %shift_right_arithmetic3A_122 = arith.constant 24 : i32
      %shift_right_arithmetic3A_123 = vector.broadcast %shift_right_arithmetic3A_122 : i32 to vector<16xi32>
      %shift_right_arithmetic3A_124 = arith.shrsi %get3A_108, %shift_right_arithmetic3A_123 : vector<16xi32>
      %mul3A_125 = arith.constant 4491264 : i32
      %mul3A_126 = vector.broadcast %mul3A_125 : i32 to vector<16xi32>
      %mul3A_127 = arith.muli %shift_right_arithmetic3A_124, %mul3A_126 : vector<16xi32>
      %mul3A_128 = arith.constant 34816 : i32
      %mul3A_129 = vector.broadcast %mul3A_128 : i32 to vector<16xi32>
      %mul3A_130 = arith.muli %and3A_110, %mul3A_129 : vector<16xi32>
      %add3A_131 = arith.addi %mul3A_127, %mul3A_130 : vector<16xi32>
      %shift_right_arithmetic3A_132 = arith.constant 3 : i32
      %shift_right_arithmetic3A_133 = vector.broadcast %shift_right_arithmetic3A_132 : i32 to vector<16xi32>
      %shift_right_arithmetic3A_134 = arith.shrsi %and3A_115, %shift_right_arithmetic3A_133 : vector<16xi32>
      %mul3A_135 = arith.constant 2048 : i32
      %mul3A_136 = vector.broadcast %mul3A_135 : i32 to vector<16xi32>
      %mul3A_137 = arith.muli %shift_right_arithmetic3A_134, %mul3A_136 : vector<16xi32>
      %add3A_138 = arith.addi %add3A_131, %mul3A_137 : vector<16xi32>
      %shift_right_arithmetic3A_139 = arith.constant 7 : i32
      %shift_right_arithmetic3A_140 = vector.broadcast %shift_right_arithmetic3A_139 : i32 to vector<16xi32>
      %shift_right_arithmetic3A_141 = arith.shrsi %and3A_121, %shift_right_arithmetic3A_140 : vector<16xi32>
      %mul3A_142 = arith.constant 1024 : i32
      %mul3A_143 = vector.broadcast %mul3A_142 : i32 to vector<16xi32>
      %mul3A_144 = arith.muli %shift_right_arithmetic3A_141, %mul3A_143 : vector<16xi32>
      %add3A_145 = arith.addi %add3A_138, %mul3A_144 : vector<16xi32>
      %and3A_146 = arith.constant 7 : i32
      %and3A_147 = vector.broadcast %and3A_146 : i32 to vector<16xi32>
      %and3A_148 = arith.andi %and3A_115, %and3A_147 : vector<16xi32>
      %mul3A_149 = arith.constant 128 : i32
      %mul3A_150 = vector.broadcast %mul3A_149 : i32 to vector<16xi32>
      %mul3A_151 = arith.muli %and3A_148, %mul3A_150 : vector<16xi32>
      %add3A_152 = arith.addi %add3A_145, %mul3A_151 : vector<16xi32>
      %and3A_153 = arith.constant 127 : i32
      %and3A_154 = vector.broadcast %and3A_153 : i32 to vector<16xi32>
      %and3A_155 = arith.andi %and3A_121, %and3A_154 : vector<16xi32>
      %add3A_156 = arith.addi %add3A_152, %and3A_155 : vector<16xi32>
      %swap3A = arith.index_cast %mul3A_106 : i32 to index
      %swap3A_157 = tpu.vector_load %arg8[%swap3A] {strides = array<i32>} : memref<8192xi32, #tpu.memory_space<vmem>>, vector<16xi32>,
      %swap3A_158 = vector.shape_cast %swap3A_157 : vector<16xi32> to vector<16xi32>
      %swap3A_159 = vector.shape_cast %add3A_156 : vector<16xi32> to vector<16xi32>
      tpu.vector_store %arg8[%swap3A], %swap3A_159 {strides = array<i32>} : memref<8192xi32, #tpu.memory_space<vmem>>, vector<16xi32>,
      %scan3A_160 = arith.constant 1 : i32
      %scan3A_161 = arith.addi %scan3A_104, %scan3A_160 : i32
      %mul3A_162 = arith.constant 16 : i32
      %mul3A_163 = arith.muli %scan3A_161, %mul3A_162 : i32
      %get3A_164 = arith.index_cast %mul3A_163 : i32 to index
      %get3A_165 = tpu.vector_load %arg6[%get3A_164] {strides = array<i32>} : memref<8192xi32, #tpu.memory_space<vmem>>, vector<16xi32>,
      %get3A_166 = vector.shape_cast %get3A_165 : vector<16xi32> to vector<16xi32>
      %and3A_167 = arith.constant 255 : i32
      %and3A_168 = vector.broadcast %and3A_167 : i32 to vector<16xi32>
      %and3A_169 = arith.andi %get3A_166, %and3A_168 : vector<16xi32>
      %shift_right_arithmetic3A_170 = arith.constant 8 : i32
      %shift_right_arithmetic3A_171 = vector.broadcast %shift_right_arithmetic3A_170 : i32 to vector<16xi32>
      %shift_right_arithmetic3A_172 = arith.shrsi %get3A_166, %shift_right_arithmetic3A_171 : vector<16xi32>
      %and3A_173 = arith.constant 255 : i32
      %and3A_174 = vector.broadcast %and3A_173 : i32 to vector<16xi32>
      %and3A_175 = arith.andi %shift_right_arithmetic3A_172, %and3A_174 : vector<16xi32>
      %shift_right_arithmetic3A_176 = arith.constant 16 : i32
      %shift_right_arithmetic3A_177 = vector.broadcast %shift_right_arithmetic3A_176 : i32 to vector<16xi32>
      %shift_right_arithmetic3A_178 = arith.shrsi %get3A_166, %shift_right_arithmetic3A_177 : vector<16xi32>
      %and3A_179 = arith.constant 255 : i32
      %and3A_180 = vector.broadcast %and3A_179 : i32 to vector<16xi32>
      %and3A_181 = arith.andi %shift_right_arithmetic3A_178, %and3A_180 : vector<16xi32>
      %shift_right_arithmetic3A_182 = arith.constant 24 : i32
      %shift_right_arithmetic3A_183 = vector.broadcast %shift_right_arithmetic3A_182 : i32 to vector<16xi32>
      %shift_right_arithmetic3A_184 = arith.shrsi %get3A_166, %shift_right_arithmetic3A_183 : vector<16xi32>
      %mul3A_185 = arith.constant 4491264 : i32
      %mul3A_186 = vector.broadcast %mul3A_185 : i32 to vector<16xi32>
      %mul3A_187 = arith.muli %shift_right_arithmetic3A_184, %mul3A_186 : vector<16xi32>
      %mul3A_188 = arith.constant 34816 : i32
      %mul3A_189 = vector.broadcast %mul3A_188 : i32 to vector<16xi32>
      %mul3A_190 = arith.muli %and3A_169, %mul3A_189 : vector<16xi32>
      %add3A_191 = arith.addi %mul3A_187, %mul3A_190 : vector<16xi32>
      %shift_right_arithmetic3A_192 = arith.constant 3 : i32
      %shift_right_arithmetic3A_193 = vector.broadcast %shift_right_arithmetic3A_192 : i32 to vector<16xi32>
      %shift_right_arithmetic3A_194 = arith.shrsi %and3A_175, %shift_right_arithmetic3A_193 : vector<16xi32>
      %mul3A_195 = arith.constant 2048 : i32
      %mul3A_196 = vector.broadcast %mul3A_195 : i32 to vector<16xi32>
      %mul3A_197 = arith.muli %shift_right_arithmetic3A_194, %mul3A_196 : vector<16xi32>
      %add3A_198 = arith.addi %add3A_191, %mul3A_197 : vector<16xi32>
      %shift_right_arithmetic3A_199 = arith.constant 7 : i32
      %shift_right_arithmetic3A_200 = vector.broadcast %shift_right_arithmetic3A_199 : i32 to vector<16xi32>
      %shift_right_arithmetic3A_201 = arith.shrsi %and3A_181, %shift_right_arithmetic3A_200 : vector<16xi32>
      %mul3A_202 = arith.constant 1024 : i32
      %mul3A_203 = vector.broadcast %mul3A_202 : i32 to vector<16xi32>
      %mul3A_204 = arith.muli %shift_right_arithmetic3A_201, %mul3A_203 : vector<16xi32>
      %add3A_205 = arith.addi %add3A_198, %mul3A_204 : vector<16xi32>
      %and3A_206 = arith.constant 7 : i32
      %and3A_207 = vector.broadcast %and3A_206 : i32 to vector<16xi32>
      %and3A_208 = arith.andi %and3A_175, %and3A_207 : vector<16xi32>
      %mul3A_209 = arith.constant 128 : i32
      %mul3A_210 = vector.broadcast %mul3A_209 : i32 to vector<16xi32>
      %mul3A_211 = arith.muli %and3A_208, %mul3A_210 : vector<16xi32>
      %add3A_212 = arith.addi %add3A_205, %mul3A_211 : vector<16xi32>
      %and3A_213 = arith.constant 127 : i32
      %and3A_214 = vector.broadcast %and3A_213 : i32 to vector<16xi32>
      %and3A_215 = arith.andi %and3A_181, %and3A_214 : vector<16xi32>
      %add3A_216 = arith.addi %add3A_212, %and3A_215 : vector<16xi32>
      %swap3A_217 = arith.index_cast %mul3A_163 : i32 to index
      %swap3A_218 = tpu.vector_load %arg8[%swap3A_217] {strides = array<i32>} : memref<8192xi32, #tpu.memory_space<vmem>>, vector<16xi32>,
      %swap3A_219 = vector.shape_cast %swap3A_218 : vector<16xi32> to vector<16xi32>
      %swap3A_220 = vector.shape_cast %add3A_216 : vector<16xi32> to vector<16xi32>
      tpu.vector_store %arg8[%swap3A_217], %swap3A_220 {strides = array<i32>} : memref<8192xi32, #tpu.memory_space<vmem>>, vector<16xi32>,
      %scan3A_221 = arith.constant 2 : i32
      %scan3A_222 = arith.addi %scan3A_104, %scan3A_221 : i32
      %mul3A_223 = arith.constant 16 : i32
      %mul3A_224 = arith.muli %scan3A_222, %mul3A_223 : i32
      %get3A_225 = arith.index_cast %mul3A_224 : i32 to index
      %get3A_226 = tpu.vector_load %arg6[%get3A_225] {strides = array<i32>} : memref<8192xi32, #tpu.memory_space<vmem>>, vector<16xi32>,
      %get3A_227 = vector.shape_cast %get3A_226 : vector<16xi32> to vector<16xi32>
      %and3A_228 = arith.constant 255 : i32
      %and3A_229 = vector.broadcast %and3A_228 : i32 to vector<16xi32>
      %and3A_230 = arith.andi %get3A_227, %and3A_229 : vector<16xi32>
      %shift_right_arithmetic3A_231 = arith.constant 8 : i32
      %shift_right_arithmetic3A_232 = vector.broadcast %shift_right_arithmetic3A_231 : i32 to vector<16xi32>
      %shift_right_arithmetic3A_233 = arith.shrsi %get3A_227, %shift_right_arithmetic3A_232 : vector<16xi32>
      %and3A_234 = arith.constant 255 : i32
      %and3A_235 = vector.broadcast %and3A_234 : i32 to vector<16xi32>
      %and3A_236 = arith.andi %shift_right_arithmetic3A_233, %and3A_235 : vector<16xi32>
      %shift_right_arithmetic3A_237 = arith.constant 16 : i32
      %shift_right_arithmetic3A_238 = vector.broadcast %shift_right_arithmetic3A_237 : i32 to vector<16xi32>
      %shift_right_arithmetic3A_239 = arith.shrsi %get3A_227, %shift_right_arithmetic3A_238 : vector<16xi32>
      %and3A_240 = arith.constant 255 : i32
      %and3A_241 = vector.broadcast %and3A_240 : i32 to vector<16xi32>
      %and3A_242 = arith.andi %shift_right_arithmetic3A_239, %and3A_241 : vector<16xi32>
      %shift_right_arithmetic3A_243 = arith.constant 24 : i32
      %shift_right_arithmetic3A_244 = vector.broadcast %shift_right_arithmetic3A_243 : i32 to vector<16xi32>
      %shift_right_arithmetic3A_245 = arith.shrsi %get3A_227, %shift_right_arithmetic3A_244 : vector<16xi32>
      %mul3A_246 = arith.constant 4491264 : i32
      %mul3A_247 = vector.broadcast %mul3A_246 : i32 to vector<16xi32>
      %mul3A_248 = arith.muli %shift_right_arithmetic3A_245, %mul3A_247 : vector<16xi32>
      %mul3A_249 = arith.constant 34816 : i32
      %mul3A_250 = vector.broadcast %mul3A_249 : i32 to vector<16xi32>
      %mul3A_251 = arith.muli %and3A_230, %mul3A_250 : vector<16xi32>
      %add3A_252 = arith.addi %mul3A_248, %mul3A_251 : vector<16xi32>
      %shift_right_arithmetic3A_253 = arith.constant 3 : i32
      %shift_right_arithmetic3A_254 = vector.broadcast %shift_right_arithmetic3A_253 : i32 to vector<16xi32>
      %shift_right_arithmetic3A_255 = arith.shrsi %and3A_236, %shift_right_arithmetic3A_254 : vector<16xi32>
      %mul3A_256 = arith.constant 2048 : i32
      %mul3A_257 = vector.broadcast %mul3A_256 : i32 to vector<16xi32>
      %mul3A_258 = arith.muli %shift_right_arithmetic3A_255, %mul3A_257 : vector<16xi32>
      %add3A_259 = arith.addi %add3A_252, %mul3A_258 : vector<16xi32>
      %shift_right_arithmetic3A_260 = arith.constant 7 : i32
      %shift_right_arithmetic3A_261 = vector.broadcast %shift_right_arithmetic3A_260 : i32 to vector<16xi32>
      %shift_right_arithmetic3A_262 = arith.shrsi %and3A_242, %shift_right_arithmetic3A_261 : vector<16xi32>
      %mul3A_263 = arith.constant 1024 : i32
      %mul3A_264 = vector.broadcast %mul3A_263 : i32 to vector<16xi32>
      %mul3A_265 = arith.muli %shift_right_arithmetic3A_262, %mul3A_264 : vector<16xi32>
      %add3A_266 = arith.addi %add3A_259, %mul3A_265 : vector<16xi32>
      %and3A_267 = arith.constant 7 : i32
      %and3A_268 = vector.broadcast %and3A_267 : i32 to vector<16xi32>
      %and3A_269 = arith.andi %and3A_236, %and3A_268 : vector<16xi32>
      %mul3A_270 = arith.constant 128 : i32
      %mul3A_271 = vector.broadcast %mul3A_270 : i32 to vector<16xi32>
      %mul3A_272 = arith.muli %and3A_269, %mul3A_271 : vector<16xi32>
      %add3A_273 = arith.addi %add3A_266, %mul3A_272 : vector<16xi32>
      %and3A_274 = arith.constant 127 : i32
      %and3A_275 = vector.broadcast %and3A_274 : i32 to vector<16xi32>
      %and3A_276 = arith.andi %and3A_242, %and3A_275 : vector<16xi32>
      %add3A_277 = arith.addi %add3A_273, %and3A_276 : vector<16xi32>
      %swap3A_278 = arith.index_cast %mul3A_224 : i32 to index
      %swap3A_279 = tpu.vector_load %arg8[%swap3A_278] {strides = array<i32>} : memref<8192xi32, #tpu.memory_space<vmem>>, vector<16xi32>,
      %swap3A_280 = vector.shape_cast %swap3A_279 : vector<16xi32> to vector<16xi32>
      %swap3A_281 = vector.shape_cast %add3A_277 : vector<16xi32> to vector<16xi32>
      tpu.vector_store %arg8[%swap3A_278], %swap3A_281 {strides = array<i32>} : memref<8192xi32, #tpu.memory_space<vmem>>, vector<16xi32>,
      %scan3A_282 = arith.constant 3 : i32
      %scan3A_283 = arith.addi %scan3A_104, %scan3A_282 : i32
      %mul3A_284 = arith.constant 16 : i32
      %mul3A_285 = arith.muli %scan3A_283, %mul3A_284 : i32
      %get3A_286 = arith.index_cast %mul3A_285 : i32 to index
      %get3A_287 = tpu.vector_load %arg6[%get3A_286] {strides = array<i32>} : memref<8192xi32, #tpu.memory_space<vmem>>, vector<16xi32>,
      %get3A_288 = vector.shape_cast %get3A_287 : vector<16xi32> to vector<16xi32>
      %and3A_289 = arith.constant 255 : i32
      %and3A_290 = vector.broadcast %and3A_289 : i32 to vector<16xi32>
      %and3A_291 = arith.andi %get3A_288, %and3A_290 : vector<16xi32>
      %shift_right_arithmetic3A_292 = arith.constant 8 : i32
      %shift_right_arithmetic3A_293 = vector.broadcast %shift_right_arithmetic3A_292 : i32 to vector<16xi32>
      %shift_right_arithmetic3A_294 = arith.shrsi %get3A_288, %shift_right_arithmetic3A_293 : vector<16xi32>
      %and3A_295 = arith.constant 255 : i32
      %and3A_296 = vector.broadcast %and3A_295 : i32 to vector<16xi32>
      %and3A_297 = arith.andi %shift_right_arithmetic3A_294, %and3A_296 : vector<16xi32>
      %shift_right_arithmetic3A_298 = arith.constant 16 : i32
      %shift_right_arithmetic3A_299 = vector.broadcast %shift_right_arithmetic3A_298 : i32 to vector<16xi32>
      %shift_right_arithmetic3A_300 = arith.shrsi %get3A_288, %shift_right_arithmetic3A_299 : vector<16xi32>
      %and3A_301 = arith.constant 255 : i32
      %and3A_302 = vector.broadcast %and3A_301 : i32 to vector<16xi32>
      %and3A_303 = arith.andi %shift_right_arithmetic3A_300, %and3A_302 : vector<16xi32>
      %shift_right_arithmetic3A_304 = arith.constant 24 : i32
      %shift_right_arithmetic3A_305 = vector.broadcast %shift_right_arithmetic3A_304 : i32 to vector<16xi32>
      %shift_right_arithmetic3A_306 = arith.shrsi %get3A_288, %shift_right_arithmetic3A_305 : vector<16xi32>
      %mul3A_307 = arith.constant 4491264 : i32
      %mul3A_308 = vector.broadcast %mul3A_307 : i32 to vector<16xi32>
      %mul3A_309 = arith.muli %shift_right_arithmetic3A_306, %mul3A_308 : vector<16xi32>
      %mul3A_310 = arith.constant 34816 : i32
      %mul3A_311 = vector.broadcast %mul3A_310 : i32 to vector<16xi32>
      %mul3A_312 = arith.muli %and3A_291, %mul3A_311 : vector<16xi32>
      %add3A_313 = arith.addi %mul3A_309, %mul3A_312 : vector<16xi32>
      %shift_right_arithmetic3A_314 = arith.constant 3 : i32
      %shift_right_arithmetic3A_315 = vector.broadcast %shift_right_arithmetic3A_314 : i32 to vector<16xi32>
      %shift_right_arithmetic3A_316 = arith.shrsi %and3A_297, %shift_right_arithmetic3A_315 : vector<16xi32>
      %mul3A_317 = arith.constant 2048 : i32
      %mul3A_318 = vector.broadcast %mul3A_317 : i32 to vector<16xi32>
      %mul3A_319 = arith.muli %shift_right_arithmetic3A_316, %mul3A_318 : vector<16xi32>
      %add3A_320 = arith.addi %add3A_313, %mul3A_319 : vector<16xi32>
      %shift_right_arithmetic3A_321 = arith.constant 7 : i32
      %shift_right_arithmetic3A_322 = vector.broadcast %shift_right_arithmetic3A_321 : i32 to vector<16xi32>
      %shift_right_arithmetic3A_323 = arith.shrsi %and3A_303, %shift_right_arithmetic3A_322 : vector<16xi32>
      %mul3A_324 = arith.constant 1024 : i32
      %mul3A_325 = vector.broadcast %mul3A_324 : i32 to vector<16xi32>
      %mul3A_326 = arith.muli %shift_right_arithmetic3A_323, %mul3A_325 : vector<16xi32>
      %add3A_327 = arith.addi %add3A_320, %mul3A_326 : vector<16xi32>
      %and3A_328 = arith.constant 7 : i32
      %and3A_329 = vector.broadcast %and3A_328 : i32 to vector<16xi32>
      %and3A_330 = arith.andi %and3A_297, %and3A_329 : vector<16xi32>
      %mul3A_331 = arith.constant 128 : i32
      %mul3A_332 = vector.broadcast %mul3A_331 : i32 to vector<16xi32>
      %mul3A_333 = arith.muli %and3A_330, %mul3A_332 : vector<16xi32>
      %add3A_334 = arith.addi %add3A_327, %mul3A_333 : vector<16xi32>
      %and3A_335 = arith.constant 127 : i32
      %and3A_336 = vector.broadcast %and3A_335 : i32 to vector<16xi32>
      %and3A_337 = arith.andi %and3A_303, %and3A_336 : vector<16xi32>
      %add3A_338 = arith.addi %add3A_334, %and3A_337 : vector<16xi32>
      %swap3A_339 = arith.index_cast %mul3A_285 : i32 to index
      %swap3A_340 = tpu.vector_load %arg8[%swap3A_339] {strides = array<i32>} : memref<8192xi32, #tpu.memory_space<vmem>>, vector<16xi32>,
      %swap3A_341 = vector.shape_cast %swap3A_340 : vector<16xi32> to vector<16xi32>
      %swap3A_342 = vector.shape_cast %add3A_338 : vector<16xi32> to vector<16xi32>
      tpu.vector_store %arg8[%swap3A_339], %swap3A_342 {strides = array<i32>} : memref<8192xi32, #tpu.memory_space<vmem>>, vector<16xi32>,
      %scan3A_343 = arith.constant 4 : i32
      %scan3A_344 = arith.addi %scan3A_104, %scan3A_343 : i32
      %mul3A_345 = arith.constant 16 : i32
      %mul3A_346 = arith.muli %scan3A_344, %mul3A_345 : i32
      %get3A_347 = arith.index_cast %mul3A_346 : i32 to index
      %get3A_348 = tpu.vector_load %arg6[%get3A_347] {strides = array<i32>} : memref<8192xi32, #tpu.memory_space<vmem>>, vector<16xi32>,
      %get3A_349 = vector.shape_cast %get3A_348 : vector<16xi32> to vector<16xi32>
      %and3A_350 = arith.constant 255 : i32
      %and3A_351 = vector.broadcast %and3A_350 : i32 to vector<16xi32>
      %and3A_352 = arith.andi %get3A_349, %and3A_351 : vector<16xi32>
      %shift_right_arithmetic3A_353 = arith.constant 8 : i32
      %shift_right_arithmetic3A_354 = vector.broadcast %shift_right_arithmetic3A_353 : i32 to vector<16xi32>
      %shift_right_arithmetic3A_355 = arith.shrsi %get3A_349, %shift_right_arithmetic3A_354 : vector<16xi32>
      %and3A_356 = arith.constant 255 : i32
      %and3A_357 = vector.broadcast %and3A_356 : i32 to vector<16xi32>
      %and3A_358 = arith.andi %shift_right_arithmetic3A_355, %and3A_357 : vector<16xi32>
      %shift_right_arithmetic3A_359 = arith.constant 16 : i32
      %shift_right_arithmetic3A_360 = vector.broadcast %shift_right_arithmetic3A_359 : i32 to vector<16xi32>
      %shift_right_arithmetic3A_361 = arith.shrsi %get3A_349, %shift_right_arithmetic3A_360 : vector<16xi32>
      %and3A_362 = arith.constant 255 : i32
      %and3A_363 = vector.broadcast %and3A_362 : i32 to vector<16xi32>
      %and3A_364 = arith.andi %shift_right_arithmetic3A_361, %and3A_363 : vector<16xi32>
      %shift_right_arithmetic3A_365 = arith.constant 24 : i32
      %shift_right_arithmetic3A_366 = vector.broadcast %shift_right_arithmetic3A_365 : i32 to vector<16xi32>
      %shift_right_arithmetic3A_367 = arith.shrsi %get3A_349, %shift_right_arithmetic3A_366 : vector<16xi32>
      %mul3A_368 = arith.constant 4491264 : i32
      %mul3A_369 = vector.broadcast %mul3A_368 : i32 to vector<16xi32>
      %mul3A_370 = arith.muli %shift_right_arithmetic3A_367, %mul3A_369 : vector<16xi32>
      %mul3A_371 = arith.constant 34816 : i32
      %mul3A_372 = vector.broadcast %mul3A_371 : i32 to vector<16xi32>
      %mul3A_373 = arith.muli %and3A_352, %mul3A_372 : vector<16xi32>
      %add3A_374 = arith.addi %mul3A_370, %mul3A_373 : vector<16xi32>
      %shift_right_arithmetic3A_375 = arith.constant 3 : i32
      %shift_right_arithmetic3A_376 = vector.broadcast %shift_right_arithmetic3A_375 : i32 to vector<16xi32>
      %shift_right_arithmetic3A_377 = arith.shrsi %and3A_358, %shift_right_arithmetic3A_376 : vector<16xi32>
      %mul3A_378 = arith.constant 2048 : i32
      %mul3A_379 = vector.broadcast %mul3A_378 : i32 to vector<16xi32>
      %mul3A_380 = arith.muli %shift_right_arithmetic3A_377, %mul3A_379 : vector<16xi32>
      %add3A_381 = arith.addi %add3A_374, %mul3A_380 : vector<16xi32>
      %shift_right_arithmetic3A_382 = arith.constant 7 : i32
      %shift_right_arithmetic3A_383 = vector.broadcast %shift_right_arithmetic3A_382 : i32 to vector<16xi32>
      %shift_right_arithmetic3A_384 = arith.shrsi %and3A_364, %shift_right_arithmetic3A_383 : vector<16xi32>
      %mul3A_385 = arith.constant 1024 : i32
      %mul3A_386 = vector.broadcast %mul3A_385 : i32 to vector<16xi32>
      %mul3A_387 = arith.muli %shift_right_arithmetic3A_384, %mul3A_386 : vector<16xi32>
      %add3A_388 = arith.addi %add3A_381, %mul3A_387 : vector<16xi32>
      %and3A_389 = arith.constant 7 : i32
      %and3A_390 = vector.broadcast %and3A_389 : i32 to vector<16xi32>
      %and3A_391 = arith.andi %and3A_358, %and3A_390 : vector<16xi32>
      %mul3A_392 = arith.constant 128 : i32
      %mul3A_393 = vector.broadcast %mul3A_392 : i32 to vector<16xi32>
      %mul3A_394 = arith.muli %and3A_391, %mul3A_393 : vector<16xi32>
      %add3A_395 = arith.addi %add3A_388, %mul3A_394 : vector<16xi32>
      %and3A_396 = arith.constant 127 : i32
      %and3A_397 = vector.broadcast %and3A_396 : i32 to vector<16xi32>
      %and3A_398 = arith.andi %and3A_364, %and3A_397 : vector<16xi32>
      %add3A_399 = arith.addi %add3A_395, %and3A_398 : vector<16xi32>
      %swap3A_400 = arith.index_cast %mul3A_346 : i32 to index
      %swap3A_401 = tpu.vector_load %arg8[%swap3A_400] {strides = array<i32>} : memref<8192xi32, #tpu.memory_space<vmem>>, vector<16xi32>,
      %swap3A_402 = vector.shape_cast %swap3A_401 : vector<16xi32> to vector<16xi32>
      %swap3A_403 = vector.shape_cast %add3A_399 : vector<16xi32> to vector<16xi32>
      tpu.vector_store %arg8[%swap3A_400], %swap3A_403 {strides = array<i32>} : memref<8192xi32, #tpu.memory_space<vmem>>, vector<16xi32>,
      %scan3A_404 = arith.constant 5 : i32
      %scan3A_405 = arith.addi %scan3A_104, %scan3A_404 : i32
      %mul3A_406 = arith.constant 16 : i32
      %mul3A_407 = arith.muli %scan3A_405, %mul3A_406 : i32
      %get3A_408 = arith.index_cast %mul3A_407 : i32 to index
      %get3A_409 = tpu.vector_load %arg6[%get3A_408] {strides = array<i32>} : memref<8192xi32, #tpu.memory_space<vmem>>, vector<16xi32>,
      %get3A_410 = vector.shape_cast %get3A_409 : vector<16xi32> to vector<16xi32>
      %and3A_411 = arith.constant 255 : i32
      %and3A_412 = vector.broadcast %and3A_411 : i32 to vector<16xi32>
      %and3A_413 = arith.andi %get3A_410, %and3A_412 : vector<16xi32>
      %shift_right_arithmetic3A_414 = arith.constant 8 : i32
      %shift_right_arithmetic3A_415 = vector.broadcast %shift_right_arithmetic3A_414 : i32 to vector<16xi32>
      %shift_right_arithmetic3A_416 = arith.shrsi %get3A_410, %shift_right_arithmetic3A_415 : vector<16xi32>
      %and3A_417 = arith.constant 255 : i32
      %and3A_418 = vector.broadcast %and3A_417 : i32 to vector<16xi32>
      %and3A_419 = arith.andi %shift_right_arithmetic3A_416, %and3A_418 : vector<16xi32>
      %shift_right_arithmetic3A_420 = arith.constant 16 : i32
      %shift_right_arithmetic3A_421 = vector.broadcast %shift_right_arithmetic3A_420 : i32 to vector<16xi32>
      %shift_right_arithmetic3A_422 = arith.shrsi %get3A_410, %shift_right_arithmetic3A_421 : vector<16xi32>
      %and3A_423 = arith.constant 255 : i32
      %and3A_424 = vector.broadcast %and3A_423 : i32 to vector<16xi32>
      %and3A_425 = arith.andi %shift_right_arithmetic3A_422, %and3A_424 : vector<16xi32>
      %shift_right_arithmetic3A_426 = arith.constant 24 : i32
      %shift_right_arithmetic3A_427 = vector.broadcast %shift_right_arithmetic3A_426 : i32 to vector<16xi32>
      %shift_right_arithmetic3A_428 = arith.shrsi %get3A_410, %shift_right_arithmetic3A_427 : vector<16xi32>
      %mul3A_429 = arith.constant 4491264 : i32
      %mul3A_430 = vector.broadcast %mul3A_429 : i32 to vector<16xi32>
      %mul3A_431 = arith.muli %shift_right_arithmetic3A_428, %mul3A_430 : vector<16xi32>
      %mul3A_432 = arith.constant 34816 : i32
      %mul3A_433 = vector.broadcast %mul3A_432 : i32 to vector<16xi32>
      %mul3A_434 = arith.muli %and3A_413, %mul3A_433 : vector<16xi32>
      %add3A_435 = arith.addi %mul3A_431, %mul3A_434 : vector<16xi32>
      %shift_right_arithmetic3A_436 = arith.constant 3 : i32
      %shift_right_arithmetic3A_437 = vector.broadcast %shift_right_arithmetic3A_436 : i32 to vector<16xi32>
      %shift_right_arithmetic3A_438 = arith.shrsi %and3A_419, %shift_right_arithmetic3A_437 : vector<16xi32>
      %mul3A_439 = arith.constant 2048 : i32
      %mul3A_440 = vector.broadcast %mul3A_439 : i32 to vector<16xi32>
      %mul3A_441 = arith.muli %shift_right_arithmetic3A_438, %mul3A_440 : vector<16xi32>
      %add3A_442 = arith.addi %add3A_435, %mul3A_441 : vector<16xi32>
      %shift_right_arithmetic3A_443 = arith.constant 7 : i32
      %shift_right_arithmetic3A_444 = vector.broadcast %shift_right_arithmetic3A_443 : i32 to vector<16xi32>
      %shift_right_arithmetic3A_445 = arith.shrsi %and3A_425, %shift_right_arithmetic3A_444 : vector<16xi32>
      %mul3A_446 = arith.constant 1024 : i32
      %mul3A_447 = vector.broadcast %mul3A_446 : i32 to vector<16xi32>
      %mul3A_448 = arith.muli %shift_right_arithmetic3A_445, %mul3A_447 : vector<16xi32>
      %add3A_449 = arith.addi %add3A_442, %mul3A_448 : vector<16xi32>
      %and3A_450 = arith.constant 7 : i32
      %and3A_451 = vector.broadcast %and3A_450 : i32 to vector<16xi32>
      %and3A_452 = arith.andi %and3A_419, %and3A_451 : vector<16xi32>
      %mul3A_453 = arith.constant 128 : i32
      %mul3A_454 = vector.broadcast %mul3A_453 : i32 to vector<16xi32>
      %mul3A_455 = arith.muli %and3A_452, %mul3A_454 : vector<16xi32>
      %add3A_456 = arith.addi %add3A_449, %mul3A_455 : vector<16xi32>
      %and3A_457 = arith.constant 127 : i32
      %and3A_458 = vector.broadcast %and3A_457 : i32 to vector<16xi32>
      %and3A_459 = arith.andi %and3A_425, %and3A_458 : vector<16xi32>
      %add3A_460 = arith.addi %add3A_456, %and3A_459 : vector<16xi32>
      %swap3A_461 = arith.index_cast %mul3A_407 : i32 to index
      %swap3A_462 = tpu.vector_load %arg8[%swap3A_461] {strides = array<i32>} : memref<8192xi32, #tpu.memory_space<vmem>>, vector<16xi32>,
      %swap3A_463 = vector.shape_cast %swap3A_462 : vector<16xi32> to vector<16xi32>
      %swap3A_464 = vector.shape_cast %add3A_460 : vector<16xi32> to vector<16xi32>
      tpu.vector_store %arg8[%swap3A_461], %swap3A_464 {strides = array<i32>} : memref<8192xi32, #tpu.memory_space<vmem>>, vector<16xi32>,
      %scan3A_465 = arith.constant 6 : i32
      %scan3A_466 = arith.addi %scan3A_104, %scan3A_465 : i32
      %mul3A_467 = arith.constant 16 : i32
      %mul3A_468 = arith.muli %scan3A_466, %mul3A_467 : i32
      %get3A_469 = arith.index_cast %mul3A_468 : i32 to index
      %get3A_470 = tpu.vector_load %arg6[%get3A_469] {strides = array<i32>} : memref<8192xi32, #tpu.memory_space<vmem>>, vector<16xi32>,
      %get3A_471 = vector.shape_cast %get3A_470 : vector<16xi32> to vector<16xi32>
      %and3A_472 = arith.constant 255 : i32
      %and3A_473 = vector.broadcast %and3A_472 : i32 to vector<16xi32>
      %and3A_474 = arith.andi %get3A_471, %and3A_473 : vector<16xi32>
      %shift_right_arithmetic3A_475 = arith.constant 8 : i32
      %shift_right_arithmetic3A_476 = vector.broadcast %shift_right_arithmetic3A_475 : i32 to vector<16xi32>
      %shift_right_arithmetic3A_477 = arith.shrsi %get3A_471, %shift_right_arithmetic3A_476 : vector<16xi32>
      %and3A_478 = arith.constant 255 : i32
      %and3A_479 = vector.broadcast %and3A_478 : i32 to vector<16xi32>
      %and3A_480 = arith.andi %shift_right_arithmetic3A_477, %and3A_479 : vector<16xi32>
      %shift_right_arithmetic3A_481 = arith.constant 16 : i32
      %shift_right_arithmetic3A_482 = vector.broadcast %shift_right_arithmetic3A_481 : i32 to vector<16xi32>
      %shift_right_arithmetic3A_483 = arith.shrsi %get3A_471, %shift_right_arithmetic3A_482 : vector<16xi32>
      %and3A_484 = arith.constant 255 : i32
      %and3A_485 = vector.broadcast %and3A_484 : i32 to vector<16xi32>
      %and3A_486 = arith.andi %shift_right_arithmetic3A_483, %and3A_485 : vector<16xi32>
      %shift_right_arithmetic3A_487 = arith.constant 24 : i32
      %shift_right_arithmetic3A_488 = vector.broadcast %shift_right_arithmetic3A_487 : i32 to vector<16xi32>
      %shift_right_arithmetic3A_489 = arith.shrsi %get3A_471, %shift_right_arithmetic3A_488 : vector<16xi32>
      %mul3A_490 = arith.constant 4491264 : i32
      %mul3A_491 = vector.broadcast %mul3A_490 : i32 to vector<16xi32>
      %mul3A_492 = arith.muli %shift_right_arithmetic3A_489, %mul3A_491 : vector<16xi32>
      %mul3A_493 = arith.constant 34816 : i32
      %mul3A_494 = vector.broadcast %mul3A_493 : i32 to vector<16xi32>
      %mul3A_495 = arith.muli %and3A_474, %mul3A_494 : vector<16xi32>
      %add3A_496 = arith.addi %mul3A_492, %mul3A_495 : vector<16xi32>
      %shift_right_arithmetic3A_497 = arith.constant 3 : i32
      %shift_right_arithmetic3A_498 = vector.broadcast %shift_right_arithmetic3A_497 : i32 to vector<16xi32>
      %shift_right_arithmetic3A_499 = arith.shrsi %and3A_480, %shift_right_arithmetic3A_498 : vector<16xi32>
      %mul3A_500 = arith.constant 2048 : i32
      %mul3A_501 = vector.broadcast %mul3A_500 : i32 to vector<16xi32>
      %mul3A_502 = arith.muli %shift_right_arithmetic3A_499, %mul3A_501 : vector<16xi32>
      %add3A_503 = arith.addi %add3A_496, %mul3A_502 : vector<16xi32>
      %shift_right_arithmetic3A_504 = arith.constant 7 : i32
      %shift_right_arithmetic3A_505 = vector.broadcast %shift_right_arithmetic3A_504 : i32 to vector<16xi32>
      %shift_right_arithmetic3A_506 = arith.shrsi %and3A_486, %shift_right_arithmetic3A_505 : vector<16xi32>
      %mul3A_507 = arith.constant 1024 : i32
      %mul3A_508 = vector.broadcast %mul3A_507 : i32 to vector<16xi32>
      %mul3A_509 = arith.muli %shift_right_arithmetic3A_506, %mul3A_508 : vector<16xi32>
      %add3A_510 = arith.addi %add3A_503, %mul3A_509 : vector<16xi32>
      %and3A_511 = arith.constant 7 : i32
      %and3A_512 = vector.broadcast %and3A_511 : i32 to vector<16xi32>
      %and3A_513 = arith.andi %and3A_480, %and3A_512 : vector<16xi32>
      %mul3A_514 = arith.constant 128 : i32
      %mul3A_515 = vector.broadcast %mul3A_514 : i32 to vector<16xi32>
      %mul3A_516 = arith.muli %and3A_513, %mul3A_515 : vector<16xi32>
      %add3A_517 = arith.addi %add3A_510, %mul3A_516 : vector<16xi32>
      %and3A_518 = arith.constant 127 : i32
      %and3A_519 = vector.broadcast %and3A_518 : i32 to vector<16xi32>
      %and3A_520 = arith.andi %and3A_486, %and3A_519 : vector<16xi32>
      %add3A_521 = arith.addi %add3A_517, %and3A_520 : vector<16xi32>
      %swap3A_522 = arith.index_cast %mul3A_468 : i32 to index
      %swap3A_523 = tpu.vector_load %arg8[%swap3A_522] {strides = array<i32>} : memref<8192xi32, #tpu.memory_space<vmem>>, vector<16xi32>,
      %swap3A_524 = vector.shape_cast %swap3A_523 : vector<16xi32> to vector<16xi32>
      %swap3A_525 = vector.shape_cast %add3A_521 : vector<16xi32> to vector<16xi32>
      tpu.vector_store %arg8[%swap3A_522], %swap3A_525 {strides = array<i32>} : memref<8192xi32, #tpu.memory_space<vmem>>, vector<16xi32>,
      %scan3A_526 = arith.constant 7 : i32
      %scan3A_527 = arith.addi %scan3A_104, %scan3A_526 : i32
      %mul3A_528 = arith.constant 16 : i32
      %mul3A_529 = arith.muli %scan3A_527, %mul3A_528 : i32
      %get3A_530 = arith.index_cast %mul3A_529 : i32 to index
      %get3A_531 = tpu.vector_load %arg6[%get3A_530] {strides = array<i32>} : memref<8192xi32, #tpu.memory_space<vmem>>, vector<16xi32>,
      %get3A_532 = vector.shape_cast %get3A_531 : vector<16xi32> to vector<16xi32>
      %and3A_533 = arith.constant 255 : i32
      %and3A_534 = vector.broadcast %and3A_533 : i32 to vector<16xi32>
      %and3A_535 = arith.andi %get3A_532, %and3A_534 : vector<16xi32>
      %shift_right_arithmetic3A_536 = arith.constant 8 : i32
      %shift_right_arithmetic3A_537 = vector.broadcast %shift_right_arithmetic3A_536 : i32 to vector<16xi32>
      %shift_right_arithmetic3A_538 = arith.shrsi %get3A_532, %shift_right_arithmetic3A_537 : vector<16xi32>
      %and3A_539 = arith.constant 255 : i32
      %and3A_540 = vector.broadcast %and3A_539 : i32 to vector<16xi32>
      %and3A_541 = arith.andi %shift_right_arithmetic3A_538, %and3A_540 : vector<16xi32>
      %shift_right_arithmetic3A_542 = arith.constant 16 : i32
      %shift_right_arithmetic3A_543 = vector.broadcast %shift_right_arithmetic3A_542 : i32 to vector<16xi32>
      %shift_right_arithmetic3A_544 = arith.shrsi %get3A_532, %shift_right_arithmetic3A_543 : vector<16xi32>
      %and3A_545 = arith.constant 255 : i32
      %and3A_546 = vector.broadcast %and3A_545 : i32 to vector<16xi32>
      %and3A_547 = arith.andi %shift_right_arithmetic3A_544, %and3A_546 : vector<16xi32>
      %shift_right_arithmetic3A_548 = arith.constant 24 : i32
      %shift_right_arithmetic3A_549 = vector.broadcast %shift_right_arithmetic3A_548 : i32 to vector<16xi32>
      %shift_right_arithmetic3A_550 = arith.shrsi %get3A_532, %shift_right_arithmetic3A_549 : vector<16xi32>
      %mul3A_551 = arith.constant 4491264 : i32
      %mul3A_552 = vector.broadcast %mul3A_551 : i32 to vector<16xi32>
      %mul3A_553 = arith.muli %shift_right_arithmetic3A_550, %mul3A_552 : vector<16xi32>
      %mul3A_554 = arith.constant 34816 : i32
      %mul3A_555 = vector.broadcast %mul3A_554 : i32 to vector<16xi32>
      %mul3A_556 = arith.muli %and3A_535, %mul3A_555 : vector<16xi32>
      %add3A_557 = arith.addi %mul3A_553, %mul3A_556 : vector<16xi32>
      %shift_right_arithmetic3A_558 = arith.constant 3 : i32
      %shift_right_arithmetic3A_559 = vector.broadcast %shift_right_arithmetic3A_558 : i32 to vector<16xi32>
      %shift_right_arithmetic3A_560 = arith.shrsi %and3A_541, %shift_right_arithmetic3A_559 : vector<16xi32>
      %mul3A_561 = arith.constant 2048 : i32
      %mul3A_562 = vector.broadcast %mul3A_561 : i32 to vector<16xi32>
      %mul3A_563 = arith.muli %shift_right_arithmetic3A_560, %mul3A_562 : vector<16xi32>
      %add3A_564 = arith.addi %add3A_557, %mul3A_563 : vector<16xi32>
      %shift_right_arithmetic3A_565 = arith.constant 7 : i32
      %shift_right_arithmetic3A_566 = vector.broadcast %shift_right_arithmetic3A_565 : i32 to vector<16xi32>
      %shift_right_arithmetic3A_567 = arith.shrsi %and3A_547, %shift_right_arithmetic3A_566 : vector<16xi32>
      %mul3A_568 = arith.constant 1024 : i32
      %mul3A_569 = vector.broadcast %mul3A_568 : i32 to vector<16xi32>
      %mul3A_570 = arith.muli %shift_right_arithmetic3A_567, %mul3A_569 : vector<16xi32>
      %add3A_571 = arith.addi %add3A_564, %mul3A_570 : vector<16xi32>
      %and3A_572 = arith.constant 7 : i32
      %and3A_573 = vector.broadcast %and3A_572 : i32 to vector<16xi32>
      %and3A_574 = arith.andi %and3A_541, %and3A_573 : vector<16xi32>
      %mul3A_575 = arith.constant 128 : i32
      %mul3A_576 = vector.broadcast %mul3A_575 : i32 to vector<16xi32>
      %mul3A_577 = arith.muli %and3A_574, %mul3A_576 : vector<16xi32>
      %add3A_578 = arith.addi %add3A_571, %mul3A_577 : vector<16xi32>
      %and3A_579 = arith.constant 127 : i32
      %and3A_580 = vector.broadcast %and3A_579 : i32 to vector<16xi32>
      %and3A_581 = arith.andi %and3A_547, %and3A_580 : vector<16xi32>
      %add3A_582 = arith.addi %add3A_578, %and3A_581 : vector<16xi32>
      %swap3A_583 = arith.index_cast %mul3A_529 : i32 to index
      %swap3A_584 = tpu.vector_load %arg8[%swap3A_583] {strides = array<i32>} : memref<8192xi32, #tpu.memory_space<vmem>>, vector<16xi32>,
      %swap3A_585 = vector.shape_cast %swap3A_584 : vector<16xi32> to vector<16xi32>
      %swap3A_586 = vector.shape_cast %add3A_582 : vector<16xi32> to vector<16xi32>
      tpu.vector_store %arg8[%swap3A_583], %swap3A_586 {strides = array<i32>} : memref<8192xi32, #tpu.memory_space<vmem>>, vector<16xi32>,
    }
    %scan3A_33 = arith.constant 512 : i32
    %dma_start3A_34 = arith.constant 0 : i32
    %dma_start3A_35 = tpu.memref_slice %arg3[%dma_start3A_34] : memref<8982528xi32, #tpu.memory_space<hbm>> -> memref<8982528xi32, #tpu.memory_space<hbm>>
    tpu.enqueue_indirect_dma source(%dma_start3A_35 : memref<8982528xi32, #tpu.memory_space<hbm>>) target(%arg10 : memref<8192xi32, #tpu.memory_space<vmem>>) offsets(%arg8 : memref<8192xi32, #tpu.memory_space<vmem>>) semaphore(%arg16 : memref<!tpu.dma_semaphore, #tpu.memory_space<semaphore_mem>>)
    %add3A_36 = arith.constant 24576 : i32
    %add3A_37 = arith.addi %mul3A_2, %add3A_36 : i32
    %dma_start3A_38 = tpu.memref_slice %arg2[%add3A_37] : memref<1048576xi32, #tpu.memory_space<hbm>> -> memref<8192xi32, #tpu.memory_space<hbm>>
    %dma_start3A_39 = tpu.memref_slice %arg2[%add3A_37] : memref<1048576xi32, #tpu.memory_space<hbm>> -> memref<8192xi32, #tpu.memory_space<hbm>>
    tpu.enqueue_dma source(%dma_start3A_39 : memref<8192xi32, #tpu.memory_space<hbm>>) target(%arg6 : memref<8192xi32, #tpu.memory_space<vmem>>) target_semaphore(%arg14 : memref<!tpu.dma_semaphore, #tpu.memory_space<semaphore_mem>>)
    %dma_wait3A_40 = arith.constant 0 : i32
    %dma_wait3A_41 = tpu.memref_slice %arg3[%dma_wait3A_40] : memref<8982528xi32, #tpu.memory_space<hbm>> -> memref<8982528xi32, #tpu.memory_space<hbm>>
    tpu.wait_indirect_dma semaphore(%arg15 : memref<!tpu.dma_semaphore, #tpu.memory_space<semaphore_mem>>) src(%dma_wait3A_41 : memref<8982528xi32, #tpu.memory_space<hbm>>) dst(%arg9 : memref<8192xi32, #tpu.memory_space<vmem>>)
    %add3A_42 = arith.constant 0 : i32
    %add3A_43 = arith.addi %mul3A_2, %add3A_42 : i32
    %dma_start3A_44 = tpu.memref_slice %arg4[%add3A_43] : memref<1048576xi32, #tpu.memory_space<hbm>> -> memref<8192xi32, #tpu.memory_space<hbm>>
    %dma_start3A_45 = tpu.memref_slice %arg4[%add3A_43] : memref<1048576xi32, #tpu.memory_space<hbm>> -> memref<8192xi32, #tpu.memory_space<hbm>>
    tpu.enqueue_dma source(%arg9 : memref<8192xi32, #tpu.memory_space<vmem>>) target(%dma_start3A_45 : memref<8192xi32, #tpu.memory_space<hbm>>) target_semaphore(%arg17 : memref<!tpu.dma_semaphore, #tpu.memory_space<semaphore_mem>>)
    %add3A_46 = arith.constant 16384 : i32
    %add3A_47 = arith.addi %mul3A_2, %add3A_46 : i32
    %dma_wait3A_48 = tpu.memref_slice %arg2[%add3A_47] : memref<1048576xi32, #tpu.memory_space<hbm>> -> memref<8192xi32, #tpu.memory_space<hbm>>
    %dma_wait3A_49 = tpu.memref_slice %arg2[%add3A_47] : memref<1048576xi32, #tpu.memory_space<hbm>> -> memref<8192xi32, #tpu.memory_space<hbm>>
    tpu.wait_dma2 semaphore(%arg13 : memref<!tpu.dma_semaphore, #tpu.memory_space<semaphore_mem>>) src(%dma_wait3A_49 : memref<8192xi32, #tpu.memory_space<hbm>>) dst(%arg5 : memref<8192xi32, #tpu.memory_space<vmem>>)
    %scan3A_50 = arith.constant 0 : i32
    %scan3A_51 = arith.constant 0 : i32
    %scan3A_52 = arith.constant 512 : i32
    %scan3A_53 = arith.addi %scan3A_51, %scan3A_52 : i32
    %scan3A_54 = arith.constant 8 : i32
    scf.for %scan3A_104 = %scan3A_51 to %scan3A_53 step %scan3A_54  : i32 {
      %mul3A_105 = arith.constant 16 : i32
      %mul3A_106 = arith.muli %scan3A_104, %mul3A_105 : i32
      %get3A = arith.index_cast %mul3A_106 : i32 to index
      %get3A_107 = tpu.vector_load %arg5[%get3A] {strides = array<i32>} : memref<8192xi32, #tpu.memory_space<vmem>>, vector<16xi32>,
      %get3A_108 = vector.shape_cast %get3A_107 : vector<16xi32> to vector<16xi32>
      %and3A = arith.constant 255 : i32
      %and3A_109 = vector.broadcast %and3A : i32 to vector<16xi32>
      %and3A_110 = arith.andi %get3A_108, %and3A_109 : vector<16xi32>
      %shift_right_arithmetic3A = arith.constant 8 : i32
      %shift_right_arithmetic3A_111 = vector.broadcast %shift_right_arithmetic3A : i32 to vector<16xi32>
      %shift_right_arithmetic3A_112 = arith.shrsi %get3A_108, %shift_right_arithmetic3A_111 : vector<16xi32>
      %and3A_113 = arith.constant 255 : i32
      %and3A_114 = vector.broadcast %and3A_113 : i32 to vector<16xi32>
      %and3A_115 = arith.andi %shift_right_arithmetic3A_112, %and3A_114 : vector<16xi32>
      %shift_right_arithmetic3A_116 = arith.constant 16 : i32
      %shift_right_arithmetic3A_117 = vector.broadcast %shift_right_arithmetic3A_116 : i32 to vector<16xi32>
      %shift_right_arithmetic3A_118 = arith.shrsi %get3A_108, %shift_right_arithmetic3A_117 : vector<16xi32>
      %and3A_119 = arith.constant 255 : i32
      %and3A_120 = vector.broadcast %and3A_119 : i32 to vector<16xi32>
      %and3A_121 = arith.andi %shift_right_arithmetic3A_118, %and3A_120 : vector<16xi32>
      %shift_right_arithmetic3A_122 = arith.constant 24 : i32
      %shift_right_arithmetic3A_123 = vector.broadcast %shift_right_arithmetic3A_122 : i32 to vector<16xi32>
      %shift_right_arithmetic3A_124 = arith.shrsi %get3A_108, %shift_right_arithmetic3A_123 : vector<16xi32>
      %mul3A_125 = arith.constant 4491264 : i32
      %mul3A_126 = vector.broadcast %mul3A_125 : i32 to vector<16xi32>
      %mul3A_127 = arith.muli %shift_right_arithmetic3A_124, %mul3A_126 : vector<16xi32>
      %mul3A_128 = arith.constant 34816 : i32
      %mul3A_129 = vector.broadcast %mul3A_128 : i32 to vector<16xi32>
      %mul3A_130 = arith.muli %and3A_110, %mul3A_129 : vector<16xi32>
      %add3A_131 = arith.addi %mul3A_127, %mul3A_130 : vector<16xi32>
      %shift_right_arithmetic3A_132 = arith.constant 3 : i32
      %shift_right_arithmetic3A_133 = vector.broadcast %shift_right_arithmetic3A_132 : i32 to vector<16xi32>
      %shift_right_arithmetic3A_134 = arith.shrsi %and3A_115, %shift_right_arithmetic3A_133 : vector<16xi32>
      %mul3A_135 = arith.constant 2048 : i32
      %mul3A_136 = vector.broadcast %mul3A_135 : i32 to vector<16xi32>
      %mul3A_137 = arith.muli %shift_right_arithmetic3A_134, %mul3A_136 : vector<16xi32>
      %add3A_138 = arith.addi %add3A_131, %mul3A_137 : vector<16xi32>
      %shift_right_arithmetic3A_139 = arith.constant 7 : i32
      %shift_right_arithmetic3A_140 = vector.broadcast %shift_right_arithmetic3A_139 : i32 to vector<16xi32>
      %shift_right_arithmetic3A_141 = arith.shrsi %and3A_121, %shift_right_arithmetic3A_140 : vector<16xi32>
      %mul3A_142 = arith.constant 1024 : i32
      %mul3A_143 = vector.broadcast %mul3A_142 : i32 to vector<16xi32>
      %mul3A_144 = arith.muli %shift_right_arithmetic3A_141, %mul3A_143 : vector<16xi32>
      %add3A_145 = arith.addi %add3A_138, %mul3A_144 : vector<16xi32>
      %and3A_146 = arith.constant 7 : i32
      %and3A_147 = vector.broadcast %and3A_146 : i32 to vector<16xi32>
      %and3A_148 = arith.andi %and3A_115, %and3A_147 : vector<16xi32>
      %mul3A_149 = arith.constant 128 : i32
      %mul3A_150 = vector.broadcast %mul3A_149 : i32 to vector<16xi32>
      %mul3A_151 = arith.muli %and3A_148, %mul3A_150 : vector<16xi32>
      %add3A_152 = arith.addi %add3A_145, %mul3A_151 : vector<16xi32>
      %and3A_153 = arith.constant 127 : i32
      %and3A_154 = vector.broadcast %and3A_153 : i32 to vector<16xi32>
      %and3A_155 = arith.andi %and3A_121, %and3A_154 : vector<16xi32>
      %add3A_156 = arith.addi %add3A_152, %and3A_155 : vector<16xi32>
      %swap3A = arith.index_cast %mul3A_106 : i32 to index
      %swap3A_157 = tpu.vector_load %arg7[%swap3A] {strides = array<i32>} : memref<8192xi32, #tpu.memory_space<vmem>>, vector<16xi32>,
      %swap3A_158 = vector.shape_cast %swap3A_157 : vector<16xi32> to vector<16xi32>
      %swap3A_159 = vector.shape_cast %add3A_156 : vector<16xi32> to vector<16xi32>
      tpu.vector_store %arg7[%swap3A], %swap3A_159 {strides = array<i32>} : memref<8192xi32, #tpu.memory_space<vmem>>, vector<16xi32>,
      %scan3A_160 = arith.constant 1 : i32
      %scan3A_161 = arith.addi %scan3A_104, %scan3A_160 : i32
      %mul3A_162 = arith.constant 16 : i32
      %mul3A_163 = arith.muli %scan3A_161, %mul3A_162 : i32
      %get3A_164 = arith.index_cast %mul3A_163 : i32 to index
      %get3A_165 = tpu.vector_load %arg5[%get3A_164] {strides = array<i32>} : memref<8192xi32, #tpu.memory_space<vmem>>, vector<16xi32>,
      %get3A_166 = vector.shape_cast %get3A_165 : vector<16xi32> to vector<16xi32>
      %and3A_167 = arith.constant 255 : i32
      %and3A_168 = vector.broadcast %and3A_167 : i32 to vector<16xi32>
      %and3A_169 = arith.andi %get3A_166, %and3A_168 : vector<16xi32>
      %shift_right_arithmetic3A_170 = arith.constant 8 : i32
      %shift_right_arithmetic3A_171 = vector.broadcast %shift_right_arithmetic3A_170 : i32 to vector<16xi32>
      %shift_right_arithmetic3A_172 = arith.shrsi %get3A_166, %shift_right_arithmetic3A_171 : vector<16xi32>
      %and3A_173 = arith.constant 255 : i32
      %and3A_174 = vector.broadcast %and3A_173 : i32 to vector<16xi32>
      %and3A_175 = arith.andi %shift_right_arithmetic3A_172, %and3A_174 : vector<16xi32>
      %shift_right_arithmetic3A_176 = arith.constant 16 : i32
      %shift_right_arithmetic3A_177 = vector.broadcast %shift_right_arithmetic3A_176 : i32 to vector<16xi32>
      %shift_right_arithmetic3A_178 = arith.shrsi %get3A_166, %shift_right_arithmetic3A_177 : vector<16xi32>
      %and3A_179 = arith.constant 255 : i32
      %and3A_180 = vector.broadcast %and3A_179 : i32 to vector<16xi32>
      %and3A_181 = arith.andi %shift_right_arithmetic3A_178, %and3A_180 : vector<16xi32>
      %shift_right_arithmetic3A_182 = arith.constant 24 : i32
      %shift_right_arithmetic3A_183 = vector.broadcast %shift_right_arithmetic3A_182 : i32 to vector<16xi32>
      %shift_right_arithmetic3A_184 = arith.shrsi %get3A_166, %shift_right_arithmetic3A_183 : vector<16xi32>
      %mul3A_185 = arith.constant 4491264 : i32
      %mul3A_186 = vector.broadcast %mul3A_185 : i32 to vector<16xi32>
      %mul3A_187 = arith.muli %shift_right_arithmetic3A_184, %mul3A_186 : vector<16xi32>
      %mul3A_188 = arith.constant 34816 : i32
      %mul3A_189 = vector.broadcast %mul3A_188 : i32 to vector<16xi32>
      %mul3A_190 = arith.muli %and3A_169, %mul3A_189 : vector<16xi32>
      %add3A_191 = arith.addi %mul3A_187, %mul3A_190 : vector<16xi32>
      %shift_right_arithmetic3A_192 = arith.constant 3 : i32
      %shift_right_arithmetic3A_193 = vector.broadcast %shift_right_arithmetic3A_192 : i32 to vector<16xi32>
      %shift_right_arithmetic3A_194 = arith.shrsi %and3A_175, %shift_right_arithmetic3A_193 : vector<16xi32>
      %mul3A_195 = arith.constant 2048 : i32
      %mul3A_196 = vector.broadcast %mul3A_195 : i32 to vector<16xi32>
      %mul3A_197 = arith.muli %shift_right_arithmetic3A_194, %mul3A_196 : vector<16xi32>
      %add3A_198 = arith.addi %add3A_191, %mul3A_197 : vector<16xi32>
      %shift_right_arithmetic3A_199 = arith.constant 7 : i32
      %shift_right_arithmetic3A_200 = vector.broadcast %shift_right_arithmetic3A_199 : i32 to vector<16xi32>
      %shift_right_arithmetic3A_201 = arith.shrsi %and3A_181, %shift_right_arithmetic3A_200 : vector<16xi32>
      %mul3A_202 = arith.constant 1024 : i32
      %mul3A_203 = vector.broadcast %mul3A_202 : i32 to vector<16xi32>
      %mul3A_204 = arith.muli %shift_right_arithmetic3A_201, %mul3A_203 : vector<16xi32>
      %add3A_205 = arith.addi %add3A_198, %mul3A_204 : vector<16xi32>
      %and3A_206 = arith.constant 7 : i32
      %and3A_207 = vector.broadcast %and3A_206 : i32 to vector<16xi32>
      %and3A_208 = arith.andi %and3A_175, %and3A_207 : vector<16xi32>
      %mul3A_209 = arith.constant 128 : i32
      %mul3A_210 = vector.broadcast %mul3A_209 : i32 to vector<16xi32>
      %mul3A_211 = arith.muli %and3A_208, %mul3A_210 : vector<16xi32>
      %add3A_212 = arith.addi %add3A_205, %mul3A_211 : vector<16xi32>
      %and3A_213 = arith.constant 127 : i32
      %and3A_214 = vector.broadcast %and3A_213 : i32 to vector<16xi32>
      %and3A_215 = arith.andi %and3A_181, %and3A_214 : vector<16xi32>
      %add3A_216 = arith.addi %add3A_212, %and3A_215 : vector<16xi32>
      %swap3A_217 = arith.index_cast %mul3A_163 : i32 to index
      %swap3A_218 = tpu.vector_load %arg7[%swap3A_217] {strides = array<i32>} : memref<8192xi32, #tpu.memory_space<vmem>>, vector<16xi32>,
      %swap3A_219 = vector.shape_cast %swap3A_218 : vector<16xi32> to vector<16xi32>
      %swap3A_220 = vector.shape_cast %add3A_216 : vector<16xi32> to vector<16xi32>
      tpu.vector_store %arg7[%swap3A_217], %swap3A_220 {strides = array<i32>} : memref<8192xi32, #tpu.memory_space<vmem>>, vector<16xi32>,
      %scan3A_221 = arith.constant 2 : i32
      %scan3A_222 = arith.addi %scan3A_104, %scan3A_221 : i32
      %mul3A_223 = arith.constant 16 : i32
      %mul3A_224 = arith.muli %scan3A_222, %mul3A_223 : i32
      %get3A_225 = arith.index_cast %mul3A_224 : i32 to index
      %get3A_226 = tpu.vector_load %arg5[%get3A_225] {strides = array<i32>} : memref<8192xi32, #tpu.memory_space<vmem>>, vector<16xi32>,
      %get3A_227 = vector.shape_cast %get3A_226 : vector<16xi32> to vector<16xi32>
      %and3A_228 = arith.constant 255 : i32
      %and3A_229 = vector.broadcast %and3A_228 : i32 to vector<16xi32>
      %and3A_230 = arith.andi %get3A_227, %and3A_229 : vector<16xi32>
      %shift_right_arithmetic3A_231 = arith.constant 8 : i32
      %shift_right_arithmetic3A_232 = vector.broadcast %shift_right_arithmetic3A_231 : i32 to vector<16xi32>
      %shift_right_arithmetic3A_233 = arith.shrsi %get3A_227, %shift_right_arithmetic3A_232 : vector<16xi32>
      %and3A_234 = arith.constant 255 : i32
      %and3A_235 = vector.broadcast %and3A_234 : i32 to vector<16xi32>
      %and3A_236 = arith.andi %shift_right_arithmetic3A_233, %and3A_235 : vector<16xi32>
      %shift_right_arithmetic3A_237 = arith.constant 16 : i32
      %shift_right_arithmetic3A_238 = vector.broadcast %shift_right_arithmetic3A_237 : i32 to vector<16xi32>
      %shift_right_arithmetic3A_239 = arith.shrsi %get3A_227, %shift_right_arithmetic3A_238 : vector<16xi32>
      %and3A_240 = arith.constant 255 : i32
      %and3A_241 = vector.broadcast %and3A_240 : i32 to vector<16xi32>
      %and3A_242 = arith.andi %shift_right_arithmetic3A_239, %and3A_241 : vector<16xi32>
      %shift_right_arithmetic3A_243 = arith.constant 24 : i32
      %shift_right_arithmetic3A_244 = vector.broadcast %shift_right_arithmetic3A_243 : i32 to vector<16xi32>
      %shift_right_arithmetic3A_245 = arith.shrsi %get3A_227, %shift_right_arithmetic3A_244 : vector<16xi32>
      %mul3A_246 = arith.constant 4491264 : i32
      %mul3A_247 = vector.broadcast %mul3A_246 : i32 to vector<16xi32>
      %mul3A_248 = arith.muli %shift_right_arithmetic3A_245, %mul3A_247 : vector<16xi32>
      %mul3A_249 = arith.constant 34816 : i32
      %mul3A_250 = vector.broadcast %mul3A_249 : i32 to vector<16xi32>
      %mul3A_251 = arith.muli %and3A_230, %mul3A_250 : vector<16xi32>
      %add3A_252 = arith.addi %mul3A_248, %mul3A_251 : vector<16xi32>
      %shift_right_arithmetic3A_253 = arith.constant 3 : i32
      %shift_right_arithmetic3A_254 = vector.broadcast %shift_right_arithmetic3A_253 : i32 to vector<16xi32>
      %shift_right_arithmetic3A_255 = arith.shrsi %and3A_236, %shift_right_arithmetic3A_254 : vector<16xi32>
      %mul3A_256 = arith.constant 2048 : i32
      %mul3A_257 = vector.broadcast %mul3A_256 : i32 to vector<16xi32>
      %mul3A_258 = arith.muli %shift_right_arithmetic3A_255, %mul3A_257 : vector<16xi32>
      %add3A_259 = arith.addi %add3A_252, %mul3A_258 : vector<16xi32>
      %shift_right_arithmetic3A_260 = arith.constant 7 : i32
      %shift_right_arithmetic3A_261 = vector.broadcast %shift_right_arithmetic3A_260 : i32 to vector<16xi32>
      %shift_right_arithmetic3A_262 = arith.shrsi %and3A_242, %shift_right_arithmetic3A_261 : vector<16xi32>
      %mul3A_263 = arith.constant 1024 : i32
      %mul3A_264 = vector.broadcast %mul3A_263 : i32 to vector<16xi32>
      %mul3A_265 = arith.muli %shift_right_arithmetic3A_262, %mul3A_264 : vector<16xi32>
      %add3A_266 = arith.addi %add3A_259, %mul3A_265 : vector<16xi32>
      %and3A_267 = arith.constant 7 : i32
      %and3A_268 = vector.broadcast %and3A_267 : i32 to vector<16xi32>
      %and3A_269 = arith.andi %and3A_236, %and3A_268 : vector<16xi32>
      %mul3A_270 = arith.constant 128 : i32
      %mul3A_271 = vector.broadcast %mul3A_270 : i32 to vector<16xi32>
      %mul3A_272 = arith.muli %and3A_269, %mul3A_271 : vector<16xi32>
      %add3A_273 = arith.addi %add3A_266, %mul3A_272 : vector<16xi32>
      %and3A_274 = arith.constant 127 : i32
      %and3A_275 = vector.broadcast %and3A_274 : i32 to vector<16xi32>
      %and3A_276 = arith.andi %and3A_242, %and3A_275 : vector<16xi32>
      %add3A_277 = arith.addi %add3A_273, %and3A_276 : vector<16xi32>
      %swap3A_278 = arith.index_cast %mul3A_224 : i32 to index
      %swap3A_279 = tpu.vector_load %arg7[%swap3A_278] {strides = array<i32>} : memref<8192xi32, #tpu.memory_space<vmem>>, vector<16xi32>,
      %swap3A_280 = vector.shape_cast %swap3A_279 : vector<16xi32> to vector<16xi32>
      %swap3A_281 = vector.shape_cast %add3A_277 : vector<16xi32> to vector<16xi32>
      tpu.vector_store %arg7[%swap3A_278], %swap3A_281 {strides = array<i32>} : memref<8192xi32, #tpu.memory_space<vmem>>, vector<16xi32>,
      %scan3A_282 = arith.constant 3 : i32
      %scan3A_283 = arith.addi %scan3A_104, %scan3A_282 : i32
      %mul3A_284 = arith.constant 16 : i32
      %mul3A_285 = arith.muli %scan3A_283, %mul3A_284 : i32
      %get3A_286 = arith.index_cast %mul3A_285 : i32 to index
      %get3A_287 = tpu.vector_load %arg5[%get3A_286] {strides = array<i32>} : memref<8192xi32, #tpu.memory_space<vmem>>, vector<16xi32>,
      %get3A_288 = vector.shape_cast %get3A_287 : vector<16xi32> to vector<16xi32>
      %and3A_289 = arith.constant 255 : i32
      %and3A_290 = vector.broadcast %and3A_289 : i32 to vector<16xi32>
      %and3A_291 = arith.andi %get3A_288, %and3A_290 : vector<16xi32>
      %shift_right_arithmetic3A_292 = arith.constant 8 : i32
      %shift_right_arithmetic3A_293 = vector.broadcast %shift_right_arithmetic3A_292 : i32 to vector<16xi32>
      %shift_right_arithmetic3A_294 = arith.shrsi %get3A_288, %shift_right_arithmetic3A_293 : vector<16xi32>
      %and3A_295 = arith.constant 255 : i32
      %and3A_296 = vector.broadcast %and3A_295 : i32 to vector<16xi32>
      %and3A_297 = arith.andi %shift_right_arithmetic3A_294, %and3A_296 : vector<16xi32>
      %shift_right_arithmetic3A_298 = arith.constant 16 : i32
      %shift_right_arithmetic3A_299 = vector.broadcast %shift_right_arithmetic3A_298 : i32 to vector<16xi32>
      %shift_right_arithmetic3A_300 = arith.shrsi %get3A_288, %shift_right_arithmetic3A_299 : vector<16xi32>
      %and3A_301 = arith.constant 255 : i32
      %and3A_302 = vector.broadcast %and3A_301 : i32 to vector<16xi32>
      %and3A_303 = arith.andi %shift_right_arithmetic3A_300, %and3A_302 : vector<16xi32>
      %shift_right_arithmetic3A_304 = arith.constant 24 : i32
      %shift_right_arithmetic3A_305 = vector.broadcast %shift_right_arithmetic3A_304 : i32 to vector<16xi32>
      %shift_right_arithmetic3A_306 = arith.shrsi %get3A_288, %shift_right_arithmetic3A_305 : vector<16xi32>
      %mul3A_307 = arith.constant 4491264 : i32
      %mul3A_308 = vector.broadcast %mul3A_307 : i32 to vector<16xi32>
      %mul3A_309 = arith.muli %shift_right_arithmetic3A_306, %mul3A_308 : vector<16xi32>
      %mul3A_310 = arith.constant 34816 : i32
      %mul3A_311 = vector.broadcast %mul3A_310 : i32 to vector<16xi32>
      %mul3A_312 = arith.muli %and3A_291, %mul3A_311 : vector<16xi32>
      %add3A_313 = arith.addi %mul3A_309, %mul3A_312 : vector<16xi32>
      %shift_right_arithmetic3A_314 = arith.constant 3 : i32
      %shift_right_arithmetic3A_315 = vector.broadcast %shift_right_arithmetic3A_314 : i32 to vector<16xi32>
      %shift_right_arithmetic3A_316 = arith.shrsi %and3A_297, %shift_right_arithmetic3A_315 : vector<16xi32>
      %mul3A_317 = arith.constant 2048 : i32
      %mul3A_318 = vector.broadcast %mul3A_317 : i32 to vector<16xi32>
      %mul3A_319 = arith.muli %shift_right_arithmetic3A_316, %mul3A_318 : vector<16xi32>
      %add3A_320 = arith.addi %add3A_313, %mul3A_319 : vector<16xi32>
      %shift_right_arithmetic3A_321 = arith.constant 7 : i32
      %shift_right_arithmetic3A_322 = vector.broadcast %shift_right_arithmetic3A_321 : i32 to vector<16xi32>
      %shift_right_arithmetic3A_323 = arith.shrsi %and3A_303, %shift_right_arithmetic3A_322 : vector<16xi32>
      %mul3A_324 = arith.constant 1024 : i32
      %mul3A_325 = vector.broadcast %mul3A_324 : i32 to vector<16xi32>
      %mul3A_326 = arith.muli %shift_right_arithmetic3A_323, %mul3A_325 : vector<16xi32>
      %add3A_327 = arith.addi %add3A_320, %mul3A_326 : vector<16xi32>
      %and3A_328 = arith.constant 7 : i32
      %and3A_329 = vector.broadcast %and3A_328 : i32 to vector<16xi32>
      %and3A_330 = arith.andi %and3A_297, %and3A_329 : vector<16xi32>
      %mul3A_331 = arith.constant 128 : i32
      %mul3A_332 = vector.broadcast %mul3A_331 : i32 to vector<16xi32>
      %mul3A_333 = arith.muli %and3A_330, %mul3A_332 : vector<16xi32>
      %add3A_334 = arith.addi %add3A_327, %mul3A_333 : vector<16xi32>
      %and3A_335 = arith.constant 127 : i32
      %and3A_336 = vector.broadcast %and3A_335 : i32 to vector<16xi32>
      %and3A_337 = arith.andi %and3A_303, %and3A_336 : vector<16xi32>
      %add3A_338 = arith.addi %add3A_334, %and3A_337 : vector<16xi32>
      %swap3A_339 = arith.index_cast %mul3A_285 : i32 to index
      %swap3A_340 = tpu.vector_load %arg7[%swap3A_339] {strides = array<i32>} : memref<8192xi32, #tpu.memory_space<vmem>>, vector<16xi32>,
      %swap3A_341 = vector.shape_cast %swap3A_340 : vector<16xi32> to vector<16xi32>
      %swap3A_342 = vector.shape_cast %add3A_338 : vector<16xi32> to vector<16xi32>
      tpu.vector_store %arg7[%swap3A_339], %swap3A_342 {strides = array<i32>} : memref<8192xi32, #tpu.memory_space<vmem>>, vector<16xi32>,
      %scan3A_343 = arith.constant 4 : i32
      %scan3A_344 = arith.addi %scan3A_104, %scan3A_343 : i32
      %mul3A_345 = arith.constant 16 : i32
      %mul3A_346 = arith.muli %scan3A_344, %mul3A_345 : i32
      %get3A_347 = arith.index_cast %mul3A_346 : i32 to index
      %get3A_348 = tpu.vector_load %arg5[%get3A_347] {strides = array<i32>} : memref<8192xi32, #tpu.memory_space<vmem>>, vector<16xi32>,
      %get3A_349 = vector.shape_cast %get3A_348 : vector<16xi32> to vector<16xi32>
      %and3A_350 = arith.constant 255 : i32
      %and3A_351 = vector.broadcast %and3A_350 : i32 to vector<16xi32>
      %and3A_352 = arith.andi %get3A_349, %and3A_351 : vector<16xi32>
      %shift_right_arithmetic3A_353 = arith.constant 8 : i32
      %shift_right_arithmetic3A_354 = vector.broadcast %shift_right_arithmetic3A_353 : i32 to vector<16xi32>
      %shift_right_arithmetic3A_355 = arith.shrsi %get3A_349, %shift_right_arithmetic3A_354 : vector<16xi32>
      %and3A_356 = arith.constant 255 : i32
      %and3A_357 = vector.broadcast %and3A_356 : i32 to vector<16xi32>
      %and3A_358 = arith.andi %shift_right_arithmetic3A_355, %and3A_357 : vector<16xi32>
      %shift_right_arithmetic3A_359 = arith.constant 16 : i32
      %shift_right_arithmetic3A_360 = vector.broadcast %shift_right_arithmetic3A_359 : i32 to vector<16xi32>
      %shift_right_arithmetic3A_361 = arith.shrsi %get3A_349, %shift_right_arithmetic3A_360 : vector<16xi32>
      %and3A_362 = arith.constant 255 : i32
      %and3A_363 = vector.broadcast %and3A_362 : i32 to vector<16xi32>
      %and3A_364 = arith.andi %shift_right_arithmetic3A_361, %and3A_363 : vector<16xi32>
      %shift_right_arithmetic3A_365 = arith.constant 24 : i32
      %shift_right_arithmetic3A_366 = vector.broadcast %shift_right_arithmetic3A_365 : i32 to vector<16xi32>
      %shift_right_arithmetic3A_367 = arith.shrsi %get3A_349, %shift_right_arithmetic3A_366 : vector<16xi32>
      %mul3A_368 = arith.constant 4491264 : i32
      %mul3A_369 = vector.broadcast %mul3A_368 : i32 to vector<16xi32>
      %mul3A_370 = arith.muli %shift_right_arithmetic3A_367, %mul3A_369 : vector<16xi32>
      %mul3A_371 = arith.constant 34816 : i32
      %mul3A_372 = vector.broadcast %mul3A_371 : i32 to vector<16xi32>
      %mul3A_373 = arith.muli %and3A_352, %mul3A_372 : vector<16xi32>
      %add3A_374 = arith.addi %mul3A_370, %mul3A_373 : vector<16xi32>
      %shift_right_arithmetic3A_375 = arith.constant 3 : i32
      %shift_right_arithmetic3A_376 = vector.broadcast %shift_right_arithmetic3A_375 : i32 to vector<16xi32>
      %shift_right_arithmetic3A_377 = arith.shrsi %and3A_358, %shift_right_arithmetic3A_376 : vector<16xi32>
      %mul3A_378 = arith.constant 2048 : i32
      %mul3A_379 = vector.broadcast %mul3A_378 : i32 to vector<16xi32>
      %mul3A_380 = arith.muli %shift_right_arithmetic3A_377, %mul3A_379 : vector<16xi32>
      %add3A_381 = arith.addi %add3A_374, %mul3A_380 : vector<16xi32>
      %shift_right_arithmetic3A_382 = arith.constant 7 : i32
      %shift_right_arithmetic3A_383 = vector.broadcast %shift_right_arithmetic3A_382 : i32 to vector<16xi32>
      %shift_right_arithmetic3A_384 = arith.shrsi %and3A_364, %shift_right_arithmetic3A_383 : vector<16xi32>
      %mul3A_385 = arith.constant 1024 : i32
      %mul3A_386 = vector.broadcast %mul3A_385 : i32 to vector<16xi32>
      %mul3A_387 = arith.muli %shift_right_arithmetic3A_384, %mul3A_386 : vector<16xi32>
      %add3A_388 = arith.addi %add3A_381, %mul3A_387 : vector<16xi32>
      %and3A_389 = arith.constant 7 : i32
      %and3A_390 = vector.broadcast %and3A_389 : i32 to vector<16xi32>
      %and3A_391 = arith.andi %and3A_358, %and3A_390 : vector<16xi32>
      %mul3A_392 = arith.constant 128 : i32
      %mul3A_393 = vector.broadcast %mul3A_392 : i32 to vector<16xi32>
      %mul3A_394 = arith.muli %and3A_391, %mul3A_393 : vector<16xi32>
      %add3A_395 = arith.addi %add3A_388, %mul3A_394 : vector<16xi32>
      %and3A_396 = arith.constant 127 : i32
      %and3A_397 = vector.broadcast %and3A_396 : i32 to vector<16xi32>
      %and3A_398 = arith.andi %and3A_364, %and3A_397 : vector<16xi32>
      %add3A_399 = arith.addi %add3A_395, %and3A_398 : vector<16xi32>
      %swap3A_400 = arith.index_cast %mul3A_346 : i32 to index
      %swap3A_401 = tpu.vector_load %arg7[%swap3A_400] {strides = array<i32>} : memref<8192xi32, #tpu.memory_space<vmem>>, vector<16xi32>,
      %swap3A_402 = vector.shape_cast %swap3A_401 : vector<16xi32> to vector<16xi32>
      %swap3A_403 = vector.shape_cast %add3A_399 : vector<16xi32> to vector<16xi32>
      tpu.vector_store %arg7[%swap3A_400], %swap3A_403 {strides = array<i32>} : memref<8192xi32, #tpu.memory_space<vmem>>, vector<16xi32>,
      %scan3A_404 = arith.constant 5 : i32
      %scan3A_405 = arith.addi %scan3A_104, %scan3A_404 : i32
      %mul3A_406 = arith.constant 16 : i32
      %mul3A_407 = arith.muli %scan3A_405, %mul3A_406 : i32
      %get3A_408 = arith.index_cast %mul3A_407 : i32 to index
      %get3A_409 = tpu.vector_load %arg5[%get3A_408] {strides = array<i32>} : memref<8192xi32, #tpu.memory_space<vmem>>, vector<16xi32>,
      %get3A_410 = vector.shape_cast %get3A_409 : vector<16xi32> to vector<16xi32>
      %and3A_411 = arith.constant 255 : i32
      %and3A_412 = vector.broadcast %and3A_411 : i32 to vector<16xi32>
      %and3A_413 = arith.andi %get3A_410, %and3A_412 : vector<16xi32>
      %shift_right_arithmetic3A_414 = arith.constant 8 : i32
      %shift_right_arithmetic3A_415 = vector.broadcast %shift_right_arithmetic3A_414 : i32 to vector<16xi32>
      %shift_right_arithmetic3A_416 = arith.shrsi %get3A_410, %shift_right_arithmetic3A_415 : vector<16xi32>
      %and3A_417 = arith.constant 255 : i32
      %and3A_418 = vector.broadcast %and3A_417 : i32 to vector<16xi32>
      %and3A_419 = arith.andi %shift_right_arithmetic3A_416, %and3A_418 : vector<16xi32>
      %shift_right_arithmetic3A_420 = arith.constant 16 : i32
      %shift_right_arithmetic3A_421 = vector.broadcast %shift_right_arithmetic3A_420 : i32 to vector<16xi32>
      %shift_right_arithmetic3A_422 = arith.shrsi %get3A_410, %shift_right_arithmetic3A_421 : vector<16xi32>
      %and3A_423 = arith.constant 255 : i32
      %and3A_424 = vector.broadcast %and3A_423 : i32 to vector<16xi32>
      %and3A_425 = arith.andi %shift_right_arithmetic3A_422, %and3A_424 : vector<16xi32>
      %shift_right_arithmetic3A_426 = arith.constant 24 : i32
      %shift_right_arithmetic3A_427 = vector.broadcast %shift_right_arithmetic3A_426 : i32 to vector<16xi32>
      %shift_right_arithmetic3A_428 = arith.shrsi %get3A_410, %shift_right_arithmetic3A_427 : vector<16xi32>
      %mul3A_429 = arith.constant 4491264 : i32
      %mul3A_430 = vector.broadcast %mul3A_429 : i32 to vector<16xi32>
      %mul3A_431 = arith.muli %shift_right_arithmetic3A_428, %mul3A_430 : vector<16xi32>
      %mul3A_432 = arith.constant 34816 : i32
      %mul3A_433 = vector.broadcast %mul3A_432 : i32 to vector<16xi32>
      %mul3A_434 = arith.muli %and3A_413, %mul3A_433 : vector<16xi32>
      %add3A_435 = arith.addi %mul3A_431, %mul3A_434 : vector<16xi32>
      %shift_right_arithmetic3A_436 = arith.constant 3 : i32
      %shift_right_arithmetic3A_437 = vector.broadcast %shift_right_arithmetic3A_436 : i32 to vector<16xi32>
      %shift_right_arithmetic3A_438 = arith.shrsi %and3A_419, %shift_right_arithmetic3A_437 : vector<16xi32>
      %mul3A_439 = arith.constant 2048 : i32
      %mul3A_440 = vector.broadcast %mul3A_439 : i32 to vector<16xi32>
      %mul3A_441 = arith.muli %shift_right_arithmetic3A_438, %mul3A_440 : vector<16xi32>
      %add3A_442 = arith.addi %add3A_435, %mul3A_441 : vector<16xi32>
      %shift_right_arithmetic3A_443 = arith.constant 7 : i32
      %shift_right_arithmetic3A_444 = vector.broadcast %shift_right_arithmetic3A_443 : i32 to vector<16xi32>
      %shift_right_arithmetic3A_445 = arith.shrsi %and3A_425, %shift_right_arithmetic3A_444 : vector<16xi32>
      %mul3A_446 = arith.constant 1024 : i32
      %mul3A_447 = vector.broadcast %mul3A_446 : i32 to vector<16xi32>
      %mul3A_448 = arith.muli %shift_right_arithmetic3A_445, %mul3A_447 : vector<16xi32>
      %add3A_449 = arith.addi %add3A_442, %mul3A_448 : vector<16xi32>
      %and3A_450 = arith.constant 7 : i32
      %and3A_451 = vector.broadcast %and3A_450 : i32 to vector<16xi32>
      %and3A_452 = arith.andi %and3A_419, %and3A_451 : vector<16xi32>
      %mul3A_453 = arith.constant 128 : i32
      %mul3A_454 = vector.broadcast %mul3A_453 : i32 to vector<16xi32>
      %mul3A_455 = arith.muli %and3A_452, %mul3A_454 : vector<16xi32>
      %add3A_456 = arith.addi %add3A_449, %mul3A_455 : vector<16xi32>
      %and3A_457 = arith.constant 127 : i32
      %and3A_458 = vector.broadcast %and3A_457 : i32 to vector<16xi32>
      %and3A_459 = arith.andi %and3A_425, %and3A_458 : vector<16xi32>
      %add3A_460 = arith.addi %add3A_456, %and3A_459 : vector<16xi32>
      %swap3A_461 = arith.index_cast %mul3A_407 : i32 to index
      %swap3A_462 = tpu.vector_load %arg7[%swap3A_461] {strides = array<i32>} : memref<8192xi32, #tpu.memory_space<vmem>>, vector<16xi32>,
      %swap3A_463 = vector.shape_cast %swap3A_462 : vector<16xi32> to vector<16xi32>
      %swap3A_464 = vector.shape_cast %add3A_460 : vector<16xi32> to vector<16xi32>
      tpu.vector_store %arg7[%swap3A_461], %swap3A_464 {strides = array<i32>} : memref<8192xi32, #tpu.memory_space<vmem>>, vector<16xi32>,
      %scan3A_465 = arith.constant 6 : i32
      %scan3A_466 = arith.addi %scan3A_104, %scan3A_465 : i32
      %mul3A_467 = arith.constant 16 : i32
      %mul3A_468 = arith.muli %scan3A_466, %mul3A_467 : i32
      %get3A_469 = arith.index_cast %mul3A_468 : i32 to index
      %get3A_470 = tpu.vector_load %arg5[%get3A_469] {strides = array<i32>} : memref<8192xi32, #tpu.memory_space<vmem>>, vector<16xi32>,
      %get3A_471 = vector.shape_cast %get3A_470 : vector<16xi32> to vector<16xi32>
      %and3A_472 = arith.constant 255 : i32
      %and3A_473 = vector.broadcast %and3A_472 : i32 to vector<16xi32>
      %and3A_474 = arith.andi %get3A_471, %and3A_473 : vector<16xi32>
      %shift_right_arithmetic3A_475 = arith.constant 8 : i32
      %shift_right_arithmetic3A_476 = vector.broadcast %shift_right_arithmetic3A_475 : i32 to vector<16xi32>
      %shift_right_arithmetic3A_477 = arith.shrsi %get3A_471, %shift_right_arithmetic3A_476 : vector<16xi32>
      %and3A_478 = arith.constant 255 : i32
      %and3A_479 = vector.broadcast %and3A_478 : i32 to vector<16xi32>
      %and3A_480 = arith.andi %shift_right_arithmetic3A_477, %and3A_479 : vector<16xi32>
      %shift_right_arithmetic3A_481 = arith.constant 16 : i32
      %shift_right_arithmetic3A_482 = vector.broadcast %shift_right_arithmetic3A_481 : i32 to vector<16xi32>
      %shift_right_arithmetic3A_483 = arith.shrsi %get3A_471, %shift_right_arithmetic3A_482 : vector<16xi32>
      %and3A_484 = arith.constant 255 : i32
      %and3A_485 = vector.broadcast %and3A_484 : i32 to vector<16xi32>
      %and3A_486 = arith.andi %shift_right_arithmetic3A_483, %and3A_485 : vector<16xi32>
      %shift_right_arithmetic3A_487 = arith.constant 24 : i32
      %shift_right_arithmetic3A_488 = vector.broadcast %shift_right_arithmetic3A_487 : i32 to vector<16xi32>
      %shift_right_arithmetic3A_489 = arith.shrsi %get3A_471, %shift_right_arithmetic3A_488 : vector<16xi32>
      %mul3A_490 = arith.constant 4491264 : i32
      %mul3A_491 = vector.broadcast %mul3A_490 : i32 to vector<16xi32>
      %mul3A_492 = arith.muli %shift_right_arithmetic3A_489, %mul3A_491 : vector<16xi32>
      %mul3A_493 = arith.constant 34816 : i32
      %mul3A_494 = vector.broadcast %mul3A_493 : i32 to vector<16xi32>
      %mul3A_495 = arith.muli %and3A_474, %mul3A_494 : vector<16xi32>
      %add3A_496 = arith.addi %mul3A_492, %mul3A_495 : vector<16xi32>
      %shift_right_arithmetic3A_497 = arith.constant 3 : i32
      %shift_right_arithmetic3A_498 = vector.broadcast %shift_right_arithmetic3A_497 : i32 to vector<16xi32>
      %shift_right_arithmetic3A_499 = arith.shrsi %and3A_480, %shift_right_arithmetic3A_498 : vector<16xi32>
      %mul3A_500 = arith.constant 2048 : i32
      %mul3A_501 = vector.broadcast %mul3A_500 : i32 to vector<16xi32>
      %mul3A_502 = arith.muli %shift_right_arithmetic3A_499, %mul3A_501 : vector<16xi32>
      %add3A_503 = arith.addi %add3A_496, %mul3A_502 : vector<16xi32>
      %shift_right_arithmetic3A_504 = arith.constant 7 : i32
      %shift_right_arithmetic3A_505 = vector.broadcast %shift_right_arithmetic3A_504 : i32 to vector<16xi32>
      %shift_right_arithmetic3A_506 = arith.shrsi %and3A_486, %shift_right_arithmetic3A_505 : vector<16xi32>
      %mul3A_507 = arith.constant 1024 : i32
      %mul3A_508 = vector.broadcast %mul3A_507 : i32 to vector<16xi32>
      %mul3A_509 = arith.muli %shift_right_arithmetic3A_506, %mul3A_508 : vector<16xi32>
      %add3A_510 = arith.addi %add3A_503, %mul3A_509 : vector<16xi32>
      %and3A_511 = arith.constant 7 : i32
      %and3A_512 = vector.broadcast %and3A_511 : i32 to vector<16xi32>
      %and3A_513 = arith.andi %and3A_480, %and3A_512 : vector<16xi32>
      %mul3A_514 = arith.constant 128 : i32
      %mul3A_515 = vector.broadcast %mul3A_514 : i32 to vector<16xi32>
      %mul3A_516 = arith.muli %and3A_513, %mul3A_515 : vector<16xi32>
      %add3A_517 = arith.addi %add3A_510, %mul3A_516 : vector<16xi32>
      %and3A_518 = arith.constant 127 : i32
      %and3A_519 = vector.broadcast %and3A_518 : i32 to vector<16xi32>
      %and3A_520 = arith.andi %and3A_486, %and3A_519 : vector<16xi32>
      %add3A_521 = arith.addi %add3A_517, %and3A_520 : vector<16xi32>
      %swap3A_522 = arith.index_cast %mul3A_468 : i32 to index
      %swap3A_523 = tpu.vector_load %arg7[%swap3A_522] {strides = array<i32>} : memref<8192xi32, #tpu.memory_space<vmem>>, vector<16xi32>,
      %swap3A_524 = vector.shape_cast %swap3A_523 : vector<16xi32> to vector<16xi32>
      %swap3A_525 = vector.shape_cast %add3A_521 : vector<16xi32> to vector<16xi32>
      tpu.vector_store %arg7[%swap3A_522], %swap3A_525 {strides = array<i32>} : memref<8192xi32, #tpu.memory_space<vmem>>, vector<16xi32>,
      %scan3A_526 = arith.constant 7 : i32
      %scan3A_527 = arith.addi %scan3A_104, %scan3A_526 : i32
      %mul3A_528 = arith.constant 16 : i32
      %mul3A_529 = arith.muli %scan3A_527, %mul3A_528 : i32
      %get3A_530 = arith.index_cast %mul3A_529 : i32 to index
      %get3A_531 = tpu.vector_load %arg5[%get3A_530] {strides = array<i32>} : memref<8192xi32, #tpu.memory_space<vmem>>, vector<16xi32>,
      %get3A_532 = vector.shape_cast %get3A_531 : vector<16xi32> to vector<16xi32>
      %and3A_533 = arith.constant 255 : i32
      %and3A_534 = vector.broadcast %and3A_533 : i32 to vector<16xi32>
      %and3A_535 = arith.andi %get3A_532, %and3A_534 : vector<16xi32>
      %shift_right_arithmetic3A_536 = arith.constant 8 : i32
      %shift_right_arithmetic3A_537 = vector.broadcast %shift_right_arithmetic3A_536 : i32 to vector<16xi32>
      %shift_right_arithmetic3A_538 = arith.shrsi %get3A_532, %shift_right_arithmetic3A_537 : vector<16xi32>
      %and3A_539 = arith.constant 255 : i32
      %and3A_540 = vector.broadcast %and3A_539 : i32 to vector<16xi32>
      %and3A_541 = arith.andi %shift_right_arithmetic3A_538, %and3A_540 : vector<16xi32>
      %shift_right_arithmetic3A_542 = arith.constant 16 : i32
      %shift_right_arithmetic3A_543 = vector.broadcast %shift_right_arithmetic3A_542 : i32 to vector<16xi32>
      %shift_right_arithmetic3A_544 = arith.shrsi %get3A_532, %shift_right_arithmetic3A_543 : vector<16xi32>
      %and3A_545 = arith.constant 255 : i32
      %and3A_546 = vector.broadcast %and3A_545 : i32 to vector<16xi32>
      %and3A_547 = arith.andi %shift_right_arithmetic3A_544, %and3A_546 : vector<16xi32>
      %shift_right_arithmetic3A_548 = arith.constant 24 : i32
      %shift_right_arithmetic3A_549 = vector.broadcast %shift_right_arithmetic3A_548 : i32 to vector<16xi32>
      %shift_right_arithmetic3A_550 = arith.shrsi %get3A_532, %shift_right_arithmetic3A_549 : vector<16xi32>
      %mul3A_551 = arith.constant 4491264 : i32
      %mul3A_552 = vector.broadcast %mul3A_551 : i32 to vector<16xi32>
      %mul3A_553 = arith.muli %shift_right_arithmetic3A_550, %mul3A_552 : vector<16xi32>
      %mul3A_554 = arith.constant 34816 : i32
      %mul3A_555 = vector.broadcast %mul3A_554 : i32 to vector<16xi32>
      %mul3A_556 = arith.muli %and3A_535, %mul3A_555 : vector<16xi32>
      %add3A_557 = arith.addi %mul3A_553, %mul3A_556 : vector<16xi32>
      %shift_right_arithmetic3A_558 = arith.constant 3 : i32
      %shift_right_arithmetic3A_559 = vector.broadcast %shift_right_arithmetic3A_558 : i32 to vector<16xi32>
      %shift_right_arithmetic3A_560 = arith.shrsi %and3A_541, %shift_right_arithmetic3A_559 : vector<16xi32>
      %mul3A_561 = arith.constant 2048 : i32
      %mul3A_562 = vector.broadcast %mul3A_561 : i32 to vector<16xi32>
      %mul3A_563 = arith.muli %shift_right_arithmetic3A_560, %mul3A_562 : vector<16xi32>
      %add3A_564 = arith.addi %add3A_557, %mul3A_563 : vector<16xi32>
      %shift_right_arithmetic3A_565 = arith.constant 7 : i32
      %shift_right_arithmetic3A_566 = vector.broadcast %shift_right_arithmetic3A_565 : i32 to vector<16xi32>
      %shift_right_arithmetic3A_567 = arith.shrsi %and3A_547, %shift_right_arithmetic3A_566 : vector<16xi32>
      %mul3A_568 = arith.constant 1024 : i32
      %mul3A_569 = vector.broadcast %mul3A_568 : i32 to vector<16xi32>
      %mul3A_570 = arith.muli %shift_right_arithmetic3A_567, %mul3A_569 : vector<16xi32>
      %add3A_571 = arith.addi %add3A_564, %mul3A_570 : vector<16xi32>
      %and3A_572 = arith.constant 7 : i32
      %and3A_573 = vector.broadcast %and3A_572 : i32 to vector<16xi32>
      %and3A_574 = arith.andi %and3A_541, %and3A_573 : vector<16xi32>
      %mul3A_575 = arith.constant 128 : i32
      %mul3A_576 = vector.broadcast %mul3A_575 : i32 to vector<16xi32>
      %mul3A_577 = arith.muli %and3A_574, %mul3A_576 : vector<16xi32>
      %add3A_578 = arith.addi %add3A_571, %mul3A_577 : vector<16xi32>
      %and3A_579 = arith.constant 127 : i32
      %and3A_580 = vector.broadcast %and3A_579 : i32 to vector<16xi32>
      %and3A_581 = arith.andi %and3A_547, %and3A_580 : vector<16xi32>
      %add3A_582 = arith.addi %add3A_578, %and3A_581 : vector<16xi32>
      %swap3A_583 = arith.index_cast %mul3A_529 : i32 to index
      %swap3A_584 = tpu.vector_load %arg7[%swap3A_583] {strides = array<i32>} : memref<8192xi32, #tpu.memory_space<vmem>>, vector<16xi32>,
      %swap3A_585 = vector.shape_cast %swap3A_584 : vector<16xi32> to vector<16xi32>
      %swap3A_586 = vector.shape_cast %add3A_582 : vector<16xi32> to vector<16xi32>
      tpu.vector_store %arg7[%swap3A_583], %swap3A_586 {strides = array<i32>} : memref<8192xi32, #tpu.memory_space<vmem>>, vector<16xi32>,
    }
    %scan3A_55 = arith.constant 512 : i32
    %dma_start3A_56 = arith.constant 0 : i32
    %dma_start3A_57 = tpu.memref_slice %arg3[%dma_start3A_56] : memref<8982528xi32, #tpu.memory_space<hbm>> -> memref<8982528xi32, #tpu.memory_space<hbm>>
    tpu.enqueue_indirect_dma source(%dma_start3A_57 : memref<8982528xi32, #tpu.memory_space<hbm>>) target(%arg11 : memref<8192xi32, #tpu.memory_space<vmem>>) offsets(%arg7 : memref<8192xi32, #tpu.memory_space<vmem>>) semaphore(%arg15 : memref<!tpu.dma_semaphore, #tpu.memory_space<semaphore_mem>>)
    %dma_wait3A_58 = arith.constant 0 : i32
    %dma_wait3A_59 = tpu.memref_slice %arg3[%dma_wait3A_58] : memref<8982528xi32, #tpu.memory_space<hbm>> -> memref<8982528xi32, #tpu.memory_space<hbm>>
    tpu.wait_indirect_dma semaphore(%arg16 : memref<!tpu.dma_semaphore, #tpu.memory_space<semaphore_mem>>) src(%dma_wait3A_59 : memref<8982528xi32, #tpu.memory_space<hbm>>) dst(%arg10 : memref<8192xi32, #tpu.memory_space<vmem>>)
    %add3A_60 = arith.constant 8192 : i32
    %add3A_61 = arith.addi %mul3A_2, %add3A_60 : i32
    %dma_start3A_62 = tpu.memref_slice %arg4[%add3A_61] : memref<1048576xi32, #tpu.memory_space<hbm>> -> memref<8192xi32, #tpu.memory_space<hbm>>
    %dma_start3A_63 = tpu.memref_slice %arg4[%add3A_61] : memref<1048576xi32, #tpu.memory_space<hbm>> -> memref<8192xi32, #tpu.memory_space<hbm>>
    tpu.enqueue_dma source(%arg10 : memref<8192xi32, #tpu.memory_space<vmem>>) target(%dma_start3A_63 : memref<8192xi32, #tpu.memory_space<hbm>>) target_semaphore(%arg17 : memref<!tpu.dma_semaphore, #tpu.memory_space<semaphore_mem>>)
    %add3A_64 = arith.constant 24576 : i32
    %add3A_65 = arith.addi %mul3A_2, %add3A_64 : i32
    %dma_wait3A_66 = tpu.memref_slice %arg2[%add3A_65] : memref<1048576xi32, #tpu.memory_space<hbm>> -> memref<8192xi32, #tpu.memory_space<hbm>>
    %dma_wait3A_67 = tpu.memref_slice %arg2[%add3A_65] : memref<1048576xi32, #tpu.memory_space<hbm>> -> memref<8192xi32, #tpu.memory_space<hbm>>
    tpu.wait_dma2 semaphore(%arg14 : memref<!tpu.dma_semaphore, #tpu.memory_space<semaphore_mem>>) src(%dma_wait3A_67 : memref<8192xi32, #tpu.memory_space<hbm>>) dst(%arg6 : memref<8192xi32, #tpu.memory_space<vmem>>)
    %scan3A_68 = arith.constant 0 : i32
    %scan3A_69 = arith.constant 0 : i32
    %scan3A_70 = arith.constant 512 : i32
    %scan3A_71 = arith.addi %scan3A_69, %scan3A_70 : i32
    %scan3A_72 = arith.constant 8 : i32
    scf.for %scan3A_104 = %scan3A_69 to %scan3A_71 step %scan3A_72  : i32 {
      %mul3A_105 = arith.constant 16 : i32
      %mul3A_106 = arith.muli %scan3A_104, %mul3A_105 : i32
      %get3A = arith.index_cast %mul3A_106 : i32 to index
      %get3A_107 = tpu.vector_load %arg6[%get3A] {strides = array<i32>} : memref<8192xi32, #tpu.memory_space<vmem>>, vector<16xi32>,
      %get3A_108 = vector.shape_cast %get3A_107 : vector<16xi32> to vector<16xi32>
      %and3A = arith.constant 255 : i32
      %and3A_109 = vector.broadcast %and3A : i32 to vector<16xi32>
      %and3A_110 = arith.andi %get3A_108, %and3A_109 : vector<16xi32>
      %shift_right_arithmetic3A = arith.constant 8 : i32
      %shift_right_arithmetic3A_111 = vector.broadcast %shift_right_arithmetic3A : i32 to vector<16xi32>
      %shift_right_arithmetic3A_112 = arith.shrsi %get3A_108, %shift_right_arithmetic3A_111 : vector<16xi32>
      %and3A_113 = arith.constant 255 : i32
      %and3A_114 = vector.broadcast %and3A_113 : i32 to vector<16xi32>
      %and3A_115 = arith.andi %shift_right_arithmetic3A_112, %and3A_114 : vector<16xi32>
      %shift_right_arithmetic3A_116 = arith.constant 16 : i32
      %shift_right_arithmetic3A_117 = vector.broadcast %shift_right_arithmetic3A_116 : i32 to vector<16xi32>
      %shift_right_arithmetic3A_118 = arith.shrsi %get3A_108, %shift_right_arithmetic3A_117 : vector<16xi32>
      %and3A_119 = arith.constant 255 : i32
      %and3A_120 = vector.broadcast %and3A_119 : i32 to vector<16xi32>
      %and3A_121 = arith.andi %shift_right_arithmetic3A_118, %and3A_120 : vector<16xi32>
      %shift_right_arithmetic3A_122 = arith.constant 24 : i32
      %shift_right_arithmetic3A_123 = vector.broadcast %shift_right_arithmetic3A_122 : i32 to vector<16xi32>
      %shift_right_arithmetic3A_124 = arith.shrsi %get3A_108, %shift_right_arithmetic3A_123 : vector<16xi32>
      %mul3A_125 = arith.constant 4491264 : i32
      %mul3A_126 = vector.broadcast %mul3A_125 : i32 to vector<16xi32>
      %mul3A_127 = arith.muli %shift_right_arithmetic3A_124, %mul3A_126 : vector<16xi32>
      %mul3A_128 = arith.constant 34816 : i32
      %mul3A_129 = vector.broadcast %mul3A_128 : i32 to vector<16xi32>
      %mul3A_130 = arith.muli %and3A_110, %mul3A_129 : vector<16xi32>
      %add3A_131 = arith.addi %mul3A_127, %mul3A_130 : vector<16xi32>
      %shift_right_arithmetic3A_132 = arith.constant 3 : i32
      %shift_right_arithmetic3A_133 = vector.broadcast %shift_right_arithmetic3A_132 : i32 to vector<16xi32>
      %shift_right_arithmetic3A_134 = arith.shrsi %and3A_115, %shift_right_arithmetic3A_133 : vector<16xi32>
      %mul3A_135 = arith.constant 2048 : i32
      %mul3A_136 = vector.broadcast %mul3A_135 : i32 to vector<16xi32>
      %mul3A_137 = arith.muli %shift_right_arithmetic3A_134, %mul3A_136 : vector<16xi32>
      %add3A_138 = arith.addi %add3A_131, %mul3A_137 : vector<16xi32>
      %shift_right_arithmetic3A_139 = arith.constant 7 : i32
      %shift_right_arithmetic3A_140 = vector.broadcast %shift_right_arithmetic3A_139 : i32 to vector<16xi32>
      %shift_right_arithmetic3A_141 = arith.shrsi %and3A_121, %shift_right_arithmetic3A_140 : vector<16xi32>
      %mul3A_142 = arith.constant 1024 : i32
      %mul3A_143 = vector.broadcast %mul3A_142 : i32 to vector<16xi32>
      %mul3A_144 = arith.muli %shift_right_arithmetic3A_141, %mul3A_143 : vector<16xi32>
      %add3A_145 = arith.addi %add3A_138, %mul3A_144 : vector<16xi32>
      %and3A_146 = arith.constant 7 : i32
      %and3A_147 = vector.broadcast %and3A_146 : i32 to vector<16xi32>
      %and3A_148 = arith.andi %and3A_115, %and3A_147 : vector<16xi32>
      %mul3A_149 = arith.constant 128 : i32
      %mul3A_150 = vector.broadcast %mul3A_149 : i32 to vector<16xi32>
      %mul3A_151 = arith.muli %and3A_148, %mul3A_150 : vector<16xi32>
      %add3A_152 = arith.addi %add3A_145, %mul3A_151 : vector<16xi32>
      %and3A_153 = arith.constant 127 : i32
      %and3A_154 = vector.broadcast %and3A_153 : i32 to vector<16xi32>
      %and3A_155 = arith.andi %and3A_121, %and3A_154 : vector<16xi32>
      %add3A_156 = arith.addi %add3A_152, %and3A_155 : vector<16xi32>
      %swap3A = arith.index_cast %mul3A_106 : i32 to index
      %swap3A_157 = tpu.vector_load %arg8[%swap3A] {strides = array<i32>} : memref<8192xi32, #tpu.memory_space<vmem>>, vector<16xi32>,
      %swap3A_158 = vector.shape_cast %swap3A_157 : vector<16xi32> to vector<16xi32>
      %swap3A_159 = vector.shape_cast %add3A_156 : vector<16xi32> to vector<16xi32>
      tpu.vector_store %arg8[%swap3A], %swap3A_159 {strides = array<i32>} : memref<8192xi32, #tpu.memory_space<vmem>>, vector<16xi32>,
      %scan3A_160 = arith.constant 1 : i32
      %scan3A_161 = arith.addi %scan3A_104, %scan3A_160 : i32
      %mul3A_162 = arith.constant 16 : i32
      %mul3A_163 = arith.muli %scan3A_161, %mul3A_162 : i32
      %get3A_164 = arith.index_cast %mul3A_163 : i32 to index
      %get3A_165 = tpu.vector_load %arg6[%get3A_164] {strides = array<i32>} : memref<8192xi32, #tpu.memory_space<vmem>>, vector<16xi32>,
      %get3A_166 = vector.shape_cast %get3A_165 : vector<16xi32> to vector<16xi32>
      %and3A_167 = arith.constant 255 : i32
      %and3A_168 = vector.broadcast %and3A_167 : i32 to vector<16xi32>
      %and3A_169 = arith.andi %get3A_166, %and3A_168 : vector<16xi32>
      %shift_right_arithmetic3A_170 = arith.constant 8 : i32
      %shift_right_arithmetic3A_171 = vector.broadcast %shift_right_arithmetic3A_170 : i32 to vector<16xi32>
      %shift_right_arithmetic3A_172 = arith.shrsi %get3A_166, %shift_right_arithmetic3A_171 : vector<16xi32>
      %and3A_173 = arith.constant 255 : i32
      %and3A_174 = vector.broadcast %and3A_173 : i32 to vector<16xi32>
      %and3A_175 = arith.andi %shift_right_arithmetic3A_172, %and3A_174 : vector<16xi32>
      %shift_right_arithmetic3A_176 = arith.constant 16 : i32
      %shift_right_arithmetic3A_177 = vector.broadcast %shift_right_arithmetic3A_176 : i32 to vector<16xi32>
      %shift_right_arithmetic3A_178 = arith.shrsi %get3A_166, %shift_right_arithmetic3A_177 : vector<16xi32>
      %and3A_179 = arith.constant 255 : i32
      %and3A_180 = vector.broadcast %and3A_179 : i32 to vector<16xi32>
      %and3A_181 = arith.andi %shift_right_arithmetic3A_178, %and3A_180 : vector<16xi32>
      %shift_right_arithmetic3A_182 = arith.constant 24 : i32
      %shift_right_arithmetic3A_183 = vector.broadcast %shift_right_arithmetic3A_182 : i32 to vector<16xi32>
      %shift_right_arithmetic3A_184 = arith.shrsi %get3A_166, %shift_right_arithmetic3A_183 : vector<16xi32>
      %mul3A_185 = arith.constant 4491264 : i32
      %mul3A_186 = vector.broadcast %mul3A_185 : i32 to vector<16xi32>
      %mul3A_187 = arith.muli %shift_right_arithmetic3A_184, %mul3A_186 : vector<16xi32>
      %mul3A_188 = arith.constant 34816 : i32
      %mul3A_189 = vector.broadcast %mul3A_188 : i32 to vector<16xi32>
      %mul3A_190 = arith.muli %and3A_169, %mul3A_189 : vector<16xi32>
      %add3A_191 = arith.addi %mul3A_187, %mul3A_190 : vector<16xi32>
      %shift_right_arithmetic3A_192 = arith.constant 3 : i32
      %shift_right_arithmetic3A_193 = vector.broadcast %shift_right_arithmetic3A_192 : i32 to vector<16xi32>
      %shift_right_arithmetic3A_194 = arith.shrsi %and3A_175, %shift_right_arithmetic3A_193 : vector<16xi32>
      %mul3A_195 = arith.constant 2048 : i32
      %mul3A_196 = vector.broadcast %mul3A_195 : i32 to vector<16xi32>
      %mul3A_197 = arith.muli %shift_right_arithmetic3A_194, %mul3A_196 : vector<16xi32>
      %add3A_198 = arith.addi %add3A_191, %mul3A_197 : vector<16xi32>
      %shift_right_arithmetic3A_199 = arith.constant 7 : i32
      %shift_right_arithmetic3A_200 = vector.broadcast %shift_right_arithmetic3A_199 : i32 to vector<16xi32>
      %shift_right_arithmetic3A_201 = arith.shrsi %and3A_181, %shift_right_arithmetic3A_200 : vector<16xi32>
      %mul3A_202 = arith.constant 1024 : i32
      %mul3A_203 = vector.broadcast %mul3A_202 : i32 to vector<16xi32>
      %mul3A_204 = arith.muli %shift_right_arithmetic3A_201, %mul3A_203 : vector<16xi32>
      %add3A_205 = arith.addi %add3A_198, %mul3A_204 : vector<16xi32>
      %and3A_206 = arith.constant 7 : i32
      %and3A_207 = vector.broadcast %and3A_206 : i32 to vector<16xi32>
      %and3A_208 = arith.andi %and3A_175, %and3A_207 : vector<16xi32>
      %mul3A_209 = arith.constant 128 : i32
      %mul3A_210 = vector.broadcast %mul3A_209 : i32 to vector<16xi32>
      %mul3A_211 = arith.muli %and3A_208, %mul3A_210 : vector<16xi32>
      %add3A_212 = arith.addi %add3A_205, %mul3A_211 : vector<16xi32>
      %and3A_213 = arith.constant 127 : i32
      %and3A_214 = vector.broadcast %and3A_213 : i32 to vector<16xi32>
      %and3A_215 = arith.andi %and3A_181, %and3A_214 : vector<16xi32>
      %add3A_216 = arith.addi %add3A_212, %and3A_215 : vector<16xi32>
      %swap3A_217 = arith.index_cast %mul3A_163 : i32 to index
      %swap3A_218 = tpu.vector_load %arg8[%swap3A_217] {strides = array<i32>} : memref<8192xi32, #tpu.memory_space<vmem>>, vector<16xi32>,
      %swap3A_219 = vector.shape_cast %swap3A_218 : vector<16xi32> to vector<16xi32>
      %swap3A_220 = vector.shape_cast %add3A_216 : vector<16xi32> to vector<16xi32>
      tpu.vector_store %arg8[%swap3A_217], %swap3A_220 {strides = array<i32>} : memref<8192xi32, #tpu.memory_space<vmem>>, vector<16xi32>,
      %scan3A_221 = arith.constant 2 : i32
      %scan3A_222 = arith.addi %scan3A_104, %scan3A_221 : i32
      %mul3A_223 = arith.constant 16 : i32
      %mul3A_224 = arith.muli %scan3A_222, %mul3A_223 : i32
      %get3A_225 = arith.index_cast %mul3A_224 : i32 to index
      %get3A_226 = tpu.vector_load %arg6[%get3A_225] {strides = array<i32>} : memref<8192xi32, #tpu.memory_space<vmem>>, vector<16xi32>,
      %get3A_227 = vector.shape_cast %get3A_226 : vector<16xi32> to vector<16xi32>
      %and3A_228 = arith.constant 255 : i32
      %and3A_229 = vector.broadcast %and3A_228 : i32 to vector<16xi32>
      %and3A_230 = arith.andi %get3A_227, %and3A_229 : vector<16xi32>
      %shift_right_arithmetic3A_231 = arith.constant 8 : i32
      %shift_right_arithmetic3A_232 = vector.broadcast %shift_right_arithmetic3A_231 : i32 to vector<16xi32>
      %shift_right_arithmetic3A_233 = arith.shrsi %get3A_227, %shift_right_arithmetic3A_232 : vector<16xi32>
      %and3A_234 = arith.constant 255 : i32
      %and3A_235 = vector.broadcast %and3A_234 : i32 to vector<16xi32>
      %and3A_236 = arith.andi %shift_right_arithmetic3A_233, %and3A_235 : vector<16xi32>
      %shift_right_arithmetic3A_237 = arith.constant 16 : i32
      %shift_right_arithmetic3A_238 = vector.broadcast %shift_right_arithmetic3A_237 : i32 to vector<16xi32>
      %shift_right_arithmetic3A_239 = arith.shrsi %get3A_227, %shift_right_arithmetic3A_238 : vector<16xi32>
      %and3A_240 = arith.constant 255 : i32
      %and3A_241 = vector.broadcast %and3A_240 : i32 to vector<16xi32>
      %and3A_242 = arith.andi %shift_right_arithmetic3A_239, %and3A_241 : vector<16xi32>
      %shift_right_arithmetic3A_243 = arith.constant 24 : i32
      %shift_right_arithmetic3A_244 = vector.broadcast %shift_right_arithmetic3A_243 : i32 to vector<16xi32>
      %shift_right_arithmetic3A_245 = arith.shrsi %get3A_227, %shift_right_arithmetic3A_244 : vector<16xi32>
      %mul3A_246 = arith.constant 4491264 : i32
      %mul3A_247 = vector.broadcast %mul3A_246 : i32 to vector<16xi32>
      %mul3A_248 = arith.muli %shift_right_arithmetic3A_245, %mul3A_247 : vector<16xi32>
      %mul3A_249 = arith.constant 34816 : i32
      %mul3A_250 = vector.broadcast %mul3A_249 : i32 to vector<16xi32>
      %mul3A_251 = arith.muli %and3A_230, %mul3A_250 : vector<16xi32>
      %add3A_252 = arith.addi %mul3A_248, %mul3A_251 : vector<16xi32>
      %shift_right_arithmetic3A_253 = arith.constant 3 : i32
      %shift_right_arithmetic3A_254 = vector.broadcast %shift_right_arithmetic3A_253 : i32 to vector<16xi32>
      %shift_right_arithmetic3A_255 = arith.shrsi %and3A_236, %shift_right_arithmetic3A_254 : vector<16xi32>
      %mul3A_256 = arith.constant 2048 : i32
      %mul3A_257 = vector.broadcast %mul3A_256 : i32 to vector<16xi32>
      %mul3A_258 = arith.muli %shift_right_arithmetic3A_255, %mul3A_257 : vector<16xi32>
      %add3A_259 = arith.addi %add3A_252, %mul3A_258 : vector<16xi32>
      %shift_right_arithmetic3A_260 = arith.constant 7 : i32
      %shift_right_arithmetic3A_261 = vector.broadcast %shift_right_arithmetic3A_260 : i32 to vector<16xi32>
      %shift_right_arithmetic3A_262 = arith.shrsi %and3A_242, %shift_right_arithmetic3A_261 : vector<16xi32>
      %mul3A_263 = arith.constant 1024 : i32
      %mul3A_264 = vector.broadcast %mul3A_263 : i32 to vector<16xi32>
      %mul3A_265 = arith.muli %shift_right_arithmetic3A_262, %mul3A_264 : vector<16xi32>
      %add3A_266 = arith.addi %add3A_259, %mul3A_265 : vector<16xi32>
      %and3A_267 = arith.constant 7 : i32
      %and3A_268 = vector.broadcast %and3A_267 : i32 to vector<16xi32>
      %and3A_269 = arith.andi %and3A_236, %and3A_268 : vector<16xi32>
      %mul3A_270 = arith.constant 128 : i32
      %mul3A_271 = vector.broadcast %mul3A_270 : i32 to vector<16xi32>
      %mul3A_272 = arith.muli %and3A_269, %mul3A_271 : vector<16xi32>
      %add3A_273 = arith.addi %add3A_266, %mul3A_272 : vector<16xi32>
      %and3A_274 = arith.constant 127 : i32
      %and3A_275 = vector.broadcast %and3A_274 : i32 to vector<16xi32>
      %and3A_276 = arith.andi %and3A_242, %and3A_275 : vector<16xi32>
      %add3A_277 = arith.addi %add3A_273, %and3A_276 : vector<16xi32>
      %swap3A_278 = arith.index_cast %mul3A_224 : i32 to index
      %swap3A_279 = tpu.vector_load %arg8[%swap3A_278] {strides = array<i32>} : memref<8192xi32, #tpu.memory_space<vmem>>, vector<16xi32>,
      %swap3A_280 = vector.shape_cast %swap3A_279 : vector<16xi32> to vector<16xi32>
      %swap3A_281 = vector.shape_cast %add3A_277 : vector<16xi32> to vector<16xi32>
      tpu.vector_store %arg8[%swap3A_278], %swap3A_281 {strides = array<i32>} : memref<8192xi32, #tpu.memory_space<vmem>>, vector<16xi32>,
      %scan3A_282 = arith.constant 3 : i32
      %scan3A_283 = arith.addi %scan3A_104, %scan3A_282 : i32
      %mul3A_284 = arith.constant 16 : i32
      %mul3A_285 = arith.muli %scan3A_283, %mul3A_284 : i32
      %get3A_286 = arith.index_cast %mul3A_285 : i32 to index
      %get3A_287 = tpu.vector_load %arg6[%get3A_286] {strides = array<i32>} : memref<8192xi32, #tpu.memory_space<vmem>>, vector<16xi32>,
      %get3A_288 = vector.shape_cast %get3A_287 : vector<16xi32> to vector<16xi32>
      %and3A_289 = arith.constant 255 : i32
      %and3A_290 = vector.broadcast %and3A_289 : i32 to vector<16xi32>
      %and3A_291 = arith.andi %get3A_288, %and3A_290 : vector<16xi32>
      %shift_right_arithmetic3A_292 = arith.constant 8 : i32
      %shift_right_arithmetic3A_293 = vector.broadcast %shift_right_arithmetic3A_292 : i32 to vector<16xi32>
      %shift_right_arithmetic3A_294 = arith.shrsi %get3A_288, %shift_right_arithmetic3A_293 : vector<16xi32>
      %and3A_295 = arith.constant 255 : i32
      %and3A_296 = vector.broadcast %and3A_295 : i32 to vector<16xi32>
      %and3A_297 = arith.andi %shift_right_arithmetic3A_294, %and3A_296 : vector<16xi32>
      %shift_right_arithmetic3A_298 = arith.constant 16 : i32
      %shift_right_arithmetic3A_299 = vector.broadcast %shift_right_arithmetic3A_298 : i32 to vector<16xi32>
      %shift_right_arithmetic3A_300 = arith.shrsi %get3A_288, %shift_right_arithmetic3A_299 : vector<16xi32>
      %and3A_301 = arith.constant 255 : i32
      %and3A_302 = vector.broadcast %and3A_301 : i32 to vector<16xi32>
      %and3A_303 = arith.andi %shift_right_arithmetic3A_300, %and3A_302 : vector<16xi32>
      %shift_right_arithmetic3A_304 = arith.constant 24 : i32
      %shift_right_arithmetic3A_305 = vector.broadcast %shift_right_arithmetic3A_304 : i32 to vector<16xi32>
      %shift_right_arithmetic3A_306 = arith.shrsi %get3A_288, %shift_right_arithmetic3A_305 : vector<16xi32>
      %mul3A_307 = arith.constant 4491264 : i32
      %mul3A_308 = vector.broadcast %mul3A_307 : i32 to vector<16xi32>
      %mul3A_309 = arith.muli %shift_right_arithmetic3A_306, %mul3A_308 : vector<16xi32>
      %mul3A_310 = arith.constant 34816 : i32
      %mul3A_311 = vector.broadcast %mul3A_310 : i32 to vector<16xi32>
      %mul3A_312 = arith.muli %and3A_291, %mul3A_311 : vector<16xi32>
      %add3A_313 = arith.addi %mul3A_309, %mul3A_312 : vector<16xi32>
      %shift_right_arithmetic3A_314 = arith.constant 3 : i32
      %shift_right_arithmetic3A_315 = vector.broadcast %shift_right_arithmetic3A_314 : i32 to vector<16xi32>
      %shift_right_arithmetic3A_316 = arith.shrsi %and3A_297, %shift_right_arithmetic3A_315 : vector<16xi32>
      %mul3A_317 = arith.constant 2048 : i32
      %mul3A_318 = vector.broadcast %mul3A_317 : i32 to vector<16xi32>
      %mul3A_319 = arith.muli %shift_right_arithmetic3A_316, %mul3A_318 : vector<16xi32>
      %add3A_320 = arith.addi %add3A_313, %mul3A_319 : vector<16xi32>
      %shift_right_arithmetic3A_321 = arith.constant 7 : i32
      %shift_right_arithmetic3A_322 = vector.broadcast %shift_right_arithmetic3A_321 : i32 to vector<16xi32>
      %shift_right_arithmetic3A_323 = arith.shrsi %and3A_303, %shift_right_arithmetic3A_322 : vector<16xi32>
      %mul3A_324 = arith.constant 1024 : i32
      %mul3A_325 = vector.broadcast %mul3A_324 : i32 to vector<16xi32>
      %mul3A_326 = arith.muli %shift_right_arithmetic3A_323, %mul3A_325 : vector<16xi32>
      %add3A_327 = arith.addi %add3A_320, %mul3A_326 : vector<16xi32>
      %and3A_328 = arith.constant 7 : i32
      %and3A_329 = vector.broadcast %and3A_328 : i32 to vector<16xi32>
      %and3A_330 = arith.andi %and3A_297, %and3A_329 : vector<16xi32>
      %mul3A_331 = arith.constant 128 : i32
      %mul3A_332 = vector.broadcast %mul3A_331 : i32 to vector<16xi32>
      %mul3A_333 = arith.muli %and3A_330, %mul3A_332 : vector<16xi32>
      %add3A_334 = arith.addi %add3A_327, %mul3A_333 : vector<16xi32>
      %and3A_335 = arith.constant 127 : i32
      %and3A_336 = vector.broadcast %and3A_335 : i32 to vector<16xi32>
      %and3A_337 = arith.andi %and3A_303, %and3A_336 : vector<16xi32>
      %add3A_338 = arith.addi %add3A_334, %and3A_337 : vector<16xi32>
      %swap3A_339 = arith.index_cast %mul3A_285 : i32 to index
      %swap3A_340 = tpu.vector_load %arg8[%swap3A_339] {strides = array<i32>} : memref<8192xi32, #tpu.memory_space<vmem>>, vector<16xi32>,
      %swap3A_341 = vector.shape_cast %swap3A_340 : vector<16xi32> to vector<16xi32>
      %swap3A_342 = vector.shape_cast %add3A_338 : vector<16xi32> to vector<16xi32>
      tpu.vector_store %arg8[%swap3A_339], %swap3A_342 {strides = array<i32>} : memref<8192xi32, #tpu.memory_space<vmem>>, vector<16xi32>,
      %scan3A_343 = arith.constant 4 : i32
      %scan3A_344 = arith.addi %scan3A_104, %scan3A_343 : i32
      %mul3A_345 = arith.constant 16 : i32
      %mul3A_346 = arith.muli %scan3A_344, %mul3A_345 : i32
      %get3A_347 = arith.index_cast %mul3A_346 : i32 to index
      %get3A_348 = tpu.vector_load %arg6[%get3A_347] {strides = array<i32>} : memref<8192xi32, #tpu.memory_space<vmem>>, vector<16xi32>,
      %get3A_349 = vector.shape_cast %get3A_348 : vector<16xi32> to vector<16xi32>
      %and3A_350 = arith.constant 255 : i32
      %and3A_351 = vector.broadcast %and3A_350 : i32 to vector<16xi32>
      %and3A_352 = arith.andi %get3A_349, %and3A_351 : vector<16xi32>
      %shift_right_arithmetic3A_353 = arith.constant 8 : i32
      %shift_right_arithmetic3A_354 = vector.broadcast %shift_right_arithmetic3A_353 : i32 to vector<16xi32>
      %shift_right_arithmetic3A_355 = arith.shrsi %get3A_349, %shift_right_arithmetic3A_354 : vector<16xi32>
      %and3A_356 = arith.constant 255 : i32
      %and3A_357 = vector.broadcast %and3A_356 : i32 to vector<16xi32>
      %and3A_358 = arith.andi %shift_right_arithmetic3A_355, %and3A_357 : vector<16xi32>
      %shift_right_arithmetic3A_359 = arith.constant 16 : i32
      %shift_right_arithmetic3A_360 = vector.broadcast %shift_right_arithmetic3A_359 : i32 to vector<16xi32>
      %shift_right_arithmetic3A_361 = arith.shrsi %get3A_349, %shift_right_arithmetic3A_360 : vector<16xi32>
      %and3A_362 = arith.constant 255 : i32
      %and3A_363 = vector.broadcast %and3A_362 : i32 to vector<16xi32>
      %and3A_364 = arith.andi %shift_right_arithmetic3A_361, %and3A_363 : vector<16xi32>
      %shift_right_arithmetic3A_365 = arith.constant 24 : i32
      %shift_right_arithmetic3A_366 = vector.broadcast %shift_right_arithmetic3A_365 : i32 to vector<16xi32>
      %shift_right_arithmetic3A_367 = arith.shrsi %get3A_349, %shift_right_arithmetic3A_366 : vector<16xi32>
      %mul3A_368 = arith.constant 4491264 : i32
      %mul3A_369 = vector.broadcast %mul3A_368 : i32 to vector<16xi32>
      %mul3A_370 = arith.muli %shift_right_arithmetic3A_367, %mul3A_369 : vector<16xi32>
      %mul3A_371 = arith.constant 34816 : i32
      %mul3A_372 = vector.broadcast %mul3A_371 : i32 to vector<16xi32>
      %mul3A_373 = arith.muli %and3A_352, %mul3A_372 : vector<16xi32>
      %add3A_374 = arith.addi %mul3A_370, %mul3A_373 : vector<16xi32>
      %shift_right_arithmetic3A_375 = arith.constant 3 : i32
      %shift_right_arithmetic3A_376 = vector.broadcast %shift_right_arithmetic3A_375 : i32 to vector<16xi32>
      %shift_right_arithmetic3A_377 = arith.shrsi %and3A_358, %shift_right_arithmetic3A_376 : vector<16xi32>
      %mul3A_378 = arith.constant 2048 : i32
      %mul3A_379 = vector.broadcast %mul3A_378 : i32 to vector<16xi32>
      %mul3A_380 = arith.muli %shift_right_arithmetic3A_377, %mul3A_379 : vector<16xi32>
      %add3A_381 = arith.addi %add3A_374, %mul3A_380 : vector<16xi32>
      %shift_right_arithmetic3A_382 = arith.constant 7 : i32
      %shift_right_arithmetic3A_383 = vector.broadcast %shift_right_arithmetic3A_382 : i32 to vector<16xi32>
      %shift_right_arithmetic3A_384 = arith.shrsi %and3A_364, %shift_right_arithmetic3A_383 : vector<16xi32>
      %mul3A_385 = arith.constant 1024 : i32
      %mul3A_386 = vector.broadcast %mul3A_385 : i32 to vector<16xi32>
      %mul3A_387 = arith.muli %shift_right_arithmetic3A_384, %mul3A_386 : vector<16xi32>
      %add3A_388 = arith.addi %add3A_381, %mul3A_387 : vector<16xi32>
      %and3A_389 = arith.constant 7 : i32
      %and3A_390 = vector.broadcast %and3A_389 : i32 to vector<16xi32>
      %and3A_391 = arith.andi %and3A_358, %and3A_390 : vector<16xi32>
      %mul3A_392 = arith.constant 128 : i32
      %mul3A_393 = vector.broadcast %mul3A_392 : i32 to vector<16xi32>
      %mul3A_394 = arith.muli %and3A_391, %mul3A_393 : vector<16xi32>
      %add3A_395 = arith.addi %add3A_388, %mul3A_394 : vector<16xi32>
      %and3A_396 = arith.constant 127 : i32
      %and3A_397 = vector.broadcast %and3A_396 : i32 to vector<16xi32>
      %and3A_398 = arith.andi %and3A_364, %and3A_397 : vector<16xi32>
      %add3A_399 = arith.addi %add3A_395, %and3A_398 : vector<16xi32>
      %swap3A_400 = arith.index_cast %mul3A_346 : i32 to index
      %swap3A_401 = tpu.vector_load %arg8[%swap3A_400] {strides = array<i32>} : memref<8192xi32, #tpu.memory_space<vmem>>, vector<16xi32>,
      %swap3A_402 = vector.shape_cast %swap3A_401 : vector<16xi32> to vector<16xi32>
      %swap3A_403 = vector.shape_cast %add3A_399 : vector<16xi32> to vector<16xi32>
      tpu.vector_store %arg8[%swap3A_400], %swap3A_403 {strides = array<i32>} : memref<8192xi32, #tpu.memory_space<vmem>>, vector<16xi32>,
      %scan3A_404 = arith.constant 5 : i32
      %scan3A_405 = arith.addi %scan3A_104, %scan3A_404 : i32
      %mul3A_406 = arith.constant 16 : i32
      %mul3A_407 = arith.muli %scan3A_405, %mul3A_406 : i32
      %get3A_408 = arith.index_cast %mul3A_407 : i32 to index
      %get3A_409 = tpu.vector_load %arg6[%get3A_408] {strides = array<i32>} : memref<8192xi32, #tpu.memory_space<vmem>>, vector<16xi32>,
      %get3A_410 = vector.shape_cast %get3A_409 : vector<16xi32> to vector<16xi32>
      %and3A_411 = arith.constant 255 : i32
      %and3A_412 = vector.broadcast %and3A_411 : i32 to vector<16xi32>
      %and3A_413 = arith.andi %get3A_410, %and3A_412 : vector<16xi32>
      %shift_right_arithmetic3A_414 = arith.constant 8 : i32
      %shift_right_arithmetic3A_415 = vector.broadcast %shift_right_arithmetic3A_414 : i32 to vector<16xi32>
      %shift_right_arithmetic3A_416 = arith.shrsi %get3A_410, %shift_right_arithmetic3A_415 : vector<16xi32>
      %and3A_417 = arith.constant 255 : i32
      %and3A_418 = vector.broadcast %and3A_417 : i32 to vector<16xi32>
      %and3A_419 = arith.andi %shift_right_arithmetic3A_416, %and3A_418 : vector<16xi32>
      %shift_right_arithmetic3A_420 = arith.constant 16 : i32
      %shift_right_arithmetic3A_421 = vector.broadcast %shift_right_arithmetic3A_420 : i32 to vector<16xi32>
      %shift_right_arithmetic3A_422 = arith.shrsi %get3A_410, %shift_right_arithmetic3A_421 : vector<16xi32>
      %and3A_423 = arith.constant 255 : i32
      %and3A_424 = vector.broadcast %and3A_423 : i32 to vector<16xi32>
      %and3A_425 = arith.andi %shift_right_arithmetic3A_422, %and3A_424 : vector<16xi32>
      %shift_right_arithmetic3A_426 = arith.constant 24 : i32
      %shift_right_arithmetic3A_427 = vector.broadcast %shift_right_arithmetic3A_426 : i32 to vector<16xi32>
      %shift_right_arithmetic3A_428 = arith.shrsi %get3A_410, %shift_right_arithmetic3A_427 : vector<16xi32>
      %mul3A_429 = arith.constant 4491264 : i32
      %mul3A_430 = vector.broadcast %mul3A_429 : i32 to vector<16xi32>
      %mul3A_431 = arith.muli %shift_right_arithmetic3A_428, %mul3A_430 : vector<16xi32>
      %mul3A_432 = arith.constant 34816 : i32
      %mul3A_433 = vector.broadcast %mul3A_432 : i32 to vector<16xi32>
      %mul3A_434 = arith.muli %and3A_413, %mul3A_433 : vector<16xi32>
      %add3A_435 = arith.addi %mul3A_431, %mul3A_434 : vector<16xi32>
      %shift_right_arithmetic3A_436 = arith.constant 3 : i32
      %shift_right_arithmetic3A_437 = vector.broadcast %shift_right_arithmetic3A_436 : i32 to vector<16xi32>
      %shift_right_arithmetic3A_438 = arith.shrsi %and3A_419, %shift_right_arithmetic3A_437 : vector<16xi32>
      %mul3A_439 = arith.constant 2048 : i32
      %mul3A_440 = vector.broadcast %mul3A_439 : i32 to vector<16xi32>
      %mul3A_441 = arith.muli %shift_right_arithmetic3A_438, %mul3A_440 : vector<16xi32>
      %add3A_442 = arith.addi %add3A_435, %mul3A_441 : vector<16xi32>
      %shift_right_arithmetic3A_443 = arith.constant 7 : i32
      %shift_right_arithmetic3A_444 = vector.broadcast %shift_right_arithmetic3A_443 : i32 to vector<16xi32>
      %shift_right_arithmetic3A_445 = arith.shrsi %and3A_425, %shift_right_arithmetic3A_444 : vector<16xi32>
      %mul3A_446 = arith.constant 1024 : i32
      %mul3A_447 = vector.broadcast %mul3A_446 : i32 to vector<16xi32>
      %mul3A_448 = arith.muli %shift_right_arithmetic3A_445, %mul3A_447 : vector<16xi32>
      %add3A_449 = arith.addi %add3A_442, %mul3A_448 : vector<16xi32>
      %and3A_450 = arith.constant 7 : i32
      %and3A_451 = vector.broadcast %and3A_450 : i32 to vector<16xi32>
      %and3A_452 = arith.andi %and3A_419, %and3A_451 : vector<16xi32>
      %mul3A_453 = arith.constant 128 : i32
      %mul3A_454 = vector.broadcast %mul3A_453 : i32 to vector<16xi32>
      %mul3A_455 = arith.muli %and3A_452, %mul3A_454 : vector<16xi32>
      %add3A_456 = arith.addi %add3A_449, %mul3A_455 : vector<16xi32>
      %and3A_457 = arith.constant 127 : i32
      %and3A_458 = vector.broadcast %and3A_457 : i32 to vector<16xi32>
      %and3A_459 = arith.andi %and3A_425, %and3A_458 : vector<16xi32>
      %add3A_460 = arith.addi %add3A_456, %and3A_459 : vector<16xi32>
      %swap3A_461 = arith.index_cast %mul3A_407 : i32 to index
      %swap3A_462 = tpu.vector_load %arg8[%swap3A_461] {strides = array<i32>} : memref<8192xi32, #tpu.memory_space<vmem>>, vector<16xi32>,
      %swap3A_463 = vector.shape_cast %swap3A_462 : vector<16xi32> to vector<16xi32>
      %swap3A_464 = vector.shape_cast %add3A_460 : vector<16xi32> to vector<16xi32>
      tpu.vector_store %arg8[%swap3A_461], %swap3A_464 {strides = array<i32>} : memref<8192xi32, #tpu.memory_space<vmem>>, vector<16xi32>,
      %scan3A_465 = arith.constant 6 : i32
      %scan3A_466 = arith.addi %scan3A_104, %scan3A_465 : i32
      %mul3A_467 = arith.constant 16 : i32
      %mul3A_468 = arith.muli %scan3A_466, %mul3A_467 : i32
      %get3A_469 = arith.index_cast %mul3A_468 : i32 to index
      %get3A_470 = tpu.vector_load %arg6[%get3A_469] {strides = array<i32>} : memref<8192xi32, #tpu.memory_space<vmem>>, vector<16xi32>,
      %get3A_471 = vector.shape_cast %get3A_470 : vector<16xi32> to vector<16xi32>
      %and3A_472 = arith.constant 255 : i32
      %and3A_473 = vector.broadcast %and3A_472 : i32 to vector<16xi32>
      %and3A_474 = arith.andi %get3A_471, %and3A_473 : vector<16xi32>
      %shift_right_arithmetic3A_475 = arith.constant 8 : i32
      %shift_right_arithmetic3A_476 = vector.broadcast %shift_right_arithmetic3A_475 : i32 to vector<16xi32>
      %shift_right_arithmetic3A_477 = arith.shrsi %get3A_471, %shift_right_arithmetic3A_476 : vector<16xi32>
      %and3A_478 = arith.constant 255 : i32
      %and3A_479 = vector.broadcast %and3A_478 : i32 to vector<16xi32>
      %and3A_480 = arith.andi %shift_right_arithmetic3A_477, %and3A_479 : vector<16xi32>
      %shift_right_arithmetic3A_481 = arith.constant 16 : i32
      %shift_right_arithmetic3A_482 = vector.broadcast %shift_right_arithmetic3A_481 : i32 to vector<16xi32>
      %shift_right_arithmetic3A_483 = arith.shrsi %get3A_471, %shift_right_arithmetic3A_482 : vector<16xi32>
      %and3A_484 = arith.constant 255 : i32
      %and3A_485 = vector.broadcast %and3A_484 : i32 to vector<16xi32>
      %and3A_486 = arith.andi %shift_right_arithmetic3A_483, %and3A_485 : vector<16xi32>
      %shift_right_arithmetic3A_487 = arith.constant 24 : i32
      %shift_right_arithmetic3A_488 = vector.broadcast %shift_right_arithmetic3A_487 : i32 to vector<16xi32>
      %shift_right_arithmetic3A_489 = arith.shrsi %get3A_471, %shift_right_arithmetic3A_488 : vector<16xi32>
      %mul3A_490 = arith.constant 4491264 : i32
      %mul3A_491 = vector.broadcast %mul3A_490 : i32 to vector<16xi32>
      %mul3A_492 = arith.muli %shift_right_arithmetic3A_489, %mul3A_491 : vector<16xi32>
      %mul3A_493 = arith.constant 34816 : i32
      %mul3A_494 = vector.broadcast %mul3A_493 : i32 to vector<16xi32>
      %mul3A_495 = arith.muli %and3A_474, %mul3A_494 : vector<16xi32>
      %add3A_496 = arith.addi %mul3A_492, %mul3A_495 : vector<16xi32>
      %shift_right_arithmetic3A_497 = arith.constant 3 : i32
      %shift_right_arithmetic3A_498 = vector.broadcast %shift_right_arithmetic3A_497 : i32 to vector<16xi32>
      %shift_right_arithmetic3A_499 = arith.shrsi %and3A_480, %shift_right_arithmetic3A_498 : vector<16xi32>
      %mul3A_500 = arith.constant 2048 : i32
      %mul3A_501 = vector.broadcast %mul3A_500 : i32 to vector<16xi32>
      %mul3A_502 = arith.muli %shift_right_arithmetic3A_499, %mul3A_501 : vector<16xi32>
      %add3A_503 = arith.addi %add3A_496, %mul3A_502 : vector<16xi32>
      %shift_right_arithmetic3A_504 = arith.constant 7 : i32
      %shift_right_arithmetic3A_505 = vector.broadcast %shift_right_arithmetic3A_504 : i32 to vector<16xi32>
      %shift_right_arithmetic3A_506 = arith.shrsi %and3A_486, %shift_right_arithmetic3A_505 : vector<16xi32>
      %mul3A_507 = arith.constant 1024 : i32
      %mul3A_508 = vector.broadcast %mul3A_507 : i32 to vector<16xi32>
      %mul3A_509 = arith.muli %shift_right_arithmetic3A_506, %mul3A_508 : vector<16xi32>
      %add3A_510 = arith.addi %add3A_503, %mul3A_509 : vector<16xi32>
      %and3A_511 = arith.constant 7 : i32
      %and3A_512 = vector.broadcast %and3A_511 : i32 to vector<16xi32>
      %and3A_513 = arith.andi %and3A_480, %and3A_512 : vector<16xi32>
      %mul3A_514 = arith.constant 128 : i32
      %mul3A_515 = vector.broadcast %mul3A_514 : i32 to vector<16xi32>
      %mul3A_516 = arith.muli %and3A_513, %mul3A_515 : vector<16xi32>
      %add3A_517 = arith.addi %add3A_510, %mul3A_516 : vector<16xi32>
      %and3A_518 = arith.constant 127 : i32
      %and3A_519 = vector.broadcast %and3A_518 : i32 to vector<16xi32>
      %and3A_520 = arith.andi %and3A_486, %and3A_519 : vector<16xi32>
      %add3A_521 = arith.addi %add3A_517, %and3A_520 : vector<16xi32>
      %swap3A_522 = arith.index_cast %mul3A_468 : i32 to index
      %swap3A_523 = tpu.vector_load %arg8[%swap3A_522] {strides = array<i32>} : memref<8192xi32, #tpu.memory_space<vmem>>, vector<16xi32>,
      %swap3A_524 = vector.shape_cast %swap3A_523 : vector<16xi32> to vector<16xi32>
      %swap3A_525 = vector.shape_cast %add3A_521 : vector<16xi32> to vector<16xi32>
      tpu.vector_store %arg8[%swap3A_522], %swap3A_525 {strides = array<i32>} : memref<8192xi32, #tpu.memory_space<vmem>>, vector<16xi32>,
      %scan3A_526 = arith.constant 7 : i32
      %scan3A_527 = arith.addi %scan3A_104, %scan3A_526 : i32
      %mul3A_528 = arith.constant 16 : i32
      %mul3A_529 = arith.muli %scan3A_527, %mul3A_528 : i32
      %get3A_530 = arith.index_cast %mul3A_529 : i32 to index
      %get3A_531 = tpu.vector_load %arg6[%get3A_530] {strides = array<i32>} : memref<8192xi32, #tpu.memory_space<vmem>>, vector<16xi32>,
      %get3A_532 = vector.shape_cast %get3A_531 : vector<16xi32> to vector<16xi32>
      %and3A_533 = arith.constant 255 : i32
      %and3A_534 = vector.broadcast %and3A_533 : i32 to vector<16xi32>
      %and3A_535 = arith.andi %get3A_532, %and3A_534 : vector<16xi32>
      %shift_right_arithmetic3A_536 = arith.constant 8 : i32
      %shift_right_arithmetic3A_537 = vector.broadcast %shift_right_arithmetic3A_536 : i32 to vector<16xi32>
      %shift_right_arithmetic3A_538 = arith.shrsi %get3A_532, %shift_right_arithmetic3A_537 : vector<16xi32>
      %and3A_539 = arith.constant 255 : i32
      %and3A_540 = vector.broadcast %and3A_539 : i32 to vector<16xi32>
      %and3A_541 = arith.andi %shift_right_arithmetic3A_538, %and3A_540 : vector<16xi32>
      %shift_right_arithmetic3A_542 = arith.constant 16 : i32
      %shift_right_arithmetic3A_543 = vector.broadcast %shift_right_arithmetic3A_542 : i32 to vector<16xi32>
      %shift_right_arithmetic3A_544 = arith.shrsi %get3A_532, %shift_right_arithmetic3A_543 : vector<16xi32>
      %and3A_545 = arith.constant 255 : i32
      %and3A_546 = vector.broadcast %and3A_545 : i32 to vector<16xi32>
      %and3A_547 = arith.andi %shift_right_arithmetic3A_544, %and3A_546 : vector<16xi32>
      %shift_right_arithmetic3A_548 = arith.constant 24 : i32
      %shift_right_arithmetic3A_549 = vector.broadcast %shift_right_arithmetic3A_548 : i32 to vector<16xi32>
      %shift_right_arithmetic3A_550 = arith.shrsi %get3A_532, %shift_right_arithmetic3A_549 : vector<16xi32>
      %mul3A_551 = arith.constant 4491264 : i32
      %mul3A_552 = vector.broadcast %mul3A_551 : i32 to vector<16xi32>
      %mul3A_553 = arith.muli %shift_right_arithmetic3A_550, %mul3A_552 : vector<16xi32>
      %mul3A_554 = arith.constant 34816 : i32
      %mul3A_555 = vector.broadcast %mul3A_554 : i32 to vector<16xi32>
      %mul3A_556 = arith.muli %and3A_535, %mul3A_555 : vector<16xi32>
      %add3A_557 = arith.addi %mul3A_553, %mul3A_556 : vector<16xi32>
      %shift_right_arithmetic3A_558 = arith.constant 3 : i32
      %shift_right_arithmetic3A_559 = vector.broadcast %shift_right_arithmetic3A_558 : i32 to vector<16xi32>
      %shift_right_arithmetic3A_560 = arith.shrsi %and3A_541, %shift_right_arithmetic3A_559 : vector<16xi32>
      %mul3A_561 = arith.constant 2048 : i32
      %mul3A_562 = vector.broadcast %mul3A_561 : i32 to vector<16xi32>
      %mul3A_563 = arith.muli %shift_right_arithmetic3A_560, %mul3A_562 : vector<16xi32>
      %add3A_564 = arith.addi %add3A_557, %mul3A_563 : vector<16xi32>
      %shift_right_arithmetic3A_565 = arith.constant 7 : i32
      %shift_right_arithmetic3A_566 = vector.broadcast %shift_right_arithmetic3A_565 : i32 to vector<16xi32>
      %shift_right_arithmetic3A_567 = arith.shrsi %and3A_547, %shift_right_arithmetic3A_566 : vector<16xi32>
      %mul3A_568 = arith.constant 1024 : i32
      %mul3A_569 = vector.broadcast %mul3A_568 : i32 to vector<16xi32>
      %mul3A_570 = arith.muli %shift_right_arithmetic3A_567, %mul3A_569 : vector<16xi32>
      %add3A_571 = arith.addi %add3A_564, %mul3A_570 : vector<16xi32>
      %and3A_572 = arith.constant 7 : i32
      %and3A_573 = vector.broadcast %and3A_572 : i32 to vector<16xi32>
      %and3A_574 = arith.andi %and3A_541, %and3A_573 : vector<16xi32>
      %mul3A_575 = arith.constant 128 : i32
      %mul3A_576 = vector.broadcast %mul3A_575 : i32 to vector<16xi32>
      %mul3A_577 = arith.muli %and3A_574, %mul3A_576 : vector<16xi32>
      %add3A_578 = arith.addi %add3A_571, %mul3A_577 : vector<16xi32>
      %and3A_579 = arith.constant 127 : i32
      %and3A_580 = vector.broadcast %and3A_579 : i32 to vector<16xi32>
      %and3A_581 = arith.andi %and3A_547, %and3A_580 : vector<16xi32>
      %add3A_582 = arith.addi %add3A_578, %and3A_581 : vector<16xi32>
      %swap3A_583 = arith.index_cast %mul3A_529 : i32 to index
      %swap3A_584 = tpu.vector_load %arg8[%swap3A_583] {strides = array<i32>} : memref<8192xi32, #tpu.memory_space<vmem>>, vector<16xi32>,
      %swap3A_585 = vector.shape_cast %swap3A_584 : vector<16xi32> to vector<16xi32>
      %swap3A_586 = vector.shape_cast %add3A_582 : vector<16xi32> to vector<16xi32>
      tpu.vector_store %arg8[%swap3A_583], %swap3A_586 {strides = array<i32>} : memref<8192xi32, #tpu.memory_space<vmem>>, vector<16xi32>,
    }
    %scan3A_73 = arith.constant 512 : i32
    %dma_start3A_74 = arith.constant 0 : i32
    %dma_start3A_75 = tpu.memref_slice %arg3[%dma_start3A_74] : memref<8982528xi32, #tpu.memory_space<hbm>> -> memref<8982528xi32, #tpu.memory_space<hbm>>
    tpu.enqueue_indirect_dma source(%dma_start3A_75 : memref<8982528xi32, #tpu.memory_space<hbm>>) target(%arg12 : memref<8192xi32, #tpu.memory_space<vmem>>) offsets(%arg8 : memref<8192xi32, #tpu.memory_space<vmem>>) semaphore(%arg16 : memref<!tpu.dma_semaphore, #tpu.memory_space<semaphore_mem>>)
    %dma_wait3A_76 = arith.constant 0 : i32
    %dma_wait3A_77 = tpu.memref_slice %arg3[%dma_wait3A_76] : memref<8982528xi32, #tpu.memory_space<hbm>> -> memref<8982528xi32, #tpu.memory_space<hbm>>
    tpu.wait_indirect_dma semaphore(%arg15 : memref<!tpu.dma_semaphore, #tpu.memory_space<semaphore_mem>>) src(%dma_wait3A_77 : memref<8982528xi32, #tpu.memory_space<hbm>>) dst(%arg11 : memref<8192xi32, #tpu.memory_space<vmem>>)
    %add3A_78 = arith.constant 16384 : i32
    %add3A_79 = arith.addi %mul3A_2, %add3A_78 : i32
    %dma_start3A_80 = tpu.memref_slice %arg4[%add3A_79] : memref<1048576xi32, #tpu.memory_space<hbm>> -> memref<8192xi32, #tpu.memory_space<hbm>>
    %dma_start3A_81 = tpu.memref_slice %arg4[%add3A_79] : memref<1048576xi32, #tpu.memory_space<hbm>> -> memref<8192xi32, #tpu.memory_space<hbm>>
    tpu.enqueue_dma source(%arg11 : memref<8192xi32, #tpu.memory_space<vmem>>) target(%dma_start3A_81 : memref<8192xi32, #tpu.memory_space<hbm>>) target_semaphore(%arg17 : memref<!tpu.dma_semaphore, #tpu.memory_space<semaphore_mem>>)
    %dma_wait3A_82 = arith.constant 0 : i32
    %dma_wait3A_83 = tpu.memref_slice %arg3[%dma_wait3A_82] : memref<8982528xi32, #tpu.memory_space<hbm>> -> memref<8982528xi32, #tpu.memory_space<hbm>>
    tpu.wait_indirect_dma semaphore(%arg16 : memref<!tpu.dma_semaphore, #tpu.memory_space<semaphore_mem>>) src(%dma_wait3A_83 : memref<8982528xi32, #tpu.memory_space<hbm>>) dst(%arg12 : memref<8192xi32, #tpu.memory_space<vmem>>)
    %add3A_84 = arith.constant 24576 : i32
    %add3A_85 = arith.addi %mul3A_2, %add3A_84 : i32
    %dma_start3A_86 = tpu.memref_slice %arg4[%add3A_85] : memref<1048576xi32, #tpu.memory_space<hbm>> -> memref<8192xi32, #tpu.memory_space<hbm>>
    %dma_start3A_87 = tpu.memref_slice %arg4[%add3A_85] : memref<1048576xi32, #tpu.memory_space<hbm>> -> memref<8192xi32, #tpu.memory_space<hbm>>
    tpu.enqueue_dma source(%arg12 : memref<8192xi32, #tpu.memory_space<vmem>>) target(%dma_start3A_87 : memref<8192xi32, #tpu.memory_space<hbm>>) target_semaphore(%arg17 : memref<!tpu.dma_semaphore, #tpu.memory_space<semaphore_mem>>)
    %add3A_88 = arith.constant 0 : i32
    %add3A_89 = arith.addi %mul3A_2, %add3A_88 : i32
    %dma_wait3A_90 = tpu.memref_slice %arg4[%add3A_89] : memref<1048576xi32, #tpu.memory_space<hbm>> -> memref<8192xi32, #tpu.memory_space<hbm>>
    %dma_wait3A_91 = tpu.memref_slice %arg4[%add3A_89] : memref<1048576xi32, #tpu.memory_space<hbm>> -> memref<8192xi32, #tpu.memory_space<hbm>>
    tpu.wait_dma2 semaphore(%arg17 : memref<!tpu.dma_semaphore, #tpu.memory_space<semaphore_mem>>) src(%arg9 : memref<8192xi32, #tpu.memory_space<vmem>>) dst(%dma_wait3A_91 : memref<8192xi32, #tpu.memory_space<hbm>>)
    %add3A_92 = arith.constant 8192 : i32
    %add3A_93 = arith.addi %mul3A_2, %add3A_92 : i32
    %dma_wait3A_94 = tpu.memref_slice %arg4[%add3A_93] : memref<1048576xi32, #tpu.memory_space<hbm>> -> memref<8192xi32, #tpu.memory_space<hbm>>
    %dma_wait3A_95 = tpu.memref_slice %arg4[%add3A_93] : memref<1048576xi32, #tpu.memory_space<hbm>> -> memref<8192xi32, #tpu.memory_space<hbm>>
    tpu.wait_dma2 semaphore(%arg17 : memref<!tpu.dma_semaphore, #tpu.memory_space<semaphore_mem>>) src(%arg10 : memref<8192xi32, #tpu.memory_space<vmem>>) dst(%dma_wait3A_95 : memref<8192xi32, #tpu.memory_space<hbm>>)
    %add3A_96 = arith.constant 16384 : i32
    %add3A_97 = arith.addi %mul3A_2, %add3A_96 : i32
    %dma_wait3A_98 = tpu.memref_slice %arg4[%add3A_97] : memref<1048576xi32, #tpu.memory_space<hbm>> -> memref<8192xi32, #tpu.memory_space<hbm>>
    %dma_wait3A_99 = tpu.memref_slice %arg4[%add3A_97] : memref<1048576xi32, #tpu.memory_space<hbm>> -> memref<8192xi32, #tpu.memory_space<hbm>>
    tpu.wait_dma2 semaphore(%arg17 : memref<!tpu.dma_semaphore, #tpu.memory_space<semaphore_mem>>) src(%arg11 : memref<8192xi32, #tpu.memory_space<vmem>>) dst(%dma_wait3A_99 : memref<8192xi32, #tpu.memory_space<hbm>>)
    %add3A_100 = arith.constant 24576 : i32
    %add3A_101 = arith.addi %mul3A_2, %add3A_100 : i32
    %dma_wait3A_102 = tpu.memref_slice %arg4[%add3A_101] : memref<1048576xi32, #tpu.memory_space<hbm>> -> memref<8192xi32, #tpu.memory_space<hbm>>
    %dma_wait3A_103 = tpu.memref_slice %arg4[%add3A_101] : memref<1048576xi32, #tpu.memory_space<hbm>> -> memref<8192xi32, #tpu.memory_space<hbm>>
    tpu.wait_dma2 semaphore(%arg17 : memref<!tpu.dma_semaphore, #tpu.memory_space<semaphore_mem>>) src(%arg12 : memref<8192xi32, #tpu.memory_space<vmem>>) dst(%dma_wait3A_103 : memref<8192xi32, #tpu.memory_space<hbm>>)
    return
  }
}

</mosaic_0001>

<sc_bundles>
// kernel: kernel.3.cloned.1.call-start
scs
__scs_entry_jumppad:
0x0: {  	(pc) =	sbr.rel $0x88, $3  }
0x1: {  	(tag) =	ssettag $0x0;
	lr =	simm.s32 $0x1  }
0x2: {  	[smem:$0x3F9E] =	sst lr;
	_ =	strace $0xD0000000  }
0x3: {  	_ = 	snop  }
0x4: {  	_ = 	snop  }
0x5: {  	_ = 	snop  }
0x6: {  	_ = 	snop  }
0x7: {  	_ = 	snop  }
__scs_overlays_trampoline_lowered:
0x8: {  	[smem:$0x3FAD] =	sst s0  }
0x9: {  	[smem:$0x3FAE] =	sst s1  }
0xa: {  	[smem:$0x3FAF] =	sst s2  }
0xb: {  	[smem:$0x3FB0] =	sst s3  }
0xc: {  	[smem:$0x3FB1] =	sst s4  }
0xd: {  	[smem:$0x3FB2] =	sst s5  }
0xe: {  	[smem:$0x3FB3] =	sst s6  }
0xf: {  	[smem:$0x3FB4] =	sst s7  }
0x10: {  	[smem:$0x3FB5] =	sst s8  }
0x11: {  	[smem:$0x3FB6] =	sst s9;
	s0 =	simm.s32 @!p0 $0x0  }
0x12: {  	s1 =	sld [smem:$0x3F9C];
	s0 =	simm.s32 @p0 $0x1  }
0x13: {  	[smem:$0x3FB7] =	sst s0;
	s0 =	simm.s32 @!p1 $0x0  }
0x14: {  	s2 =	sld [smem:$0x3F9B];
	s0 =	simm.s32 @p1 $0x1  }
0x15: {  	[smem:$0x3FB8] =	sst s0;
	s0 =	simm.s32 @!p2 $0x0  }
0x16: {  	s3 =	sld [smem:$0x3FDB];
	s0 =	simm.s32 @p2 $0x1  }
0x17: {  	s4 =	simm.s32 $0x1BF5;
	[smem:$0x3FBA] =	sst s0  }
0x18: {  	s0 =	sld [smem:$0x3F9D];
	_ =	swait.ge [sflag:s4], $0x0  }
0x19: {  	s7 =	sld [smem:$0x3F9E]  }
0x1a: {  	s8 =	sadd.s32 $0xFFFFE003, lr  }
0x1b: {  	s9 =	sadd.s32 $0xFFFFFEF7, lr;
	s5 =	simm.s32 $0xFFFFFFFF;
	p2 =	slt.u32 s8, $0xFFFFF086  }
0x1c: {  	p1 =	slt.u32 s9, $0xF7A;
	s5 =	simm.s32 @!p2 $0x0  }
0x1d: {  	s5 =	simm.s32 @p1 $0x1;
	p0 =	seq.s32 s7, s2  }
0x1e: {  	s7 =	smul.u32 @!p0 $0xF7A, s2;
	p2 =	seq.s32 @!p0 s5, $0x0  }
0x1f: {  	s9 =	smul.u32 $0xF7A, s1;
	s8 =	simm.s32 @!p0 $0x1BF5;
	p2 =	por !p2, p0  }
0x20: {  	[sflag:s8] =	ssyncset.s32 @!p0 $0xFFFFF086;
	s6 =	sadd.s32 @!p0 s3, s7;
	s7 =	simm.s32 @!p0 $0x108  }
0x21: {  	s3 =	sadd.s32 s3, s9;
	s6 =	sadd.s32 @!p0 $0x88, s6;
	s7 =	simm.s32 @p2 $0x1082  }
0x22: {  	[simem:s7], [sflag:s8] =	dma.local @!p0 [hbm:s6], $0xF7A  }
0x23: {  	s9 =	sor.u32 $0xD0000000, s2;
	s6 =	simm.s32 $0x108;
	_ =	swait.ge @!p0 [sflag:s8], $0x0  }
0x24: {  	s3 =	sadd.s32 $0x88, s3;
	s6 =	simm.s32 @!p1 $0x1082;
	[sflag:s4] =	ssyncset.s32 $0xFFFFF086  }
0x25: {  	[simem:s6], [sflag:s4] =	dma.local [hbm:s3], $0xF7A  }
0x26: {  	[smem:$0x3F9E] =	sst s1;
	(tag) =	ssettag s2;
	_ =	strace s9  }
0x27: {  	s1 =	sld [smem:$0x3FAE]  }
0x28: {  	s2 =	sld [smem:$0x3FAF]  }
0x29: {  	s4 =	sld [smem:$0x3FB1]  }
0x2a: {  	p0 =	seq.s32 s5, $0x0;
	s5 =	sld [smem:$0x3FB2]  }
0x2b: {  	s6 =	sld [smem:$0x3FB3]  }
0x2c: {  	s7 =	sld [smem:$0x3FB4]  }
0x2d: {  	s3 =	simm.s32 $0x108;
	s8 =	sld [smem:$0x3FB5]  }
0x2e: {  	s3 =	simm.s32 @!p0 $0x1082;
	s9 =	sld [smem:$0x3FB6]  }
0x2f: {  	lr =	sadd.s32 s0, s3;
	s0 =	sld [smem:$0x3FAD]  }
0x30: {  	s3 =	sld [smem:$0x3FB0]  }
0x31: {  	[smem:$0x3FB9] =	sst s10  }
0x32: {  	s10 =	sld [smem:$0x3FB7];
	_ =	sdelay $0x3  }
0x33: {  	p0 =	seq.s32 s10, $0x1;
	s10 =	sld [smem:$0x3FB9];
	_ =	sdelay $0x3  }
0x34: {  	[smem:$0x3FB9] =	sst s10  }
0x35: {  	s10 =	sld [smem:$0x3FB8];
	_ =	sdelay $0x3  }
0x36: {  	p1 =	seq.s32 s10, $0x1;
	s10 =	sld [smem:$0x3FB9];
	_ =	sdelay $0x3  }
0x37: {  	[smem:$0x3FB9] =	sst s10  }
0x38: {  	s10 =	sld [smem:$0x3FBA]  }
0x39: {  	_ = 	snop;
	(pc) =	sbr.ind lr, $3  }
0x3a: {  	_ = 	snop  }
0x3b: {  	_ = 	snop  }
0x3c: {  	p2 =	seq.s32 s10, $0x1;
	s10 =	sld [smem:$0x3FB9]  }
0x3d: {  	_ =	shalt  }
0x3e: {  	_ =	shalt  }
0x3f: {  	_ =	shalt  }
0x40: {  	_ =	shalt  }
0x41: {  	_ =	shalt  }
0x42: {  	_ =	shalt  }
0x43: {  	_ =	shalt  }
0x44: {  	_ =	shalt  }
0x45: {  	_ =	shalt  }
0x46: {  	_ =	shalt  }
0x47: {  	_ =	shalt  }
0x48: {  	_ =	shalt  }
0x49: {  	_ =	shalt  }
0x4a: {  	_ =	shalt  }
0x4b: {  	_ =	shalt  }
0x4c: {  	_ =	shalt  }
0x4d: {  	_ =	shalt  }
0x4e: {  	_ =	shalt  }
0x4f: {  	_ =	shalt  }
0x50: {  	_ =	shalt  }
0x51: {  	_ =	shalt  }
0x52: {  	_ =	shalt  }
0x53: {  	_ =	shalt  }
0x54: {  	_ =	shalt  }
0x55: {  	_ =	shalt  }
0x56: {  	_ =	shalt  }
0x57: {  	_ =	shalt  }
0x58: {  	_ =	shalt  }
0x59: {  	_ =	shalt  }
0x5a: {  	_ =	shalt  }
0x5b: {  	_ =	shalt  }
0x5c: {  	_ =	shalt  }
0x5d: {  	_ =	shalt  }
0x5e: {  	_ =	shalt  }
0x5f: {  	_ =	shalt  }
0x60: {  	_ =	shalt  }
0x61: {  	_ =	shalt  }
0x62: {  	_ =	shalt  }
0x63: {  	_ =	shalt  }
0x64: {  	_ =	shalt  }
0x65: {  	_ =	shalt  }
0x66: {  	_ =	shalt  }
0x67: {  	_ =	shalt  }
0x68: {  	_ =	shalt  }
0x69: {  	_ =	shalt  }
0x6a: {  	_ =	shalt  }
0x6b: {  	_ =	shalt  }
0x6c: {  	_ =	shalt  }
0x6d: {  	_ =	shalt  }
0x6e: {  	_ =	shalt  }
0x6f: {  	_ =	shalt  }
0x70: {  	_ =	shalt  }
0x71: {  	_ =	shalt  }
0x72: {  	_ =	shalt  }
0x73: {  	_ =	shalt  }
0x74: {  	_ =	shalt  }
0x75: {  	_ =	shalt  }
0x76: {  	_ =	shalt  }
0x77: {  	_ =	shalt  }
0x78: {  	_ =	shalt  }
0x79: {  	_ =	shalt  }
0x7a: {  	_ =	shalt  }
0x7b: {  	_ =	shalt  }
0x7c: {  	_ =	shalt  }
0x7d: {  	_ =	shalt  }
0x7e: {  	_ =	shalt  }
0x7f: {  	_ =	shalt  }
0x80: {  	_ =	shalt  }
0x81: {  	_ =	shalt  }
0x82: {  	_ =	shalt  }
0x83: {  	_ =	shalt  }
0x84: {  	_ =	shalt  }
0x85: {  	_ =	shalt  }
0x86: {  	_ =	shalt  }
0x87: {  	_ =	shalt  }
.Lfunc_end0:
.L_simem_size_0:
called_computation_lowered:
.L_overlay_start_0:
0x88: {  	s2 =	sld [smem:$0x3FD9]  }
0x89: {  	s3 =	sld [smem:$0x3FFE];
	_ =	sdelay $0x1  }
0x8a: {  	s1 =	srdreg.scid  }
0x8b: {  	s0 =	sand.u32 $0x1, s1  }
0x8c: {  	s17 =	sshll.u32 s0, $0xA;
	s2 =	sadd.s32 s3, s2  }
0x8d: {  	s2 =	sadd.s32 s2, s17  }
0x8e: {  	[smem:$0x3FC5] =	sst s2  }
0x8f: {  	_ = 	snop  }
0x90: {  	s2 =	sld [smem:$0x3FD0];
	(tm) =	ssettm $0x1  }
0x91: {  	s18 =	sld [smem:$0x3FFB];
	_ =	sdelay $0x3  }
0x92: {  	_ =	strace s18  }
0x93: {  	s3 =	sld [smem:$0x3FFC];
	_ =	sdelay $0x3  }
0x94: {  	_ =	strace s3  }
0x95: {  	s3 =	sld [smem:$0x3FFD];
	_ =	sdelay $0x3  }
0x96: {  	_ =	strace s3  }
0x97: {  	_ =	strace $0x8FFFFFFF  }
0x98: {  	s19 =	sld [smem:$0x3FDB];
	_ =	sdelay $0x1  }
0x99: {  	s4 =	simm.s32 $_scs_section_size  }
0x9a: {  	s5 =	simm.s32 $_size__tile_overlayer_lowered;
	s6 =	simm.s32 $_tile_overlayer_lowered  }
0x9b: {  	s22 =	simm.s32 $0x1BFF;
	s21 =	sshll.u32 s6, $0x1;
	s3 =	sadd.s32 s4, s19  }
0x9c: {  	s7 =	simm.s32 $0x0;
	s20 =	sshll.u32 s5, $0x1;
	s5 =	sadd.s32 s21, s3  }
0x9d: {  	[timem:s7], [sflag:s22] =	dma.local [hbm:s5], s20  }
0x9e: {  	_ =	swait.ge [sflag:s22], s20  }
0x9f: {  	s4 =	ssub.s32 $0x0, s20;
	[sflag:s22] =	ssyncset.done $0x0  }
0xa0: {  	[sflag:s22] =	ssyncadd.s32 s4;
	_ =	sdelay $0x1  }
0xa1: {  	s23 =	simm.s32 $0x1B8B  }
0xa2: {  	_ =	swait.ge [sflag:s23], $0x1  }
0xa3: {  	[sflag:s23] =	ssyncset.done $0x0  }
0xa4: {  	s25 =	simm.s32 $0x1B8E;
	s24 =	sld [smem:$0x3FFE];
	[sflag:s23] =	ssyncadd.s32 $0xFFFFFFFF  }
0xa5: {  	s26 =	simm.s32 $execute0_lowered;
	[smem:$0x3FD2] =	sst s25  }
0xa6: {  	s5 =	sshll.u32 s26, $0x1;
	_ =	strace $0x80000046;
	[dreg:$0x1] =	wrdreg $0xFFFFFFFF  }
0xa7: {  	s28 =	simm.s32 $_size_execute0_lowered;
	s3 =	sadd.s32 s3, s5;
	[dreg:$0x0] =	wrdreg $0x0  }
0xa8: {  	s5 =	sshll.u32 s28, $0x1;
	[dreg:$0x2] =	wrdreg s3  }
0xa9: {  	[dreg:$0x3] =	wrdreg s5  }
0xaa: {  	[dreg:$0x4] =	wrdreg $0xC0  }
0xab: {  	_ =	task [dreg:s7], $0x5FFFF  }
0xac: {  	[dreg:$0x1] =	wrdreg $0xFFFFFFFF  }
0xad: {  	[dreg:$0x0] =	wrdreg $0x60  }
0xae: {  	[dreg:$0x2] =	wrdreg s24  }
0xaf: {  	[dreg:$0x3] =	wrdreg s2  }
0xb0: {  	[dreg:$0x4] =	wrdreg $0x9  }
0xb1: {  	_ =	task.clear_ibuf [dreg:s7], $0x5FFFF;
	_ =	strace $0x90000046  }
0xb2: {  	s29 =	simm.s32 $0x9;
	_ =	strace $0x80000048  }
0xb3: {  	_ =	swait.ge [sflag:s29], $0x1  }
0xb4: {  	[sflag:s29] =	ssyncadd.s32 $0xFFFFFFFF  }
0xb5: {  	_ =	strace $0x90000048  }
0xb6: {  	_ =	sfence  }
0xb7: {  	s30 =	sld [smem:$0x0];
	_ =	sdelay $0x2  }
0xb8: {  	s31 =	sshll.u32 s1, $0xD;
	s1 =	sshrl.u32 s1, $0x2  }
0xb9: {  	s3 =	sand.u32 $0x4000, s31;
	s1 =	sadd.s32 s1, s30  }
0xba: {  	s0 =	sor.u32 s3, s0;
	s1 =	sshll.u32 s1, $0x11  }
0xbb: {  	s0 =	sor.u32 s1, s0  }
0xbc: {  	s0 =	sadd.s32 $0x8F2B, s0  }
0xbd: {  	[sflag:s0] =	ssyncadd.remote.s32 $0x1  }
0xbe: {  	_ =	sfence.sel $0xFFFF  }
0xbf: {  	[dreg:$0x0] =	wrdreg $0xFFFFFFFF;
	(pc) =	sbr.abs _section_cstart, $3  }
0xc0: {  	[dreg:$0x1] =	wrdreg $0xFFFFFFFF  }
0xc1: {  	_ =	task.clear_ibuf [dreg:s7], $0x2FFFF;
	_ =	strace $0x9FFFFFFF  }
0xc2: {  	(tm) =	ssettm $0x7FFFFFFF  }
0xc3: {  	_ =	shalt  }
tec
execute0_lowered:
.L_overlay_start_1:
0x0: {  	(tag) =	ssettag $0x1  }
0x1: {  	s3 =	rddreg [dreg:$0x0]  }
0x2: {  	s11 =	rddreg [dreg:$0x1]  }
0x3: {  	s0 =	rddreg [dreg:$0x2]  }
0x4: {  	s2 =	simm.s32 $0x0;
	s4 =	srdreg.scid;
	s1 =	stileid.u32  }
0x5: {  	s15 =	simm.s32 $0x4000;
	s16 =	simm.s32 $0x8000;
	s17 =	simm.s32 $0x2  }
0x6: {  	s18 =	simm.s32 $0x6000;
	s19 =	simm.s32 $0xA000;
	s20 =	simm.s32 $0x3  }
0x7: {  	s21 =	simm.s32 $0xC000;
	s22 =	simm.s32 $0x4;
	s23 =	simm.s32 $0xE000  }
0x8: {  	s24 =	simm.s32 $0x5;
	s25 =	simm.s32 $0x0;
	[smem:$0x7FF] =	sst s2  }
0x9: {  	s4 =	sand.u32 $0x1, s4;
	s6 =	sshll.u32 s1, $0xD;
	s7 =	sadd.s32 $0x112600, s3  }
0xa: {  	s3 =	sadd.s32 $0x400, s3;
	s5 =	ssub.s32 $0x2, s4;
	s4 =	sshll.u32 s4, $0xC  }
0xb: {  	_ =	strace $0x80000047;
	s8 =	sshrl.u32 s5, $0x1;
	s9 =	sor.u32 s4, s6  }
0xc: {  	s12 =	ssub.s32 s5, s8;
	s4 =	sadd.s32 s7, s9;
	s10 =	sor.u32 $0x400, s9  }
0xd: {  	s13 =	sor.u32 $0x800, s9;
	s14 =	sor.u32 $0xC00, s9;
	s8 =	sadd.s32 s11, s9  }
0xe: {  	s5 =	sadd.s32 s7, s10;
	s6 =	sadd.s32 s7, s13;
	s7 =	sadd.s32 s7, s14  }
0xf: {  	s9 =	sadd.s32 s11, s10;
	s10 =	sadd.s32 s11, s13;
	s11 =	sadd.s32 s11, s14  }
0x10: {  	s12 =	smax.u32 s12, $0x1;
	s13 =	simm.s32 $0x2000;
	s14 =	simm.s32 $0x1  }
.LBB2_1:
0x11: {  	[tilespmem:s2], [sflag:$0x1] =	stream.linear.gather [hbm4b:s4+s2], $0x2000, $0x38;
	[tilespmem:$0x10000] =	vst v63  }
0x12: {  	_ = 	snop  }
0x13: {  	[tilespmem:s13], [sflag:$0x2] =	stream.linear.gather [hbm4b:s5+s2], $0x2000, $0x38;
	[tilespmem:$0x10000] =	vst v63  }
0x14: {  	_ =	swait.ge [sflag:s14], $0x2000  }
0x15: {  	[sflag:s14] =	ssyncset.done $0x0  }
0x16: {  	s26 =	simm.s32 $0x40;
	[sflag:s14] =	ssyncadd.s32 $0xFFFFE000  }
0x17: {  	v0 =	vld [tilespmem:s26+$0xFFFFFFC0];
	_ =	sdelay $0x4  }
0x18: {  	v1 =	vand.u32 $0xFF, v0  }
0x19: {  	v2 =	vshra.s32 v0, $0x18;
	v1 =	vmul.u32 $0x8800, v1  }
0x1a: {  	v3 =	vand.u32 $0xF800, v0;
	v2 =	vmul.u32 $0x448800, v2  }
0x1b: {  	v4 =	vshrl.u32 v0, $0x1;
	v1 =	vadd.s32 v3, v1  }
0x1c: {  	v3 =	vshrl.u32 v0, $0x10;
	v1 =	vadd.s32 v2, v1;
	v2 =	vand.u32 $0x380, v4  }
0x1d: {  	v0 =	vshrl.u32 v0, $0xD;
	v3 =	vand.u32 $0x7F, v3;
	v1 =	vor.u32 v2, v1  }
0x1e: {  	v0 =	vand.u32 $0x400, v0;
	v1 =	vor.u32 v3, v1  }
0x1f: {  	s28 =	simm.s32 $0x4040;
	v0 =	vor.u32 v0, v1  }
0x20: {  	[tilespmem:s28+$0xFFFFFFC0] =	vst v0  }
0x21: {  	v0 =	vld [tilespmem:s26+$0xFFFFFFD0];
	_ =	sdelay $0x4  }
0x22: {  	v1 =	vand.u32 $0xFF, v0  }
0x23: {  	v2 =	vshra.s32 v0, $0x18;
	v1 =	vmul.u32 $0x8800, v1  }
0x24: {  	v3 =	vand.u32 $0xF800, v0;
	v2 =	vmul.u32 $0x448800, v2  }
0x25: {  	v57 =	vshrl.u32 v0, $0x1;
	v1 =	vadd.s32 v3, v1  }
0x26: {  	v3 =	vshrl.u32 v0, $0x10;
	v1 =	vadd.s32 v2, v1;
	v2 =	vand.u32 $0x380, v57  }
0x27: {  	v0 =	vshrl.u32 v0, $0xD;
	v3 =	vand.u32 $0x7F, v3;
	v1 =	vor.u32 v2, v1  }
0x28: {  	v0 =	vand.u32 $0x400, v0;
	v1 =	vor.u32 v3, v1  }
0x29: {  	v0 =	vor.u32 v0, v1  }
0x2a: {  	[tilespmem:s28+$0xFFFFFFD0] =	vst v0  }
0x2b: {  	v0 =	vld [tilespmem:s26+$0xFFFFFFE0];
	_ =	sdelay $0x4  }
0x2c: {  	v1 =	vand.u32 $0xFF, v0  }
0x2d: {  	v2 =	vshra.s32 v0, $0x18;
	v1 =	vmul.u32 $0x8800, v1  }
0x2e: {  	v3 =	vand.u32 $0xF800, v0;
	v2 =	vmul.u32 $0x448800, v2  }
0x2f: {  	v58 =	vshrl.u32 v0, $0x1;
	v1 =	vadd.s32 v3, v1  }
0x30: {  	v3 =	vshrl.u32 v0, $0x10;
	v1 =	vadd.s32 v2, v1;
	v2 =	vand.u32 $0x380, v58  }
0x31: {  	v0 =	vshrl.u32 v0, $0xD;
	v3 =	vand.u32 $0x7F, v3;
	v1 =	vor.u32 v2, v1  }
0x32: {  	v0 =	vand.u32 $0x400, v0;
	v1 =	vor.u32 v3, v1  }
0x33: {  	v0 =	vor.u32 v0, v1  }
0x34: {  	[tilespmem:s28+$0xFFFFFFE0] =	vst v0  }
0x35: {  	v0 =	vld [tilespmem:s26+$0xFFFFFFF0];
	_ =	sdelay $0x4  }
0x36: {  	v1 =	vand.u32 $0xFF, v0  }
0x37: {  	v2 =	vshra.s32 v0, $0x18;
	v1 =	vmul.u32 $0x8800, v1  }
0x38: {  	v3 =	vand.u32 $0xF800, v0;
	v2 =	vmul.u32 $0x448800, v2  }
0x39: {  	v59 =	vshrl.u32 v0, $0x1;
	v1 =	vadd.s32 v3, v1  }
0x3a: {  	v3 =	vshrl.u32 v0, $0x10;
	v1 =	vadd.s32 v2, v1;
	v2 =	vand.u32 $0x380, v59  }
0x3b: {  	v0 =	vshrl.u32 v0, $0xD;
	v3 =	vand.u32 $0x7F, v3;
	v1 =	vor.u32 v2, v1  }
0x3c: {  	v0 =	vand.u32 $0x400, v0;
	v1 =	vor.u32 v3, v1  }
0x3d: {  	v0 =	vor.u32 v0, v1  }
0x3e: {  	[tilespmem:s28+$0xFFFFFFF0] =	vst v0  }
0x3f: {  	v0 =	vld [tilespmem:s26+$0x0];
	_ =	sdelay $0x4  }
0x40: {  	v1 =	vand.u32 $0xFF, v0  }
0x41: {  	v2 =	vshra.s32 v0, $0x18;
	v1 =	vmul.u32 $0x8800, v1  }
0x42: {  	v3 =	vand.u32 $0xF800, v0;
	v2 =	vmul.u32 $0x448800, v2  }
0x43: {  	v60 =	vshrl.u32 v0, $0x1;
	v1 =	vadd.s32 v3, v1  }
0x44: {  	v3 =	vshrl.u32 v0, $0x10;
	v1 =	vadd.s32 v2, v1;
	v2 =	vand.u32 $0x380, v60  }
0x45: {  	v0 =	vshrl.u32 v0, $0xD;
	v3 =	vand.u32 $0x7F, v3;
	v1 =	vor.u32 v2, v1  }
0x46: {  	v0 =	vand.u32 $0x400, v0;
	v1 =	vor.u32 v3, v1  }
0x47: {  	v0 =	vor.u32 v0, v1  }
0x48: {  	[tilespmem:s28+$0x0] =	vst v0  }
0x49: {  	v0 =	vld [tilespmem:s26+$0x10];
	_ =	sdelay $0x4  }
0x4a: {  	v1 =	vand.u32 $0xFF, v0  }
0x4b: {  	v2 =	vshra.s32 v0, $0x18;
	v1 =	vmul.u32 $0x8800, v1  }
0x4c: {  	v3 =	vand.u32 $0xF800, v0;
	v2 =	vmul.u32 $0x448800, v2  }
0x4d: {  	v61 =	vshrl.u32 v0, $0x1;
	v1 =	vadd.s32 v3, v1  }
0x4e: {  	v3 =	vshrl.u32 v0, $0x10;
	v1 =	vadd.s32 v2, v1;
	v2 =	vand.u32 $0x380, v61  }
0x4f: {  	v0 =	vshrl.u32 v0, $0xD;
	v3 =	vand.u32 $0x7F, v3;
	v1 =	vor.u32 v2, v1  }
0x50: {  	v0 =	vand.u32 $0x400, v0;
	v1 =	vor.u32 v3, v1  }
0x51: {  	v0 =	vor.u32 v0, v1  }
0x52: {  	[tilespmem:s28+$0x10] =	vst v0  }
0x53: {  	v0 =	vld [tilespmem:s26+$0x20];
	_ =	sdelay $0x4  }
0x54: {  	v1 =	vand.u32 $0xFF, v0  }
0x55: {  	v2 =	vshra.s32 v0, $0x18;
	v1 =	vmul.u32 $0x8800, v1  }
0x56: {  	v3 =	vand.u32 $0xF800, v0;
	v2 =	vmul.u32 $0x448800, v2  }
0x57: {  	v62 =	vshrl.u32 v0, $0x1;
	v1 =	vadd.s32 v3, v1  }
0x58: {  	v3 =	vshrl.u32 v0, $0x10;
	v1 =	vadd.s32 v2, v1;
	v2 =	vand.u32 $0x380, v62  }
0x59: {  	v0 =	vshrl.u32 v0, $0xD;
	v3 =	vand.u32 $0x7F, v3;
	v1 =	vor.u32 v2, v1  }
0x5a: {  	v0 =	vand.u32 $0x400, v0;
	v1 =	vor.u32 v3, v1  }
0x5b: {  	v0 =	vor.u32 v0, v1  }
0x5c: {  	[tilespmem:s28+$0x20] =	vst v0  }
0x5d: {  	v0 =	vld [tilespmem:s26+$0x30];
	_ =	sdelay $0x4  }
0x5e: {  	v1 =	vand.u32 $0xFF, v0  }
0x5f: {  	v2 =	vshra.s32 v0, $0x18;
	v1 =	vmul.u32 $0x8800, v1  }
0x60: {  	v3 =	vand.u32 $0xF800, v0;
	v2 =	vmul.u32 $0x448800, v2  }
0x61: {  	v63 =	vshrl.u32 v0, $0x1;
	v1 =	vadd.s32 v3, v1  }
0x62: {  	v3 =	vshrl.u32 v0, $0x10;
	v1 =	vadd.s32 v2, v1;
	v2 =	vand.u32 $0x380, v63  }
0x63: {  	v0 =	vshrl.u32 v0, $0xD;
	v3 =	vand.u32 $0x7F, v3;
	v1 =	vor.u32 v2, v1  }
0x64: {  	v0 =	vand.u32 $0x400, v0;
	v1 =	vor.u32 v3, v1  }
0x65: {  	s29 =	simm.s32 $0x0;
	v0 =	vor.u32 v0, v1  }
.LBB2_2:
0x66: {  	s29 =	sadd.s32 $0x8, s29;
	[tilespmem:s28+$0x30] =	vst v0;
	s26 =	sadd.s32 $0x80, s26;
	s28 =	sadd.s32 $0x80, s28  }
0x67: {  	v0 =	vld [tilespmem:s26+$0xFFFFFFC0];
	p0 =	slt.u32 s29, $0x1F8;
	_ =	sdelay $0x4  }
0x68: {  	v1 =	vand.u32 $0xFF, v0;
	v2 =	vshra.s32 v0, $0x18;
	v3 =	vshrl.u32 v0, $0x1  }
0x69: {  	v4 =	vshrl.u32 v0, $0x10;
	v5 =	vshrl.u32 v0, $0xD;
	v1 =	vmul.u32 $0x8800, v1  }
0x6a: {  	v0 =	vand.u32 $0xF800, v0;
	v2 =	vmul.u32 $0x448800, v2  }
0x6b: {  	v0 =	vadd.s32 v0, v1  }
0x6c: {  	v1 =	vand.u32 $0x380, v3;
	v0 =	vadd.s32 v2, v0  }
0x6d: {  	v2 =	vand.u32 $0x7F, v4;
	v0 =	vor.u32 v1, v0  }
0x6e: {  	v1 =	vand.u32 $0x400, v5;
	v0 =	vor.u32 v2, v0  }
0x6f: {  	v0 =	vor.u32 v1, v0  }
0x70: {  	[tilespmem:s28+$0xFFFFFFC0] =	vst v0  }
0x71: {  	v0 =	vld [tilespmem:s26+$0xFFFFFFD0];
	_ =	sdelay $0x4  }
0x72: {  	v1 =	vand.u32 $0xFF, v0;
	v2 =	vshra.s32 v0, $0x18;
	v3 =	vshrl.u32 v0, $0x1  }
0x73: {  	v4 =	vshrl.u32 v0, $0x10;
	v5 =	vshrl.u32 v0, $0xD;
	v1 =	vmul.u32 $0x8800, v1  }
0x74: {  	v0 =	vand.u32 $0xF800, v0;
	v2 =	vmul.u32 $0x448800, v2  }
0x75: {  	v0 =	vadd.s32 v0, v1  }
0x76: {  	v1 =	vand.u32 $0x380, v3;
	v0 =	vadd.s32 v2, v0  }
0x77: {  	v2 =	vand.u32 $0x7F, v4;
	v0 =	vor.u32 v1, v0  }
0x78: {  	v1 =	vand.u32 $0x400, v5;
	v0 =	vor.u32 v2, v0  }
0x79: {  	v0 =	vor.u32 v1, v0  }
0x7a: {  	[tilespmem:s28+$0xFFFFFFD0] =	vst v0  }
0x7b: {  	v0 =	vld [tilespmem:s26+$0xFFFFFFE0];
	_ =	sdelay $0x4  }
0x7c: {  	v1 =	vand.u32 $0xFF, v0;
	v2 =	vshra.s32 v0, $0x18;
	v3 =	vshrl.u32 v0, $0x1  }
0x7d: {  	v4 =	vshrl.u32 v0, $0x10;
	v5 =	vshrl.u32 v0, $0xD;
	v1 =	vmul.u32 $0x8800, v1  }
0x7e: {  	v0 =	vand.u32 $0xF800, v0;
	v2 =	vmul.u32 $0x448800, v2  }
0x7f: {  	v0 =	vadd.s32 v0, v1  }
0x80: {  	v1 =	vand.u32 $0x380, v3;
	v0 =	vadd.s32 v2, v0  }
0x81: {  	v2 =	vand.u32 $0x7F, v4;
	v0 =	vor.u32 v1, v0  }
0x82: {  	v1 =	vand.u32 $0x400, v5;
	v0 =	vor.u32 v2, v0  }
0x83: {  	v0 =	vor.u32 v1, v0  }
0x84: {  	[tilespmem:s28+$0xFFFFFFE0] =	vst v0  }
0x85: {  	v0 =	vld [tilespmem:s26+$0xFFFFFFF0];
	_ =	sdelay $0x4  }
0x86: {  	v1 =	vand.u32 $0xFF, v0;
	v2 =	vshra.s32 v0, $0x18;
	v3 =	vshrl.u32 v0, $0x1  }
0x87: {  	v4 =	vshrl.u32 v0, $0x10;
	v5 =	vshrl.u32 v0, $0xD;
	v1 =	vmul.u32 $0x8800, v1  }
0x88: {  	v0 =	vand.u32 $0xF800, v0;
	v2 =	vmul.u32 $0x448800, v2  }
0x89: {  	v0 =	vadd.s32 v0, v1  }
0x8a: {  	v1 =	vand.u32 $0x380, v3;
	v0 =	vadd.s32 v2, v0  }
0x8b: {  	v2 =	vand.u32 $0x7F, v4;
	v0 =	vor.u32 v1, v0  }
0x8c: {  	v1 =	vand.u32 $0x400, v5;
	v0 =	vor.u32 v2, v0  }
0x8d: {  	v0 =	vor.u32 v1, v0  }
0x8e: {  	[tilespmem:s28+$0xFFFFFFF0] =	vst v0  }
0x8f: {  	v0 =	vld [tilespmem:s26+$0x0];
	_ =	sdelay $0x4  }
0x90: {  	v1 =	vand.u32 $0xFF, v0;
	v2 =	vshra.s32 v0, $0x18;
	v3 =	vshrl.u32 v0, $0x1  }
0x91: {  	v4 =	vshrl.u32 v0, $0x10;
	v5 =	vshrl.u32 v0, $0xD;
	v1 =	vmul.u32 $0x8800, v1  }
0x92: {  	v0 =	vand.u32 $0xF800, v0;
	v2 =	vmul.u32 $0x448800, v2  }
0x93: {  	v0 =	vadd.s32 v0, v1  }
0x94: {  	v1 =	vand.u32 $0x380, v3;
	v0 =	vadd.s32 v2, v0  }
0x95: {  	v2 =	vand.u32 $0x7F, v4;
	v0 =	vor.u32 v1, v0  }
0x96: {  	v1 =	vand.u32 $0x400, v5;
	v0 =	vor.u32 v2, v0  }
0x97: {  	v0 =	vor.u32 v1, v0  }
0x98: {  	[tilespmem:s28+$0x0] =	vst v0  }
0x99: {  	v0 =	vld [tilespmem:s26+$0x10];
	_ =	sdelay $0x4  }
0x9a: {  	v1 =	vand.u32 $0xFF, v0;
	v2 =	vshra.s32 v0, $0x18;
	v3 =	vshrl.u32 v0, $0x1  }
0x9b: {  	v4 =	vshrl.u32 v0, $0x10;
	v5 =	vshrl.u32 v0, $0xD;
	v1 =	vmul.u32 $0x8800, v1  }
0x9c: {  	v0 =	vand.u32 $0xF800, v0;
	v2 =	vmul.u32 $0x448800, v2  }
0x9d: {  	v0 =	vadd.s32 v0, v1  }
0x9e: {  	v1 =	vand.u32 $0x380, v3;
	v0 =	vadd.s32 v2, v0  }
0x9f: {  	v2 =	vand.u32 $0x7F, v4;
	v0 =	vor.u32 v1, v0  }
0xa0: {  	v1 =	vand.u32 $0x400, v5;
	v0 =	vor.u32 v2, v0  }
0xa1: {  	v0 =	vor.u32 v1, v0  }
0xa2: {  	[tilespmem:s28+$0x10] =	vst v0  }
0xa3: {  	v0 =	vld [tilespmem:s26+$0x20];
	_ =	sdelay $0x4  }
0xa4: {  	v1 =	vand.u32 $0xFF, v0;
	v2 =	vshra.s32 v0, $0x18;
	v3 =	vshrl.u32 v0, $0x1  }
0xa5: {  	v4 =	vshrl.u32 v0, $0x10;
	v5 =	vshrl.u32 v0, $0xD;
	v1 =	vmul.u32 $0x8800, v1  }
0xa6: {  	v0 =	vand.u32 $0xF800, v0;
	v2 =	vmul.u32 $0x448800, v2  }
0xa7: {  	v0 =	vadd.s32 v0, v1  }
0xa8: {  	v1 =	vand.u32 $0x380, v3;
	v0 =	vadd.s32 v2, v0  }
0xa9: {  	v2 =	vand.u32 $0x7F, v4;
	v0 =	vor.u32 v1, v0  }
0xaa: {  	v1 =	vand.u32 $0x400, v5;
	v0 =	vor.u32 v2, v0  }
0xab: {  	v0 =	vor.u32 v1, v0  }
0xac: {  	[tilespmem:s28+$0x20] =	vst v0  }
0xad: {  	v0 =	vld [tilespmem:s26+$0x30];
	_ =	sdelay $0x4  }
0xae: {  	v1 =	vand.u32 $0xFF, v0;
	v2 =	vshra.s32 v0, $0x18;
	v3 =	vshrl.u32 v0, $0x1  }
0xaf: {  	v4 =	vshrl.u32 v0, $0x10;
	v5 =	vshrl.u32 v0, $0xD;
	v1 =	vmul.u32 $0x8800, v1  }
0xb0: {  	v0 =	vand.u32 $0xF800, v0;
	v2 =	vmul.u32 $0x448800, v2  }
.Ltmp0:
0xb1: {  	v0 =	vadd.s32 v0, v1;
	(pc) =	sbr.rel @p0 .LBB2_2-.Ltmp0, $4  }
0xb2: {  	v1 =	vand.u32 $0x380, v3;
	v0 =	vadd.s32 v2, v0  }
0xb3: {  	v2 =	vand.u32 $0x7F, v4;
	v0 =	vor.u32 v1, v0  }
0xb4: {  	v1 =	vand.u32 $0x400, v5;
	v0 =	vor.u32 v2, v0  }
0xb5: {  	v0 =	vor.u32 v1, v0  }
0xb6: {  	[tilespmem:s28+$0x30] =	vst v0  }
0xb7: {  	[tilespmem:s16], [sflag:$0x3] =	stream.indirect.gather [hbm4b:s3+s13], $0x1, s15, s13, $0xb8;
	[tilespmem:$0x10000] =	vst v63  }
0xb8: {  	_ = 	snop  }
0xb9: {  	[tilespmem:s2], [sflag:$0x1] =	stream.linear.gather [hbm4b:s6+s2], $0x2000, $0x38;
	[tilespmem:$0x10000] =	vst v63  }
0xba: {  	_ =	swait.ge [sflag:s17], $0x2000  }
0xbb: {  	[sflag:s17] =	ssyncset.done $0x0  }
0xbc: {  	s26 =	simm.s32 $0x2040;
	[sflag:s17] =	ssyncadd.s32 $0xFFFFE000  }
0xbd: {  	v0 =	vld [tilespmem:s26+$0xFFFFFFC0];
	_ =	sdelay $0x4  }
0xbe: {  	v1 =	vand.u32 $0xFF, v0  }
0xbf: {  	v2 =	vshra.s32 v0, $0x18;
	v1 =	vmul.u32 $0x8800, v1  }
0xc0: {  	v3 =	vand.u32 $0xF800, v0;
	v2 =	vmul.u32 $0x448800, v2  }
0xc1: {  	v4 =	vshrl.u32 v0, $0x1;
	v1 =	vadd.s32 v3, v1  }
0xc2: {  	v3 =	vshrl.u32 v0, $0x10;
	v1 =	vadd.s32 v2, v1;
	v2 =	vand.u32 $0x380, v4  }
0xc3: {  	v0 =	vshrl.u32 v0, $0xD;
	v3 =	vand.u32 $0x7F, v3;
	v1 =	vor.u32 v2, v1  }
0xc4: {  	v0 =	vand.u32 $0x400, v0;
	v1 =	vor.u32 v3, v1  }
0xc5: {  	s28 =	simm.s32 $0x6040;
	v0 =	vor.u32 v0, v1  }
0xc6: {  	[tilespmem:s28+$0xFFFFFFC0] =	vst v0  }
0xc7: {  	v0 =	vld [tilespmem:s26+$0xFFFFFFD0];
	_ =	sdelay $0x4  }
0xc8: {  	v1 =	vand.u32 $0xFF, v0  }
0xc9: {  	v2 =	vshra.s32 v0, $0x18;
	v1 =	vmul.u32 $0x8800, v1  }
0xca: {  	v3 =	vand.u32 $0xF800, v0;
	v2 =	vmul.u32 $0x448800, v2  }
0xcb: {  	v57 =	vshrl.u32 v0, $0x1;
	v1 =	vadd.s32 v3, v1  }
0xcc: {  	v3 =	vshrl.u32 v0, $0x10;
	v1 =	vadd.s32 v2, v1;
	v2 =	vand.u32 $0x380, v57  }
0xcd: {  	v0 =	vshrl.u32 v0, $0xD;
	v3 =	vand.u32 $0x7F, v3;
	v1 =	vor.u32 v2, v1  }
0xce: {  	v0 =	vand.u32 $0x400, v0;
	v1 =	vor.u32 v3, v1  }
0xcf: {  	v0 =	vor.u32 v0, v1  }
0xd0: {  	[tilespmem:s28+$0xFFFFFFD0] =	vst v0  }
0xd1: {  	v0 =	vld [tilespmem:s26+$0xFFFFFFE0];
	_ =	sdelay $0x4  }
0xd2: {  	v1 =	vand.u32 $0xFF, v0  }
0xd3: {  	v2 =	vshra.s32 v0, $0x18;
	v1 =	vmul.u32 $0x8800, v1  }
0xd4: {  	v3 =	vand.u32 $0xF800, v0;
	v2 =	vmul.u32 $0x448800, v2  }
0xd5: {  	v58 =	vshrl.u32 v0, $0x1;
	v1 =	vadd.s32 v3, v1  }
0xd6: {  	v3 =	vshrl.u32 v0, $0x10;
	v1 =	vadd.s32 v2, v1;
	v2 =	vand.u32 $0x380, v58  }
0xd7: {  	v0 =	vshrl.u32 v0, $0xD;
	v3 =	vand.u32 $0x7F, v3;
	v1 =	vor.u32 v2, v1  }
0xd8: {  	v0 =	vand.u32 $0x400, v0;
	v1 =	vor.u32 v3, v1  }
0xd9: {  	v0 =	vor.u32 v0, v1  }
0xda: {  	[tilespmem:s28+$0xFFFFFFE0] =	vst v0  }
0xdb: {  	v0 =	vld [tilespmem:s26+$0xFFFFFFF0];
	_ =	sdelay $0x4  }
0xdc: {  	v1 =	vand.u32 $0xFF, v0  }
0xdd: {  	v2 =	vshra.s32 v0, $0x18;
	v1 =	vmul.u32 $0x8800, v1  }
0xde: {  	v3 =	vand.u32 $0xF800, v0;
	v2 =	vmul.u32 $0x448800, v2  }
0xdf: {  	v59 =	vshrl.u32 v0, $0x1;
	v1 =	vadd.s32 v3, v1  }
0xe0: {  	v3 =	vshrl.u32 v0, $0x10;
	v1 =	vadd.s32 v2, v1;
	v2 =	vand.u32 $0x380, v59  }
0xe1: {  	v0 =	vshrl.u32 v0, $0xD;
	v3 =	vand.u32 $0x7F, v3;
	v1 =	vor.u32 v2, v1  }
0xe2: {  	v0 =	vand.u32 $0x400, v0;
	v1 =	vor.u32 v3, v1  }
0xe3: {  	v0 =	vor.u32 v0, v1  }
0xe4: {  	[tilespmem:s28+$0xFFFFFFF0] =	vst v0  }
0xe5: {  	v0 =	vld [tilespmem:s26+$0x0];
	_ =	sdelay $0x4  }
0xe6: {  	v1 =	vand.u32 $0xFF, v0  }
0xe7: {  	v2 =	vshra.s32 v0, $0x18;
	v1 =	vmul.u32 $0x8800, v1  }
0xe8: {  	v3 =	vand.u32 $0xF800, v0;
	v2 =	vmul.u32 $0x448800, v2  }
0xe9: {  	v60 =	vshrl.u32 v0, $0x1;
	v1 =	vadd.s32 v3, v1  }
0xea: {  	v3 =	vshrl.u32 v0, $0x10;
	v1 =	vadd.s32 v2, v1;
	v2 =	vand.u32 $0x380, v60  }
0xeb: {  	v0 =	vshrl.u32 v0, $0xD;
	v3 =	vand.u32 $0x7F, v3;
	v1 =	vor.u32 v2, v1  }
0xec: {  	v0 =	vand.u32 $0x400, v0;
	v1 =	vor.u32 v3, v1  }
0xed: {  	v0 =	vor.u32 v0, v1  }
0xee: {  	[tilespmem:s28+$0x0] =	vst v0  }
0xef: {  	v0 =	vld [tilespmem:s26+$0x10];
	_ =	sdelay $0x4  }
0xf0: {  	v1 =	vand.u32 $0xFF, v0  }
0xf1: {  	v2 =	vshra.s32 v0, $0x18;
	v1 =	vmul.u32 $0x8800, v1  }
0xf2: {  	v3 =	vand.u32 $0xF800, v0;
	v2 =	vmul.u32 $0x448800, v2  }
0xf3: {  	v61 =	vshrl.u32 v0, $0x1;
	v1 =	vadd.s32 v3, v1  }
0xf4: {  	v3 =	vshrl.u32 v0, $0x10;
	v1 =	vadd.s32 v2, v1;
	v2 =	vand.u32 $0x380, v61  }
0xf5: {  	v0 =	vshrl.u32 v0, $0xD;
	v3 =	vand.u32 $0x7F, v3;
	v1 =	vor.u32 v2, v1  }
0xf6: {  	v0 =	vand.u32 $0x400, v0;
	v1 =	vor.u32 v3, v1  }
0xf7: {  	v0 =	vor.u32 v0, v1  }
0xf8: {  	[tilespmem:s28+$0x10] =	vst v0  }
0xf9: {  	v0 =	vld [tilespmem:s26+$0x20];
	_ =	sdelay $0x4  }
0xfa: {  	v1 =	vand.u32 $0xFF, v0  }
0xfb: {  	v2 =	vshra.s32 v0, $0x18;
	v1 =	vmul.u32 $0x8800, v1  }
0xfc: {  	v3 =	vand.u32 $0xF800, v0;
	v2 =	vmul.u32 $0x448800, v2  }
0xfd: {  	v62 =	vshrl.u32 v0, $0x1;
	v1 =	vadd.s32 v3, v1  }
0xfe: {  	v3 =	vshrl.u32 v0, $0x10;
	v1 =	vadd.s32 v2, v1;
	v2 =	vand.u32 $0x380, v62  }
0xff: {  	v0 =	vshrl.u32 v0, $0xD;
	v3 =	vand.u32 $0x7F, v3;
	v1 =	vor.u32 v2, v1  }
0x100: {  	v0 =	vand.u32 $0x400, v0;
	v1 =	vor.u32 v3, v1  }
0x101: {  	v0 =	vor.u32 v0, v1  }
0x102: {  	[tilespmem:s28+$0x20] =	vst v0  }
0x103: {  	v0 =	vld [tilespmem:s26+$0x30];
	_ =	sdelay $0x4  }
0x104: {  	v1 =	vand.u32 $0xFF, v0  }
0x105: {  	v2 =	vshra.s32 v0, $0x18;
	v1 =	vmul.u32 $0x8800, v1  }
0x106: {  	v3 =	vand.u32 $0xF800, v0;
	v2 =	vmul.u32 $0x448800, v2  }
0x107: {  	v63 =	vshrl.u32 v0, $0x1;
	v1 =	vadd.s32 v3, v1  }
0x108: {  	v3 =	vshrl.u32 v0, $0x10;
	v1 =	vadd.s32 v2, v1;
	v2 =	vand.u32 $0x380, v63  }
0x109: {  	v0 =	vshrl.u32 v0, $0xD;
	v3 =	vand.u32 $0x7F, v3;
	v1 =	vor.u32 v2, v1  }
0x10a: {  	v0 =	vand.u32 $0x400, v0;
	v1 =	vor.u32 v3, v1  }
0x10b: {  	s29 =	simm.s32 $0x0;
	v0 =	vor.u32 v0, v1  }
.LBB2_4:
0x10c: {  	s29 =	sadd.s32 $0x8, s29;
	[tilespmem:s28+$0x30] =	vst v0;
	s26 =	sadd.s32 $0x80, s26;
	s28 =	sadd.s32 $0x80, s28  }
0x10d: {  	v0 =	vld [tilespmem:s26+$0xFFFFFFC0];
	p0 =	slt.u32 s29, $0x1F8;
	_ =	sdelay $0x4  }
0x10e: {  	v1 =	vand.u32 $0xFF, v0;
	v2 =	vshra.s32 v0, $0x18;
	v3 =	vshrl.u32 v0, $0x1  }
0x10f: {  	v4 =	vshrl.u32 v0, $0x10;
	v5 =	vshrl.u32 v0, $0xD;
	v1 =	vmul.u32 $0x8800, v1  }
0x110: {  	v0 =	vand.u32 $0xF800, v0;
	v2 =	vmul.u32 $0x448800, v2  }
0x111: {  	v0 =	vadd.s32 v0, v1  }
0x112: {  	v1 =	vand.u32 $0x380, v3;
	v0 =	vadd.s32 v2, v0  }
0x113: {  	v2 =	vand.u32 $0x7F, v4;
	v0 =	vor.u32 v1, v0  }
0x114: {  	v1 =	vand.u32 $0x400, v5;
	v0 =	vor.u32 v2, v0  }
0x115: {  	v0 =	vor.u32 v1, v0  }
0x116: {  	[tilespmem:s28+$0xFFFFFFC0] =	vst v0  }
0x117: {  	v0 =	vld [tilespmem:s26+$0xFFFFFFD0];
	_ =	sdelay $0x4  }
0x118: {  	v1 =	vand.u32 $0xFF, v0;
	v2 =	vshra.s32 v0, $0x18;
	v3 =	vshrl.u32 v0, $0x1  }
0x119: {  	v4 =	vshrl.u32 v0, $0x10;
	v5 =	vshrl.u32 v0, $0xD;
	v1 =	vmul.u32 $0x8800, v1  }
0x11a: {  	v0 =	vand.u32 $0xF800, v0;
	v2 =	vmul.u32 $0x448800, v2  }
0x11b: {  	v0 =	vadd.s32 v0, v1  }
0x11c: {  	v1 =	vand.u32 $0x380, v3;
	v0 =	vadd.s32 v2, v0  }
0x11d: {  	v2 =	vand.u32 $0x7F, v4;
	v0 =	vor.u32 v1, v0  }
0x11e: {  	v1 =	vand.u32 $0x400, v5;
	v0 =	vor.u32 v2, v0  }
0x11f: {  	v0 =	vor.u32 v1, v0  }
0x120: {  	[tilespmem:s28+$0xFFFFFFD0] =	vst v0  }
0x121: {  	v0 =	vld [tilespmem:s26+$0xFFFFFFE0];
	_ =	sdelay $0x4  }
0x122: {  	v1 =	vand.u32 $0xFF, v0;
	v2 =	vshra.s32 v0, $0x18;
	v3 =	vshrl.u32 v0, $0x1  }
0x123: {  	v4 =	vshrl.u32 v0, $0x10;
	v5 =	vshrl.u32 v0, $0xD;
	v1 =	vmul.u32 $0x8800, v1  }
0x124: {  	v0 =	vand.u32 $0xF800, v0;
	v2 =	vmul.u32 $0x448800, v2  }
0x125: {  	v0 =	vadd.s32 v0, v1  }
0x126: {  	v1 =	vand.u32 $0x380, v3;
	v0 =	vadd.s32 v2, v0  }
0x127: {  	v2 =	vand.u32 $0x7F, v4;
	v0 =	vor.u32 v1, v0  }
0x128: {  	v1 =	vand.u32 $0x400, v5;
	v0 =	vor.u32 v2, v0  }
0x129: {  	v0 =	vor.u32 v1, v0  }
0x12a: {  	[tilespmem:s28+$0xFFFFFFE0] =	vst v0  }
0x12b: {  	v0 =	vld [tilespmem:s26+$0xFFFFFFF0];
	_ =	sdelay $0x4  }
0x12c: {  	v1 =	vand.u32 $0xFF, v0;
	v2 =	vshra.s32 v0, $0x18;
	v3 =	vshrl.u32 v0, $0x1  }
0x12d: {  	v4 =	vshrl.u32 v0, $0x10;
	v5 =	vshrl.u32 v0, $0xD;
	v1 =	vmul.u32 $0x8800, v1  }
0x12e: {  	v0 =	vand.u32 $0xF800, v0;
	v2 =	vmul.u32 $0x448800, v2  }
0x12f: {  	v0 =	vadd.s32 v0, v1  }
0x130: {  	v1 =	vand.u32 $0x380, v3;
	v0 =	vadd.s32 v2, v0  }
0x131: {  	v2 =	vand.u32 $0x7F, v4;
	v0 =	vor.u32 v1, v0  }
0x132: {  	v1 =	vand.u32 $0x400, v5;
	v0 =	vor.u32 v2, v0  }
0x133: {  	v0 =	vor.u32 v1, v0  }
0x134: {  	[tilespmem:s28+$0xFFFFFFF0] =	vst v0  }
0x135: {  	v0 =	vld [tilespmem:s26+$0x0];
	_ =	sdelay $0x4  }
0x136: {  	v1 =	vand.u32 $0xFF, v0;
	v2 =	vshra.s32 v0, $0x18;
	v3 =	vshrl.u32 v0, $0x1  }
0x137: {  	v4 =	vshrl.u32 v0, $0x10;
	v5 =	vshrl.u32 v0, $0xD;
	v1 =	vmul.u32 $0x8800, v1  }
0x138: {  	v0 =	vand.u32 $0xF800, v0;
	v2 =	vmul.u32 $0x448800, v2  }
0x139: {  	v0 =	vadd.s32 v0, v1  }
0x13a: {  	v1 =	vand.u32 $0x380, v3;
	v0 =	vadd.s32 v2, v0  }
0x13b: {  	v2 =	vand.u32 $0x7F, v4;
	v0 =	vor.u32 v1, v0  }
0x13c: {  	v1 =	vand.u32 $0x400, v5;
	v0 =	vor.u32 v2, v0  }
0x13d: {  	v0 =	vor.u32 v1, v0  }
0x13e: {  	[tilespmem:s28+$0x0] =	vst v0  }
0x13f: {  	v0 =	vld [tilespmem:s26+$0x10];
	_ =	sdelay $0x4  }
0x140: {  	v1 =	vand.u32 $0xFF, v0;
	v2 =	vshra.s32 v0, $0x18;
	v3 =	vshrl.u32 v0, $0x1  }
0x141: {  	v4 =	vshrl.u32 v0, $0x10;
	v5 =	vshrl.u32 v0, $0xD;
	v1 =	vmul.u32 $0x8800, v1  }
0x142: {  	v0 =	vand.u32 $0xF800, v0;
	v2 =	vmul.u32 $0x448800, v2  }
0x143: {  	v0 =	vadd.s32 v0, v1  }
0x144: {  	v1 =	vand.u32 $0x380, v3;
	v0 =	vadd.s32 v2, v0  }
0x145: {  	v2 =	vand.u32 $0x7F, v4;
	v0 =	vor.u32 v1, v0  }
0x146: {  	v1 =	vand.u32 $0x400, v5;
	v0 =	vor.u32 v2, v0  }
0x147: {  	v0 =	vor.u32 v1, v0  }
0x148: {  	[tilespmem:s28+$0x10] =	vst v0  }
0x149: {  	v0 =	vld [tilespmem:s26+$0x20];
	_ =	sdelay $0x4  }
0x14a: {  	v1 =	vand.u32 $0xFF, v0;
	v2 =	vshra.s32 v0, $0x18;
	v3 =	vshrl.u32 v0, $0x1  }
0x14b: {  	v4 =	vshrl.u32 v0, $0x10;
	v5 =	vshrl.u32 v0, $0xD;
	v1 =	vmul.u32 $0x8800, v1  }
0x14c: {  	v0 =	vand.u32 $0xF800, v0;
	v2 =	vmul.u32 $0x448800, v2  }
0x14d: {  	v0 =	vadd.s32 v0, v1  }
0x14e: {  	v1 =	vand.u32 $0x380, v3;
	v0 =	vadd.s32 v2, v0  }
0x14f: {  	v2 =	vand.u32 $0x7F, v4;
	v0 =	vor.u32 v1, v0  }
0x150: {  	v1 =	vand.u32 $0x400, v5;
	v0 =	vor.u32 v2, v0  }
0x151: {  	v0 =	vor.u32 v1, v0  }
0x152: {  	[tilespmem:s28+$0x20] =	vst v0  }
0x153: {  	v0 =	vld [tilespmem:s26+$0x30];
	_ =	sdelay $0x4  }
0x154: {  	v1 =	vand.u32 $0xFF, v0;
	v2 =	vshra.s32 v0, $0x18;
	v3 =	vshrl.u32 v0, $0x1  }
0x155: {  	v4 =	vshrl.u32 v0, $0x10;
	v5 =	vshrl.u32 v0, $0xD;
	v1 =	vmul.u32 $0x8800, v1  }
0x156: {  	v0 =	vand.u32 $0xF800, v0;
	v2 =	vmul.u32 $0x448800, v2  }
.Ltmp1:
0x157: {  	v0 =	vadd.s32 v0, v1;
	(pc) =	sbr.rel @p0 .LBB2_4-.Ltmp1, $4  }
0x158: {  	v1 =	vand.u32 $0x380, v3;
	v0 =	vadd.s32 v2, v0  }
0x159: {  	v2 =	vand.u32 $0x7F, v4;
	v0 =	vor.u32 v1, v0  }
0x15a: {  	v1 =	vand.u32 $0x400, v5;
	v0 =	vor.u32 v2, v0  }
0x15b: {  	v0 =	vor.u32 v1, v0  }
0x15c: {  	[tilespmem:s28+$0x30] =	vst v0  }
0x15d: {  	[tilespmem:s19], [sflag:$0x4] =	stream.indirect.gather [hbm4b:s3+s13], $0x1, s18, s13, $0xb8;
	[tilespmem:$0x10000] =	vst v63  }
0x15e: {  	_ = 	snop  }
0x15f: {  	[tilespmem:s13], [sflag:$0x2] =	stream.linear.gather [hbm4b:s7+s2], $0x2000, $0x38;
	[tilespmem:$0x10000] =	vst v63  }
0x160: {  	_ =	swait.ge [sflag:s20], $0x2000  }
0x161: {  	[sflag:s20] =	ssyncset.done $0x0  }
0x162: {  	[sflag:s20] =	ssyncadd.s32 $0xFFFFE000  }
0x163: {  	[hbm4b:s8+s2] =	stream.linear.scatter [tilespmem:s16], [sflag:$0x5], $0x2000, $0x38;
	[tilespmem:$0x10000] =	vst v63  }
0x164: {  	_ =	swait.ge [sflag:s14], $0x2000  }
0x165: {  	[sflag:s14] =	ssyncset.done $0x0  }
0x166: {  	s26 =	simm.s32 $0x40;
	[sflag:s14] =	ssyncadd.s32 $0xFFFFE000  }
0x167: {  	v0 =	vld [tilespmem:s26+$0xFFFFFFC0];
	_ =	sdelay $0x4  }
0x168: {  	v1 =	vand.u32 $0xFF, v0  }
0x169: {  	v2 =	vshra.s32 v0, $0x18;
	v1 =	vmul.u32 $0x8800, v1  }
0x16a: {  	v3 =	vand.u32 $0xF800, v0;
	v2 =	vmul.u32 $0x448800, v2  }
0x16b: {  	v4 =	vshrl.u32 v0, $0x1;
	v1 =	vadd.s32 v3, v1  }
0x16c: {  	v3 =	vshrl.u32 v0, $0x10;
	v1 =	vadd.s32 v2, v1;
	v2 =	vand.u32 $0x380, v4  }
0x16d: {  	v0 =	vshrl.u32 v0, $0xD;
	v3 =	vand.u32 $0x7F, v3;
	v1 =	vor.u32 v2, v1  }
0x16e: {  	v0 =	vand.u32 $0x400, v0;
	v1 =	vor.u32 v3, v1  }
0x16f: {  	s28 =	simm.s32 $0x4040;
	v0 =	vor.u32 v0, v1  }
0x170: {  	[tilespmem:s28+$0xFFFFFFC0] =	vst v0  }
0x171: {  	v0 =	vld [tilespmem:s26+$0xFFFFFFD0];
	_ =	sdelay $0x4  }
0x172: {  	v1 =	vand.u32 $0xFF, v0  }
0x173: {  	v2 =	vshra.s32 v0, $0x18;
	v1 =	vmul.u32 $0x8800, v1  }
0x174: {  	v3 =	vand.u32 $0xF800, v0;
	v2 =	vmul.u32 $0x448800, v2  }
0x175: {  	v57 =	vshrl.u32 v0, $0x1;
	v1 =	vadd.s32 v3, v1  }
0x176: {  	v3 =	vshrl.u32 v0, $0x10;
	v1 =	vadd.s32 v2, v1;
	v2 =	vand.u32 $0x380, v57  }
0x177: {  	v0 =	vshrl.u32 v0, $0xD;
	v3 =	vand.u32 $0x7F, v3;
	v1 =	vor.u32 v2, v1  }
0x178: {  	v0 =	vand.u32 $0x400, v0;
	v1 =	vor.u32 v3, v1  }
0x179: {  	v0 =	vor.u32 v0, v1  }
0x17a: {  	[tilespmem:s28+$0xFFFFFFD0] =	vst v0  }
0x17b: {  	v0 =	vld [tilespmem:s26+$0xFFFFFFE0];
	_ =	sdelay $0x4  }
0x17c: {  	v1 =	vand.u32 $0xFF, v0  }
0x17d: {  	v2 =	vshra.s32 v0, $0x18;
	v1 =	vmul.u32 $0x8800, v1  }
0x17e: {  	v3 =	vand.u32 $0xF800, v0;
	v2 =	vmul.u32 $0x448800, v2  }
0x17f: {  	v58 =	vshrl.u32 v0, $0x1;
	v1 =	vadd.s32 v3, v1  }
0x180: {  	v3 =	vshrl.u32 v0, $0x10;
	v1 =	vadd.s32 v2, v1;
	v2 =	vand.u32 $0x380, v58  }
0x181: {  	v0 =	vshrl.u32 v0, $0xD;
	v3 =	vand.u32 $0x7F, v3;
	v1 =	vor.u32 v2, v1  }
0x182: {  	v0 =	vand.u32 $0x400, v0;
	v1 =	vor.u32 v3, v1  }
0x183: {  	v0 =	vor.u32 v0, v1  }
0x184: {  	[tilespmem:s28+$0xFFFFFFE0] =	vst v0  }
0x185: {  	v0 =	vld [tilespmem:s26+$0xFFFFFFF0];
	_ =	sdelay $0x4  }
0x186: {  	v1 =	vand.u32 $0xFF, v0  }
0x187: {  	v2 =	vshra.s32 v0, $0x18;
	v1 =	vmul.u32 $0x8800, v1  }
0x188: {  	v3 =	vand.u32 $0xF800, v0;
	v2 =	vmul.u32 $0x448800, v2  }
0x189: {  	v59 =	vshrl.u32 v0, $0x1;
	v1 =	vadd.s32 v3, v1  }
0x18a: {  	v3 =	vshrl.u32 v0, $0x10;
	v1 =	vadd.s32 v2, v1;
	v2 =	vand.u32 $0x380, v59  }
0x18b: {  	v0 =	vshrl.u32 v0, $0xD;
	v3 =	vand.u32 $0x7F, v3;
	v1 =	vor.u32 v2, v1  }
0x18c: {  	v0 =	vand.u32 $0x400, v0;
	v1 =	vor.u32 v3, v1  }
0x18d: {  	v0 =	vor.u32 v0, v1  }
0x18e: {  	[tilespmem:s28+$0xFFFFFFF0] =	vst v0  }
0x18f: {  	v0 =	vld [tilespmem:s26+$0x0];
	_ =	sdelay $0x4  }
0x190: {  	v1 =	vand.u32 $0xFF, v0  }
0x191: {  	v2 =	vshra.s32 v0, $0x18;
	v1 =	vmul.u32 $0x8800, v1  }
0x192: {  	v3 =	vand.u32 $0xF800, v0;
	v2 =	vmul.u32 $0x448800, v2  }
0x193: {  	v60 =	vshrl.u32 v0, $0x1;
	v1 =	vadd.s32 v3, v1  }
0x194: {  	v3 =	vshrl.u32 v0, $0x10;
	v1 =	vadd.s32 v2, v1;
	v2 =	vand.u32 $0x380, v60  }
0x195: {  	v0 =	vshrl.u32 v0, $0xD;
	v3 =	vand.u32 $0x7F, v3;
	v1 =	vor.u32 v2, v1  }
0x196: {  	v0 =	vand.u32 $0x400, v0;
	v1 =	vor.u32 v3, v1  }
0x197: {  	v0 =	vor.u32 v0, v1  }
0x198: {  	[tilespmem:s28+$0x0] =	vst v0  }
0x199: {  	v0 =	vld [tilespmem:s26+$0x10];
	_ =	sdelay $0x4  }
0x19a: {  	v1 =	vand.u32 $0xFF, v0  }
0x19b: {  	v2 =	vshra.s32 v0, $0x18;
	v1 =	vmul.u32 $0x8800, v1  }
0x19c: {  	v3 =	vand.u32 $0xF800, v0;
	v2 =	vmul.u32 $0x448800, v2  }
0x19d: {  	v61 =	vshrl.u32 v0, $0x1;
	v1 =	vadd.s32 v3, v1  }
0x19e: {  	v3 =	vshrl.u32 v0, $0x10;
	v1 =	vadd.s32 v2, v1;
	v2 =	vand.u32 $0x380, v61  }
0x19f: {  	v0 =	vshrl.u32 v0, $0xD;
	v3 =	vand.u32 $0x7F, v3;
	v1 =	vor.u32 v2, v1  }
0x1a0: {  	v0 =	vand.u32 $0x400, v0;
	v1 =	vor.u32 v3, v1  }
0x1a1: {  	v0 =	vor.u32 v0, v1  }
0x1a2: {  	[tilespmem:s28+$0x10] =	vst v0  }
0x1a3: {  	v0 =	vld [tilespmem:s26+$0x20];
	_ =	sdelay $0x4  }
0x1a4: {  	v1 =	vand.u32 $0xFF, v0  }
0x1a5: {  	v2 =	vshra.s32 v0, $0x18;
	v1 =	vmul.u32 $0x8800, v1  }
0x1a6: {  	v3 =	vand.u32 $0xF800, v0;
	v2 =	vmul.u32 $0x448800, v2  }
0x1a7: {  	v62 =	vshrl.u32 v0, $0x1;
	v1 =	vadd.s32 v3, v1  }
0x1a8: {  	v3 =	vshrl.u32 v0, $0x10;
	v1 =	vadd.s32 v2, v1;
	v2 =	vand.u32 $0x380, v62  }
0x1a9: {  	v0 =	vshrl.u32 v0, $0xD;
	v3 =	vand.u32 $0x7F, v3;
	v1 =	vor.u32 v2, v1  }
0x1aa: {  	v0 =	vand.u32 $0x400, v0;
	v1 =	vor.u32 v3, v1  }
0x1ab: {  	v0 =	vor.u32 v0, v1  }
0x1ac: {  	[tilespmem:s28+$0x20] =	vst v0  }
0x1ad: {  	v0 =	vld [tilespmem:s26+$0x30];
	_ =	sdelay $0x4  }
0x1ae: {  	v1 =	vand.u32 $0xFF, v0  }
0x1af: {  	v2 =	vshra.s32 v0, $0x18;
	v1 =	vmul.u32 $0x8800, v1  }
0x1b0: {  	v3 =	vand.u32 $0xF800, v0;
	v2 =	vmul.u32 $0x448800, v2  }
0x1b1: {  	v63 =	vshrl.u32 v0, $0x1;
	v1 =	vadd.s32 v3, v1  }
0x1b2: {  	v3 =	vshrl.u32 v0, $0x10;
	v1 =	vadd.s32 v2, v1;
	v2 =	vand.u32 $0x380, v63  }
0x1b3: {  	v0 =	vshrl.u32 v0, $0xD;
	v3 =	vand.u32 $0x7F, v3;
	v1 =	vor.u32 v2, v1  }
0x1b4: {  	v0 =	vand.u32 $0x400, v0;
	v1 =	vor.u32 v3, v1  }
0x1b5: {  	s29 =	simm.s32 $0x0;
	v0 =	vor.u32 v0, v1  }
.LBB2_6:
0x1b6: {  	s29 =	sadd.s32 $0x8, s29;
	[tilespmem:s28+$0x30] =	vst v0;
	s26 =	sadd.s32 $0x80, s26;
	s28 =	sadd.s32 $0x80, s28  }
0x1b7: {  	v0 =	vld [tilespmem:s26+$0xFFFFFFC0];
	p0 =	slt.u32 s29, $0x1F8;
	_ =	sdelay $0x4  }
0x1b8: {  	v1 =	vand.u32 $0xFF, v0;
	v2 =	vshra.s32 v0, $0x18;
	v3 =	vshrl.u32 v0, $0x1  }
0x1b9: {  	v4 =	vshrl.u32 v0, $0x10;
	v5 =	vshrl.u32 v0, $0xD;
	v1 =	vmul.u32 $0x8800, v1  }
0x1ba: {  	v0 =	vand.u32 $0xF800, v0;
	v2 =	vmul.u32 $0x448800, v2  }
0x1bb: {  	v0 =	vadd.s32 v0, v1  }
0x1bc: {  	v1 =	vand.u32 $0x380, v3;
	v0 =	vadd.s32 v2, v0  }
0x1bd: {  	v2 =	vand.u32 $0x7F, v4;
	v0 =	vor.u32 v1, v0  }
0x1be: {  	v1 =	vand.u32 $0x400, v5;
	v0 =	vor.u32 v2, v0  }
0x1bf: {  	v0 =	vor.u32 v1, v0  }
0x1c0: {  	[tilespmem:s28+$0xFFFFFFC0] =	vst v0  }
0x1c1: {  	v0 =	vld [tilespmem:s26+$0xFFFFFFD0];
	_ =	sdelay $0x4  }
0x1c2: {  	v1 =	vand.u32 $0xFF, v0;
	v2 =	vshra.s32 v0, $0x18;
	v3 =	vshrl.u32 v0, $0x1  }
0x1c3: {  	v4 =	vshrl.u32 v0, $0x10;
	v5 =	vshrl.u32 v0, $0xD;
	v1 =	vmul.u32 $0x8800, v1  }
0x1c4: {  	v0 =	vand.u32 $0xF800, v0;
	v2 =	vmul.u32 $0x448800, v2  }
0x1c5: {  	v0 =	vadd.s32 v0, v1  }
0x1c6: {  	v1 =	vand.u32 $0x380, v3;
	v0 =	vadd.s32 v2, v0  }
0x1c7: {  	v2 =	vand.u32 $0x7F, v4;
	v0 =	vor.u32 v1, v0  }
0x1c8: {  	v1 =	vand.u32 $0x400, v5;
	v0 =	vor.u32 v2, v0  }
0x1c9: {  	v0 =	vor.u32 v1, v0  }
0x1ca: {  	[tilespmem:s28+$0xFFFFFFD0] =	vst v0  }
0x1cb: {  	v0 =	vld [tilespmem:s26+$0xFFFFFFE0];
	_ =	sdelay $0x4  }
0x1cc: {  	v1 =	vand.u32 $0xFF, v0;
	v2 =	vshra.s32 v0, $0x18;
	v3 =	vshrl.u32 v0, $0x1  }
0x1cd: {  	v4 =	vshrl.u32 v0, $0x10;
	v5 =	vshrl.u32 v0, $0xD;
	v1 =	vmul.u32 $0x8800, v1  }
0x1ce: {  	v0 =	vand.u32 $0xF800, v0;
	v2 =	vmul.u32 $0x448800, v2  }
0x1cf: {  	v0 =	vadd.s32 v0, v1  }
0x1d0: {  	v1 =	vand.u32 $0x380, v3;
	v0 =	vadd.s32 v2, v0  }
0x1d1: {  	v2 =	vand.u32 $0x7F, v4;
	v0 =	vor.u32 v1, v0  }
0x1d2: {  	v1 =	vand.u32 $0x400, v5;
	v0 =	vor.u32 v2, v0  }
0x1d3: {  	v0 =	vor.u32 v1, v0  }
0x1d4: {  	[tilespmem:s28+$0xFFFFFFE0] =	vst v0  }
0x1d5: {  	v0 =	vld [tilespmem:s26+$0xFFFFFFF0];
	_ =	sdelay $0x4  }
0x1d6: {  	v1 =	vand.u32 $0xFF, v0;
	v2 =	vshra.s32 v0, $0x18;
	v3 =	vshrl.u32 v0, $0x1  }
0x1d7: {  	v4 =	vshrl.u32 v0, $0x10;
	v5 =	vshrl.u32 v0, $0xD;
	v1 =	vmul.u32 $0x8800, v1  }
0x1d8: {  	v0 =	vand.u32 $0xF800, v0;
	v2 =	vmul.u32 $0x448800, v2  }
0x1d9: {  	v0 =	vadd.s32 v0, v1  }
0x1da: {  	v1 =	vand.u32 $0x380, v3;
	v0 =	vadd.s32 v2, v0  }
0x1db: {  	v2 =	vand.u32 $0x7F, v4;
	v0 =	vor.u32 v1, v0  }
0x1dc: {  	v1 =	vand.u32 $0x400, v5;
	v0 =	vor.u32 v2, v0  }
0x1dd: {  	v0 =	vor.u32 v1, v0  }
0x1de: {  	[tilespmem:s28+$0xFFFFFFF0] =	vst v0  }
0x1df: {  	v0 =	vld [tilespmem:s26+$0x0];
	_ =	sdelay $0x4  }
0x1e0: {  	v1 =	vand.u32 $0xFF, v0;
	v2 =	vshra.s32 v0, $0x18;
	v3 =	vshrl.u32 v0, $0x1  }
0x1e1: {  	v4 =	vshrl.u32 v0, $0x10;
	v5 =	vshrl.u32 v0, $0xD;
	v1 =	vmul.u32 $0x8800, v1  }
0x1e2: {  	v0 =	vand.u32 $0xF800, v0;
	v2 =	vmul.u32 $0x448800, v2  }
0x1e3: {  	v0 =	vadd.s32 v0, v1  }
0x1e4: {  	v1 =	vand.u32 $0x380, v3;
	v0 =	vadd.s32 v2, v0  }
0x1e5: {  	v2 =	vand.u32 $0x7F, v4;
	v0 =	vor.u32 v1, v0  }
0x1e6: {  	v1 =	vand.u32 $0x400, v5;
	v0 =	vor.u32 v2, v0  }
0x1e7: {  	v0 =	vor.u32 v1, v0  }
0x1e8: {  	[tilespmem:s28+$0x0] =	vst v0  }
0x1e9: {  	v0 =	vld [tilespmem:s26+$0x10];
	_ =	sdelay $0x4  }
0x1ea: {  	v1 =	vand.u32 $0xFF, v0;
	v2 =	vshra.s32 v0, $0x18;
	v3 =	vshrl.u32 v0, $0x1  }
0x1eb: {  	v4 =	vshrl.u32 v0, $0x10;
	v5 =	vshrl.u32 v0, $0xD;
	v1 =	vmul.u32 $0x8800, v1  }
0x1ec: {  	v0 =	vand.u32 $0xF800, v0;
	v2 =	vmul.u32 $0x448800, v2  }
0x1ed: {  	v0 =	vadd.s32 v0, v1  }
0x1ee: {  	v1 =	vand.u32 $0x380, v3;
	v0 =	vadd.s32 v2, v0  }
0x1ef: {  	v2 =	vand.u32 $0x7F, v4;
	v0 =	vor.u32 v1, v0  }
0x1f0: {  	v1 =	vand.u32 $0x400, v5;
	v0 =	vor.u32 v2, v0  }
0x1f1: {  	v0 =	vor.u32 v1, v0  }
0x1f2: {  	[tilespmem:s28+$0x10] =	vst v0  }
0x1f3: {  	v0 =	vld [tilespmem:s26+$0x20];
	_ =	sdelay $0x4  }
0x1f4: {  	v1 =	vand.u32 $0xFF, v0;
	v2 =	vshra.s32 v0, $0x18;
	v3 =	vshrl.u32 v0, $0x1  }
0x1f5: {  	v4 =	vshrl.u32 v0, $0x10;
	v5 =	vshrl.u32 v0, $0xD;
	v1 =	vmul.u32 $0x8800, v1  }
0x1f6: {  	v0 =	vand.u32 $0xF800, v0;
	v2 =	vmul.u32 $0x448800, v2  }
0x1f7: {  	v0 =	vadd.s32 v0, v1  }
0x1f8: {  	v1 =	vand.u32 $0x380, v3;
	v0 =	vadd.s32 v2, v0  }
0x1f9: {  	v2 =	vand.u32 $0x7F, v4;
	v0 =	vor.u32 v1, v0  }
0x1fa: {  	v1 =	vand.u32 $0x400, v5;
	v0 =	vor.u32 v2, v0  }
0x1fb: {  	v0 =	vor.u32 v1, v0  }
0x1fc: {  	[tilespmem:s28+$0x20] =	vst v0  }
0x1fd: {  	v0 =	vld [tilespmem:s26+$0x30];
	_ =	sdelay $0x4  }
0x1fe: {  	v1 =	vand.u32 $0xFF, v0;
	v2 =	vshra.s32 v0, $0x18;
	v3 =	vshrl.u32 v0, $0x1  }
0x1ff: {  	v4 =	vshrl.u32 v0, $0x10;
	v5 =	vshrl.u32 v0, $0xD;
	v1 =	vmul.u32 $0x8800, v1  }
0x200: {  	v0 =	vand.u32 $0xF800, v0;
	v2 =	vmul.u32 $0x448800, v2  }
.Ltmp2:
0x201: {  	v0 =	vadd.s32 v0, v1;
	(pc) =	sbr.rel @p0 .LBB2_6-.Ltmp2, $4  }
0x202: {  	v1 =	vand.u32 $0x380, v3;
	v0 =	vadd.s32 v2, v0  }
0x203: {  	v2 =	vand.u32 $0x7F, v4;
	v0 =	vor.u32 v1, v0  }
0x204: {  	v1 =	vand.u32 $0x400, v5;
	v0 =	vor.u32 v2, v0  }
0x205: {  	v0 =	vor.u32 v1, v0  }
0x206: {  	[tilespmem:s28+$0x30] =	vst v0  }
0x207: {  	[tilespmem:s21], [sflag:$0x3] =	stream.indirect.gather [hbm4b:s3+s13], $0x1, s15, s13, $0xb8;
	[tilespmem:$0x10000] =	vst v63  }
0x208: {  	_ =	swait.ge [sflag:s22], $0x2000  }
0x209: {  	[sflag:s22] =	ssyncset.done $0x0  }
0x20a: {  	[sflag:s22] =	ssyncadd.s32 $0xFFFFE000  }
0x20b: {  	[hbm4b:s9+s2] =	stream.linear.scatter [tilespmem:s19], [sflag:$0x5], $0x2000, $0x38;
	[tilespmem:$0x10000] =	vst v63  }
0x20c: {  	_ =	swait.ge [sflag:s17], $0x2000  }
0x20d: {  	[sflag:s17] =	ssyncset.done $0x0  }
0x20e: {  	s26 =	simm.s32 $0x2040;
	[sflag:s17] =	ssyncadd.s32 $0xFFFFE000  }
0x20f: {  	v0 =	vld [tilespmem:s26+$0xFFFFFFC0];
	_ =	sdelay $0x4  }
0x210: {  	v1 =	vand.u32 $0xFF, v0  }
0x211: {  	v2 =	vshra.s32 v0, $0x18;
	v1 =	vmul.u32 $0x8800, v1  }
0x212: {  	v3 =	vand.u32 $0xF800, v0;
	v2 =	vmul.u32 $0x448800, v2  }
0x213: {  	v4 =	vshrl.u32 v0, $0x1;
	v1 =	vadd.s32 v3, v1  }
0x214: {  	v3 =	vshrl.u32 v0, $0x10;
	v1 =	vadd.s32 v2, v1;
	v2 =	vand.u32 $0x380, v4  }
0x215: {  	v0 =	vshrl.u32 v0, $0xD;
	v3 =	vand.u32 $0x7F, v3;
	v1 =	vor.u32 v2, v1  }
0x216: {  	v0 =	vand.u32 $0x400, v0;
	v1 =	vor.u32 v3, v1  }
0x217: {  	s28 =	simm.s32 $0x6040;
	v0 =	vor.u32 v0, v1  }
0x218: {  	[tilespmem:s28+$0xFFFFFFC0] =	vst v0  }
0x219: {  	v0 =	vld [tilespmem:s26+$0xFFFFFFD0];
	_ =	sdelay $0x4  }
0x21a: {  	v1 =	vand.u32 $0xFF, v0  }
0x21b: {  	v2 =	vshra.s32 v0, $0x18;
	v1 =	vmul.u32 $0x8800, v1  }
0x21c: {  	v3 =	vand.u32 $0xF800, v0;
	v2 =	vmul.u32 $0x448800, v2  }
0x21d: {  	v57 =	vshrl.u32 v0, $0x1;
	v1 =	vadd.s32 v3, v1  }
0x21e: {  	v3 =	vshrl.u32 v0, $0x10;
	v1 =	vadd.s32 v2, v1;
	v2 =	vand.u32 $0x380, v57  }
0x21f: {  	v0 =	vshrl.u32 v0, $0xD;
	v3 =	vand.u32 $0x7F, v3;
	v1 =	vor.u32 v2, v1  }
0x220: {  	v0 =	vand.u32 $0x400, v0;
	v1 =	vor.u32 v3, v1  }
0x221: {  	v0 =	vor.u32 v0, v1  }
0x222: {  	[tilespmem:s28+$0xFFFFFFD0] =	vst v0  }
0x223: {  	v0 =	vld [tilespmem:s26+$0xFFFFFFE0];
	_ =	sdelay $0x4  }
0x224: {  	v1 =	vand.u32 $0xFF, v0  }
0x225: {  	v2 =	vshra.s32 v0, $0x18;
	v1 =	vmul.u32 $0x8800, v1  }
0x226: {  	v3 =	vand.u32 $0xF800, v0;
	v2 =	vmul.u32 $0x448800, v2  }
0x227: {  	v58 =	vshrl.u32 v0, $0x1;
	v1 =	vadd.s32 v3, v1  }
0x228: {  	v3 =	vshrl.u32 v0, $0x10;
	v1 =	vadd.s32 v2, v1;
	v2 =	vand.u32 $0x380, v58  }
0x229: {  	v0 =	vshrl.u32 v0, $0xD;
	v3 =	vand.u32 $0x7F, v3;
	v1 =	vor.u32 v2, v1  }
0x22a: {  	v0 =	vand.u32 $0x400, v0;
	v1 =	vor.u32 v3, v1  }
0x22b: {  	v0 =	vor.u32 v0, v1  }
0x22c: {  	[tilespmem:s28+$0xFFFFFFE0] =	vst v0  }
0x22d: {  	v0 =	vld [tilespmem:s26+$0xFFFFFFF0];
	_ =	sdelay $0x4  }
0x22e: {  	v1 =	vand.u32 $0xFF, v0  }
0x22f: {  	v2 =	vshra.s32 v0, $0x18;
	v1 =	vmul.u32 $0x8800, v1  }
0x230: {  	v3 =	vand.u32 $0xF800, v0;
	v2 =	vmul.u32 $0x448800, v2  }
0x231: {  	v59 =	vshrl.u32 v0, $0x1;
	v1 =	vadd.s32 v3, v1  }
0x232: {  	v3 =	vshrl.u32 v0, $0x10;
	v1 =	vadd.s32 v2, v1;
	v2 =	vand.u32 $0x380, v59  }
0x233: {  	v0 =	vshrl.u32 v0, $0xD;
	v3 =	vand.u32 $0x7F, v3;
	v1 =	vor.u32 v2, v1  }
0x234: {  	v0 =	vand.u32 $0x400, v0;
	v1 =	vor.u32 v3, v1  }
0x235: {  	v0 =	vor.u32 v0, v1  }
0x236: {  	[tilespmem:s28+$0xFFFFFFF0] =	vst v0  }
0x237: {  	v0 =	vld [tilespmem:s26+$0x0];
	_ =	sdelay $0x4  }
0x238: {  	v1 =	vand.u32 $0xFF, v0  }
0x239: {  	v2 =	vshra.s32 v0, $0x18;
	v1 =	vmul.u32 $0x8800, v1  }
0x23a: {  	v3 =	vand.u32 $0xF800, v0;
	v2 =	vmul.u32 $0x448800, v2  }
0x23b: {  	v60 =	vshrl.u32 v0, $0x1;
	v1 =	vadd.s32 v3, v1  }
0x23c: {  	v3 =	vshrl.u32 v0, $0x10;
	v1 =	vadd.s32 v2, v1;
	v2 =	vand.u32 $0x380, v60  }
0x23d: {  	v0 =	vshrl.u32 v0, $0xD;
	v3 =	vand.u32 $0x7F, v3;
	v1 =	vor.u32 v2, v1  }
0x23e: {  	v0 =	vand.u32 $0x400, v0;
	v1 =	vor.u32 v3, v1  }
0x23f: {  	v0 =	vor.u32 v0, v1  }
0x240: {  	[tilespmem:s28+$0x0] =	vst v0  }
0x241: {  	v0 =	vld [tilespmem:s26+$0x10];
	_ =	sdelay $0x4  }
0x242: {  	v1 =	vand.u32 $0xFF, v0  }
0x243: {  	v2 =	vshra.s32 v0, $0x18;
	v1 =	vmul.u32 $0x8800, v1  }
0x244: {  	v3 =	vand.u32 $0xF800, v0;
	v2 =	vmul.u32 $0x448800, v2  }
0x245: {  	v61 =	vshrl.u32 v0, $0x1;
	v1 =	vadd.s32 v3, v1  }
0x246: {  	v3 =	vshrl.u32 v0, $0x10;
	v1 =	vadd.s32 v2, v1;
	v2 =	vand.u32 $0x380, v61  }
0x247: {  	v0 =	vshrl.u32 v0, $0xD;
	v3 =	vand.u32 $0x7F, v3;
	v1 =	vor.u32 v2, v1  }
0x248: {  	v0 =	vand.u32 $0x400, v0;
	v1 =	vor.u32 v3, v1  }
0x249: {  	v0 =	vor.u32 v0, v1  }
0x24a: {  	[tilespmem:s28+$0x10] =	vst v0  }
0x24b: {  	v0 =	vld [tilespmem:s26+$0x20];
	_ =	sdelay $0x4  }
0x24c: {  	v1 =	vand.u32 $0xFF, v0  }
0x24d: {  	v2 =	vshra.s32 v0, $0x18;
	v1 =	vmul.u32 $0x8800, v1  }
0x24e: {  	v3 =	vand.u32 $0xF800, v0;
	v2 =	vmul.u32 $0x448800, v2  }
0x24f: {  	v62 =	vshrl.u32 v0, $0x1;
	v1 =	vadd.s32 v3, v1  }
0x250: {  	v3 =	vshrl.u32 v0, $0x10;
	v1 =	vadd.s32 v2, v1;
	v2 =	vand.u32 $0x380, v62  }
0x251: {  	v0 =	vshrl.u32 v0, $0xD;
	v3 =	vand.u32 $0x7F, v3;
	v1 =	vor.u32 v2, v1  }
0x252: {  	v0 =	vand.u32 $0x400, v0;
	v1 =	vor.u32 v3, v1  }
0x253: {  	v0 =	vor.u32 v0, v1  }
0x254: {  	[tilespmem:s28+$0x20] =	vst v0  }
0x255: {  	v0 =	vld [tilespmem:s26+$0x30];
	_ =	sdelay $0x4  }
0x256: {  	v1 =	vand.u32 $0xFF, v0  }
0x257: {  	v2 =	vshra.s32 v0, $0x18;
	v1 =	vmul.u32 $0x8800, v1  }
0x258: {  	v3 =	vand.u32 $0xF800, v0;
	v2 =	vmul.u32 $0x448800, v2  }
0x259: {  	v63 =	vshrl.u32 v0, $0x1;
	v1 =	vadd.s32 v3, v1  }
0x25a: {  	v3 =	vshrl.u32 v0, $0x10;
	v1 =	vadd.s32 v2, v1;
	v2 =	vand.u32 $0x380, v63  }
0x25b: {  	v0 =	vshrl.u32 v0, $0xD;
	v3 =	vand.u32 $0x7F, v3;
	v1 =	vor.u32 v2, v1  }
0x25c: {  	v0 =	vand.u32 $0x400, v0;
	v1 =	vor.u32 v3, v1  }
0x25d: {  	s29 =	simm.s32 $0x0;
	v0 =	vor.u32 v0, v1  }
.LBB2_8:
0x25e: {  	s29 =	sadd.s32 $0x8, s29;
	[tilespmem:s28+$0x30] =	vst v0;
	s26 =	sadd.s32 $0x80, s26;
	s28 =	sadd.s32 $0x80, s28  }
0x25f: {  	v0 =	vld [tilespmem:s26+$0xFFFFFFC0];
	p0 =	slt.u32 s29, $0x1F8;
	_ =	sdelay $0x4  }
0x260: {  	v1 =	vand.u32 $0xFF, v0;
	v2 =	vshra.s32 v0, $0x18;
	v3 =	vshrl.u32 v0, $0x1  }
0x261: {  	v4 =	vshrl.u32 v0, $0x10;
	v5 =	vshrl.u32 v0, $0xD;
	v1 =	vmul.u32 $0x8800, v1  }
0x262: {  	v0 =	vand.u32 $0xF800, v0;
	v2 =	vmul.u32 $0x448800, v2  }
0x263: {  	v0 =	vadd.s32 v0, v1  }
0x264: {  	v1 =	vand.u32 $0x380, v3;
	v0 =	vadd.s32 v2, v0  }
0x265: {  	v2 =	vand.u32 $0x7F, v4;
	v0 =	vor.u32 v1, v0  }
0x266: {  	v1 =	vand.u32 $0x400, v5;
	v0 =	vor.u32 v2, v0  }
0x267: {  	v0 =	vor.u32 v1, v0  }
0x268: {  	[tilespmem:s28+$0xFFFFFFC0] =	vst v0  }
0x269: {  	v0 =	vld [tilespmem:s26+$0xFFFFFFD0];
	_ =	sdelay $0x4  }
0x26a: {  	v1 =	vand.u32 $0xFF, v0;
	v2 =	vshra.s32 v0, $0x18;
	v3 =	vshrl.u32 v0, $0x1  }
0x26b: {  	v4 =	vshrl.u32 v0, $0x10;
	v5 =	vshrl.u32 v0, $0xD;
	v1 =	vmul.u32 $0x8800, v1  }
0x26c: {  	v0 =	vand.u32 $0xF800, v0;
	v2 =	vmul.u32 $0x448800, v2  }
0x26d: {  	v0 =	vadd.s32 v0, v1  }
0x26e: {  	v1 =	vand.u32 $0x380, v3;
	v0 =	vadd.s32 v2, v0  }
0x26f: {  	v2 =	vand.u32 $0x7F, v4;
	v0 =	vor.u32 v1, v0  }
0x270: {  	v1 =	vand.u32 $0x400, v5;
	v0 =	vor.u32 v2, v0  }
0x271: {  	v0 =	vor.u32 v1, v0  }
0x272: {  	[tilespmem:s28+$0xFFFFFFD0] =	vst v0  }
0x273: {  	v0 =	vld [tilespmem:s26+$0xFFFFFFE0];
	_ =	sdelay $0x4  }
0x274: {  	v1 =	vand.u32 $0xFF, v0;
	v2 =	vshra.s32 v0, $0x18;
	v3 =	vshrl.u32 v0, $0x1  }
0x275: {  	v4 =	vshrl.u32 v0, $0x10;
	v5 =	vshrl.u32 v0, $0xD;
	v1 =	vmul.u32 $0x8800, v1  }
0x276: {  	v0 =	vand.u32 $0xF800, v0;
	v2 =	vmul.u32 $0x448800, v2  }
0x277: {  	v0 =	vadd.s32 v0, v1  }
0x278: {  	v1 =	vand.u32 $0x380, v3;
	v0 =	vadd.s32 v2, v0  }
0x279: {  	v2 =	vand.u32 $0x7F, v4;
	v0 =	vor.u32 v1, v0  }
0x27a: {  	v1 =	vand.u32 $0x400, v5;
	v0 =	vor.u32 v2, v0  }
0x27b: {  	v0 =	vor.u32 v1, v0  }
0x27c: {  	[tilespmem:s28+$0xFFFFFFE0] =	vst v0  }
0x27d: {  	v0 =	vld [tilespmem:s26+$0xFFFFFFF0];
	_ =	sdelay $0x4  }
0x27e: {  	v1 =	vand.u32 $0xFF, v0;
	v2 =	vshra.s32 v0, $0x18;
	v3 =	vshrl.u32 v0, $0x1  }
0x27f: {  	v4 =	vshrl.u32 v0, $0x10;
	v5 =	vshrl.u32 v0, $0xD;
	v1 =	vmul.u32 $0x8800, v1  }
0x280: {  	v0 =	vand.u32 $0xF800, v0;
	v2 =	vmul.u32 $0x448800, v2  }
0x281: {  	v0 =	vadd.s32 v0, v1  }
0x282: {  	v1 =	vand.u32 $0x380, v3;
	v0 =	vadd.s32 v2, v0  }
0x283: {  	v2 =	vand.u32 $0x7F, v4;
	v0 =	vor.u32 v1, v0  }
0x284: {  	v1 =	vand.u32 $0x400, v5;
	v0 =	vor.u32 v2, v0  }
0x285: {  	v0 =	vor.u32 v1, v0  }
0x286: {  	[tilespmem:s28+$0xFFFFFFF0] =	vst v0  }
0x287: {  	v0 =	vld [tilespmem:s26+$0x0];
	_ =	sdelay $0x4  }
0x288: {  	v1 =	vand.u32 $0xFF, v0;
	v2 =	vshra.s32 v0, $0x18;
	v3 =	vshrl.u32 v0, $0x1  }
0x289: {  	v4 =	vshrl.u32 v0, $0x10;
	v5 =	vshrl.u32 v0, $0xD;
	v1 =	vmul.u32 $0x8800, v1  }
0x28a: {  	v0 =	vand.u32 $0xF800, v0;
	v2 =	vmul.u32 $0x448800, v2  }
0x28b: {  	v0 =	vadd.s32 v0, v1  }
0x28c: {  	v1 =	vand.u32 $0x380, v3;
	v0 =	vadd.s32 v2, v0  }
0x28d: {  	v2 =	vand.u32 $0x7F, v4;
	v0 =	vor.u32 v1, v0  }
0x28e: {  	v1 =	vand.u32 $0x400, v5;
	v0 =	vor.u32 v2, v0  }
0x28f: {  	v0 =	vor.u32 v1, v0  }
0x290: {  	[tilespmem:s28+$0x0] =	vst v0  }
0x291: {  	v0 =	vld [tilespmem:s26+$0x10];
	_ =	sdelay $0x4  }
0x292: {  	v1 =	vand.u32 $0xFF, v0;
	v2 =	vshra.s32 v0, $0x18;
	v3 =	vshrl.u32 v0, $0x1  }
0x293: {  	v4 =	vshrl.u32 v0, $0x10;
	v5 =	vshrl.u32 v0, $0xD;
	v1 =	vmul.u32 $0x8800, v1  }
0x294: {  	v0 =	vand.u32 $0xF800, v0;
	v2 =	vmul.u32 $0x448800, v2  }
0x295: {  	v0 =	vadd.s32 v0, v1  }
0x296: {  	v1 =	vand.u32 $0x380, v3;
	v0 =	vadd.s32 v2, v0  }
0x297: {  	v2 =	vand.u32 $0x7F, v4;
	v0 =	vor.u32 v1, v0  }
0x298: {  	v1 =	vand.u32 $0x400, v5;
	v0 =	vor.u32 v2, v0  }
0x299: {  	v0 =	vor.u32 v1, v0  }
0x29a: {  	[tilespmem:s28+$0x10] =	vst v0  }
0x29b: {  	v0 =	vld [tilespmem:s26+$0x20];
	_ =	sdelay $0x4  }
0x29c: {  	v1 =	vand.u32 $0xFF, v0;
	v2 =	vshra.s32 v0, $0x18;
	v3 =	vshrl.u32 v0, $0x1  }
0x29d: {  	v4 =	vshrl.u32 v0, $0x10;
	v5 =	vshrl.u32 v0, $0xD;
	v1 =	vmul.u32 $0x8800, v1  }
0x29e: {  	v0 =	vand.u32 $0xF800, v0;
	v2 =	vmul.u32 $0x448800, v2  }
0x29f: {  	v0 =	vadd.s32 v0, v1  }
0x2a0: {  	v1 =	vand.u32 $0x380, v3;
	v0 =	vadd.s32 v2, v0  }
0x2a1: {  	v2 =	vand.u32 $0x7F, v4;
	v0 =	vor.u32 v1, v0  }
0x2a2: {  	v1 =	vand.u32 $0x400, v5;
	v0 =	vor.u32 v2, v0  }
0x2a3: {  	v0 =	vor.u32 v1, v0  }
0x2a4: {  	[tilespmem:s28+$0x20] =	vst v0  }
0x2a5: {  	v0 =	vld [tilespmem:s26+$0x30];
	_ =	sdelay $0x4  }
0x2a6: {  	v1 =	vand.u32 $0xFF, v0;
	v2 =	vshra.s32 v0, $0x18;
	v3 =	vshrl.u32 v0, $0x1  }
0x2a7: {  	v4 =	vshrl.u32 v0, $0x10;
	v5 =	vshrl.u32 v0, $0xD;
	v1 =	vmul.u32 $0x8800, v1  }
0x2a8: {  	v0 =	vand.u32 $0xF800, v0;
	v2 =	vmul.u32 $0x448800, v2  }
.Ltmp3:
0x2a9: {  	v0 =	vadd.s32 v0, v1;
	(pc) =	sbr.rel @p0 .LBB2_8-.Ltmp3, $4  }
0x2aa: {  	v1 =	vand.u32 $0x380, v3;
	v0 =	vadd.s32 v2, v0  }
0x2ab: {  	v2 =	vand.u32 $0x7F, v4;
	v0 =	vor.u32 v1, v0  }
0x2ac: {  	v1 =	vand.u32 $0x400, v5;
	v0 =	vor.u32 v2, v0  }
0x2ad: {  	v0 =	vor.u32 v1, v0  }
0x2ae: {  	[tilespmem:s28+$0x30] =	vst v0  }
0x2af: {  	[tilespmem:s23], [sflag:$0x4] =	stream.indirect.gather [hbm4b:s3+s13], $0x1, s18, s13, $0xb8;
	[tilespmem:$0x10000] =	vst v63  }
0x2b0: {  	_ =	swait.ge [sflag:s20], $0x2000  }
0x2b1: {  	[sflag:s20] =	ssyncset.done $0x0  }
0x2b2: {  	[sflag:s20] =	ssyncadd.s32 $0xFFFFE000  }
0x2b3: {  	[hbm4b:s10+s2] =	stream.linear.scatter [tilespmem:s21], [sflag:$0x5], $0x2000, $0x38;
	[tilespmem:$0x10000] =	vst v63  }
0x2b4: {  	_ =	swait.ge [sflag:s22], $0x2000  }
0x2b5: {  	[sflag:s22] =	ssyncset.done $0x0  }
0x2b6: {  	[sflag:s22] =	ssyncadd.s32 $0xFFFFE000  }
0x2b7: {  	[hbm4b:s11+s2] =	stream.linear.scatter [tilespmem:s23], [sflag:$0x5], $0x2000, $0x38;
	[tilespmem:$0x10000] =	vst v63  }
0x2b8: {  	_ =	swait.ge [sflag:s24], $0x2000  }
0x2b9: {  	[sflag:s24] =	ssyncset.done $0x0  }
0x2ba: {  	[sflag:s24] =	ssyncadd.s32 $0xFFFFE000  }
0x2bb: {  	_ =	swait.ge [sflag:s24], $0x2000  }
0x2bc: {  	[sflag:s24] =	ssyncset.done $0x0  }
0x2bd: {  	s25 =	sadd.s32 $0x1, s25;
	[sflag:s24] =	ssyncadd.s32 $0xFFFFE000  }
0x2be: {  	p0 =	sne.s32 s25, s12;
	_ =	swait.ge [sflag:s24], $0x2000  }
.Ltmp4:
0x2bf: {  	[sflag:s24] =	ssyncset.done $0x0;
	(pc) =	sbr.rel @p0 .LBB2_1-.Ltmp4, $4  }
0x2c0: {  	[sflag:s24] =	ssyncadd.s32 $0xFFFFE000  }
0x2c1: {  	_ =	swait.ge [sflag:s24], $0x2000  }
0x2c2: {  	[sflag:s24] =	ssyncset.done $0x0  }
0x2c3: {  	[sflag:s24] =	ssyncadd.s32 $0xFFFFE000  }
0x2c4: {  	_ =	sfence.sel $0x180000  }
0x2c5: {  	[bflag:$0x0] =	sbarrier.arrive $0xFFFF  }
0x2c6: {  	p0 =	sne.s32 s1, $0x0;
	_ =	strace $0x90000047  }
0x2c7: {  	s0 =	sadd.s32 @!p0 $0x100000, s0;
	[bflag:$0x2] =	sbarrier.arrive $0xFFFF  }
0x2c8: {  	[sflag:s0] =	ssyncadd.tile.s32 @!p0 $0x1;
	_ =	shalt  }
.Lfunc_end2:
_tile_overlayer_lowered:
.L_overlay_start_2:
0x2c9: {  	(tag) =	ssettag $0x2  }
0x2ca: {  	s0 =	rddreg [dreg:$0x0];
	s2 =	stileid.u32  }
0x2cb: {  	s1 =	rddreg [dreg:$0x1];
	p0 =	sne.s32 s2, $0x0  }
0x2cc: {  	s3 =	rddreg [dreg:$0x2];
	[bflag:$0x3] =	sbarrier.arrive $0xFFFF;
	s2 =	simm.s32 @!p0 $0x1C06  }
0x2cd: {  	[timem:s3], [sflag:s2] =	dma.local @!p0 [hbm:s0], s1  }
0x2ce: {  	s0 =	simm.s32 @!p0 $0x6  }
0x2cf: {  	_ =	swait.ge @!p0 [sflag:s0], s1  }
0x2d0: {  	s1 =	ssub.s32 @!p0 $0x0, s1;
	[sflag:s0] =	ssyncset.done @!p0 $0x0  }
0x2d1: {  	[sflag:s0] =	ssyncadd.s32 @!p0 s1  }
0x2d2: {  	[bflag:$0x3] =	sbarrier.arrive $0xFFFF  }
0x2d3: {  	_ =	shalt  }

</sc_bundles>
